<compile_context>
chip_gen: v7x
topology: tpu7x:2x2x1
jax: 0.10.2.dev20260603
libtpu: 0.0.44.dev20260713+nightly
codegen_flags: <defaults>
</compile_context>

<pallas_src>
import functools

import jax
import jax.numpy as jnp
from jax import lax
from jax.experimental import pallas as pl
from jax.experimental.pallas import tpu as pltpu
from jax.experimental.pallas import tpu_sc as plsc

_NUM_CORES = 2
_NUM_SUBCORES = 16
_NUM_WORKERS = _NUM_CORES * _NUM_SUBCORES
_LANES = 16
_BLK = 256


def _sc_broadcast(rows, seq_len, dim, embeddings):
    full_steps = rows // _NUM_WORKERS
    rem_rows = rows - full_steps * _NUM_WORKERS
    writes_per_row = seq_len // _BLK
    rem_chunk = seq_len // _NUM_WORKERS
    n_staged = full_steps + rem_rows
    vchunks = dim // _LANES

    mesh = plsc.VectorSubcoreMesh(core_axis_name="c", subcore_axis_name="s")

    @functools.partial(
        pl.kernel,
        out_type=jax.ShapeDtypeStruct((rows, seq_len, dim), jnp.float32),
        mesh=mesh,
        scratch_types=[
            pltpu.VMEM((n_staged, dim), jnp.float32),
            pltpu.VMEM((_BLK, dim), jnp.float32),
            pltpu.VMEM((_BLK, dim), jnp.float32),
        ]
        + [pltpu.SemaphoreType.DMA] * (n_staged + 2),
    )
    def kern(emb_hbm, out_hbm, myrows, buf0, buf1, *sems):
        wid = lax.axis_index("s") * _NUM_CORES + lax.axis_index("c")
        buf = (buf0, buf1)
        ssem = sems[:n_staged]
        wsem = sems[n_staged:]

        stage = [
            pltpu.async_copy(
                emb_hbm.at[pl.ds(step * _NUM_WORKERS + wid, 1), :],
                myrows.at[pl.ds(step, 1), :],
                ssem[step],
            )
            for step in range(full_steps)
        ]
        stage += [
            pltpu.async_copy(
                emb_hbm.at[pl.ds(full_steps * _NUM_WORKERS + r, 1), :],
                myrows.at[pl.ds(full_steps + r, 1), :],
                ssem[full_steps + r],
            )
            for r in range(rem_rows)
        ]
        staged = [False] * n_staged

        def build(slot, step, ncopies):
            if not staged[step]:
                stage[step].wait()
                staged[step] = True
            regs = [myrows[step, pl.ds(v * _LANES, _LANES)] for v in range(vchunks)]

            def body(r, c):
                for v in range(vchunks):
                    buf[slot][r, pl.ds(v * _LANES, _LANES)] = regs[v]
                return c

            lax.fori_loop(0, ncopies, body, 0)

        def fire_writes(slot, row):
            return [
                pltpu.async_copy(
                    buf[slot],
                    out_hbm.at[row, pl.ds(j * _BLK, _BLK), :],
                    wsem[slot],
                )
                for j in range(writes_per_row)
            ]

        pend_w = {0: [], 1: []}

        if full_steps:
            build(0, 0, _BLK)
        for step in range(full_steps):
            slot = step % 2
            row = step * _NUM_WORKERS + wid
            pend_w[slot] = fire_writes(slot, row)
            for cp in pend_w[1 - slot]:
                cp.wait()
            pend_w[1 - slot] = []
            if step + 1 < full_steps:
                build(1 - slot, step + 1, _BLK)
            elif rem_rows:
                build(1 - slot, full_steps, rem_chunk)

        if not full_steps and rem_rows:
            build(0, 0, rem_chunk)
        for r in range(rem_rows):
            step = full_steps + r
            slot = step % 2
            row = full_steps * _NUM_WORKERS + r
            pend_w[slot] = [
                pltpu.async_copy(
                    buf[slot].at[pl.ds(0, rem_chunk), :],
                    out_hbm.at[row, pl.ds(wid * rem_chunk, rem_chunk), :],
                    wsem[slot],
                )
            ]
            for cp in pend_w[1 - slot]:
                cp.wait()
            pend_w[1 - slot] = []
            if r + 1 < rem_rows:
                build(1 - slot, step + 1, rem_chunk)

        for slot in (0, 1):
            for cp in pend_w[slot]:
                cp.wait()

    return kern(embeddings)


def kernel(time, embeddings):
    batch_size, seq_len = time.shape
    rows, dim = embeddings.shape
    return _sc_broadcast(rows, seq_len, dim, embeddings)

# --- scband reference (transcript-rebuilt; emitter-appended) ---
"""Pipeline reference for scband-relative-position-embeddings-50405736186038 (READ-ONLY COPY).

The authoritative reference and input builder live on the scoring server;
editing this copy changes nothing except your own understanding.
"""

import jax, jax.numpy as jnp
import numpy as np

MAX_REL_POS = 128
DIM = 128
BATCH = 4
SEQ_LEN = 2048


def setup_inputs(seed: int = 0) -> dict:
    key = jax.random.key(seed)
    k1, k2 = jax.random.split(key)
    time = jax.random.normal(k1, (BATCH, SEQ_LEN), dtype=jnp.float32)
    embeddings = jax.random.normal(k2, (2 * MAX_REL_POS + 1, DIM), dtype=jnp.float32) * 0.02
    return {"time": time, "embeddings": embeddings}


def reference(time, embeddings):
    # time is used only for its shape (batch_size, seq_len), matching the torch module
    batch_size, seq_len = time.shape
    max_rel_pos = (embeddings.shape[0] - 1) // 2
    rel_pos = jnp.arange(-max_rel_pos, max_rel_pos + 1, dtype=jnp.int32)
    rel_pos = jnp.tile(rel_pos[None, :], (seq_len, 1))  # [seq_len, 2*max+1]
    rel_pos = rel_pos.T  # [2*max+1, seq_len]
    idx = rel_pos + max_rel_pos
    # embedding lookup -> gather rows of the table
    out = jnp.take(embeddings, idx, axis=0)  # [2*max+1, seq_len, dim]
    return out

if __name__ == "__main__":
    import jax
    _d = setup_inputs()
    print(jax.jit(kernel)(*tuple(_d.values())))

</pallas_src>

<mosaic_0001>
#map = affine_map<(d0, d1) -> (0, 0)>
#map1 = affine_map<(d0, d1) -> (0, 0, 0)>
module attributes {stable_mosaic.version = 14 : i64} {
  func.func @kern(%arg0: i32, %arg1: i32, %arg2: memref<257x128xf32, #tpu.memory_space<hbm>>, %arg3: memref<257x2048x128xf32, #tpu.memory_space<hbm>>, %arg4: memref<9x128xf32, #tpu.memory_space<vmem>>, %arg5: memref<256x128xf32, #tpu.memory_space<vmem>>, %arg6: memref<256x128xf32, #tpu.memory_space<vmem>>, %arg7: memref<!tpu.dma_semaphore, #tpu.memory_space<semaphore_mem>>, %arg8: memref<!tpu.dma_semaphore, #tpu.memory_space<semaphore_mem>>, %arg9: memref<!tpu.dma_semaphore, #tpu.memory_space<semaphore_mem>>, %arg10: memref<!tpu.dma_semaphore, #tpu.memory_space<semaphore_mem>>, %arg11: memref<!tpu.dma_semaphore, #tpu.memory_space<semaphore_mem>>, %arg12: memref<!tpu.dma_semaphore, #tpu.memory_space<semaphore_mem>>, %arg13: memref<!tpu.dma_semaphore, #tpu.memory_space<semaphore_mem>>, %arg14: memref<!tpu.dma_semaphore, #tpu.memory_space<semaphore_mem>>, %arg15: memref<!tpu.dma_semaphore, #tpu.memory_space<semaphore_mem>>, %arg16: memref<!tpu.dma_semaphore, #tpu.memory_space<semaphore_mem>>, %arg17: memref<!tpu.dma_semaphore, #tpu.memory_space<semaphore_mem>>) attributes {dimension_semantics = [#tpu.dimension_semantics<core_parallel>, #tpu.dimension_semantics<subcore_parallel>], iteration_bounds = array<i64: 2, 16>, scalar_prefetch = 0 : i64, scratch_operands = 14 : i64, tpu.core_type = #tpu.core_type<sc_vector_subcore>, window_params = [{transform_indices = #map}, {transform_indices = #map1}]} {
    %mul3A = arith.constant 2 : i32
    %mul3A_0 = arith.muli %arg1, %mul3A : i32
    %add3A = arith.addi %mul3A_0, %arg0 : i32
    %add3A_1 = arith.constant 0 : i32
    %add3A_2 = arith.addi %add3A_1, %add3A : i32
    %dma_start3A = arith.constant 0 : i32
    %dma_start3A_3 = arith.constant 0 : i32
    %dma_start3A_4 = tpu.memref_slice %arg4[%dma_start3A, %dma_start3A_3] : memref<9x128xf32, #tpu.memory_space<vmem>> -> memref<1x128xf32, #tpu.memory_space<vmem>>
    %dma_start3A_5 = arith.constant 0 : i32
    %dma_start3A_6 = tpu.memref_slice %arg2[%add3A_2, %dma_start3A_5] : memref<257x128xf32, #tpu.memory_space<hbm>> -> memref<1x128xf32, #tpu.memory_space<hbm>>
    %dma_start3A_7 = arith.constant 0 : i32
    %dma_start3A_8 = arith.constant 0 : i32
    %dma_start3A_9 = tpu.memref_slice %arg4[%dma_start3A_7, %dma_start3A_8] : memref<9x128xf32, #tpu.memory_space<vmem>> -> memref<1x128xf32, #tpu.memory_space<vmem>>
    %dma_start3A_10 = arith.constant 0 : i32
    %dma_start3A_11 = tpu.memref_slice %arg2[%add3A_2, %dma_start3A_10] : memref<257x128xf32, #tpu.memory_space<hbm>> -> memref<1x128xf32, #tpu.memory_space<hbm>>
    tpu.enqueue_dma source(%dma_start3A_11 : memref<1x128xf32, #tpu.memory_space<hbm>>) target(%dma_start3A_9 : memref<1x128xf32, #tpu.memory_space<vmem>>) target_semaphore(%arg7 : memref<!tpu.dma_semaphore, #tpu.memory_space<semaphore_mem>>)
    %add3A_12 = arith.constant 32 : i32
    %add3A_13 = arith.addi %add3A_12, %add3A : i32
    %dma_start3A_14 = arith.constant 1 : i32
    %dma_start3A_15 = arith.constant 0 : i32
    %dma_start3A_16 = tpu.memref_slice %arg4[%dma_start3A_14, %dma_start3A_15] : memref<9x128xf32, #tpu.memory_space<vmem>> -> memref<1x128xf32, #tpu.memory_space<vmem>>
    %dma_start3A_17 = arith.constant 0 : i32
    %dma_start3A_18 = tpu.memref_slice %arg2[%add3A_13, %dma_start3A_17] : memref<257x128xf32, #tpu.memory_space<hbm>> -> memref<1x128xf32, #tpu.memory_space<hbm>>
    %dma_start3A_19 = arith.constant 1 : i32
    %dma_start3A_20 = arith.constant 0 : i32
    %dma_start3A_21 = tpu.memref_slice %arg4[%dma_start3A_19, %dma_start3A_20] : memref<9x128xf32, #tpu.memory_space<vmem>> -> memref<1x128xf32, #tpu.memory_space<vmem>>
    %dma_start3A_22 = arith.constant 0 : i32
    %dma_start3A_23 = tpu.memref_slice %arg2[%add3A_13, %dma_start3A_22] : memref<257x128xf32, #tpu.memory_space<hbm>> -> memref<1x128xf32, #tpu.memory_space<hbm>>
    tpu.enqueue_dma source(%dma_start3A_23 : memref<1x128xf32, #tpu.memory_space<hbm>>) target(%dma_start3A_21 : memref<1x128xf32, #tpu.memory_space<vmem>>) target_semaphore(%arg8 : memref<!tpu.dma_semaphore, #tpu.memory_space<semaphore_mem>>)
    %add3A_24 = arith.constant 64 : i32
    %add3A_25 = arith.addi %add3A_24, %add3A : i32
    %dma_start3A_26 = arith.constant 2 : i32
    %dma_start3A_27 = arith.constant 0 : i32
    %dma_start3A_28 = tpu.memref_slice %arg4[%dma_start3A_26, %dma_start3A_27] : memref<9x128xf32, #tpu.memory_space<vmem>> -> memref<1x128xf32, #tpu.memory_space<vmem>>
    %dma_start3A_29 = arith.constant 0 : i32
    %dma_start3A_30 = tpu.memref_slice %arg2[%add3A_25, %dma_start3A_29] : memref<257x128xf32, #tpu.memory_space<hbm>> -> memref<1x128xf32, #tpu.memory_space<hbm>>
    %dma_start3A_31 = arith.constant 2 : i32
    %dma_start3A_32 = arith.constant 0 : i32
    %dma_start3A_33 = tpu.memref_slice %arg4[%dma_start3A_31, %dma_start3A_32] : memref<9x128xf32, #tpu.memory_space<vmem>> -> memref<1x128xf32, #tpu.memory_space<vmem>>
    %dma_start3A_34 = arith.constant 0 : i32
    %dma_start3A_35 = tpu.memref_slice %arg2[%add3A_25, %dma_start3A_34] : memref<257x128xf32, #tpu.memory_space<hbm>> -> memref<1x128xf32, #tpu.memory_space<hbm>>
    tpu.enqueue_dma source(%dma_start3A_35 : memref<1x128xf32, #tpu.memory_space<hbm>>) target(%dma_start3A_33 : memref<1x128xf32, #tpu.memory_space<vmem>>) target_semaphore(%arg9 : memref<!tpu.dma_semaphore, #tpu.memory_space<semaphore_mem>>)
    %add3A_36 = arith.constant 96 : i32
    %add3A_37 = arith.addi %add3A_36, %add3A : i32
    %dma_start3A_38 = arith.constant 3 : i32
    %dma_start3A_39 = arith.constant 0 : i32
    %dma_start3A_40 = tpu.memref_slice %arg4[%dma_start3A_38, %dma_start3A_39] : memref<9x128xf32, #tpu.memory_space<vmem>> -> memref<1x128xf32, #tpu.memory_space<vmem>>
    %dma_start3A_41 = arith.constant 0 : i32
    %dma_start3A_42 = tpu.memref_slice %arg2[%add3A_37, %dma_start3A_41] : memref<257x128xf32, #tpu.memory_space<hbm>> -> memref<1x128xf32, #tpu.memory_space<hbm>>
    %dma_start3A_43 = arith.constant 3 : i32
    %dma_start3A_44 = arith.constant 0 : i32
    %dma_start3A_45 = tpu.memref_slice %arg4[%dma_start3A_43, %dma_start3A_44] : memref<9x128xf32, #tpu.memory_space<vmem>> -> memref<1x128xf32, #tpu.memory_space<vmem>>
    %dma_start3A_46 = arith.constant 0 : i32
    %dma_start3A_47 = tpu.memref_slice %arg2[%add3A_37, %dma_start3A_46] : memref<257x128xf32, #tpu.memory_space<hbm>> -> memref<1x128xf32, #tpu.memory_space<hbm>>
    tpu.enqueue_dma source(%dma_start3A_47 : memref<1x128xf32, #tpu.memory_space<hbm>>) target(%dma_start3A_45 : memref<1x128xf32, #tpu.memory_space<vmem>>) target_semaphore(%arg10 : memref<!tpu.dma_semaphore, #tpu.memory_space<semaphore_mem>>)
    %add3A_48 = arith.constant 128 : i32
    %add3A_49 = arith.addi %add3A_48, %add3A : i32
    %dma_start3A_50 = arith.constant 4 : i32
    %dma_start3A_51 = arith.constant 0 : i32
    %dma_start3A_52 = tpu.memref_slice %arg4[%dma_start3A_50, %dma_start3A_51] : memref<9x128xf32, #tpu.memory_space<vmem>> -> memref<1x128xf32, #tpu.memory_space<vmem>>
    %dma_start3A_53 = arith.constant 0 : i32
    %dma_start3A_54 = tpu.memref_slice %arg2[%add3A_49, %dma_start3A_53] : memref<257x128xf32, #tpu.memory_space<hbm>> -> memref<1x128xf32, #tpu.memory_space<hbm>>
    %dma_start3A_55 = arith.constant 4 : i32
    %dma_start3A_56 = arith.constant 0 : i32
    %dma_start3A_57 = tpu.memref_slice %arg4[%dma_start3A_55, %dma_start3A_56] : memref<9x128xf32, #tpu.memory_space<vmem>> -> memref<1x128xf32, #tpu.memory_space<vmem>>
    %dma_start3A_58 = arith.constant 0 : i32
    %dma_start3A_59 = tpu.memref_slice %arg2[%add3A_49, %dma_start3A_58] : memref<257x128xf32, #tpu.memory_space<hbm>> -> memref<1x128xf32, #tpu.memory_space<hbm>>
    tpu.enqueue_dma source(%dma_start3A_59 : memref<1x128xf32, #tpu.memory_space<hbm>>) target(%dma_start3A_57 : memref<1x128xf32, #tpu.memory_space<vmem>>) target_semaphore(%arg11 : memref<!tpu.dma_semaphore, #tpu.memory_space<semaphore_mem>>)
    %add3A_60 = arith.constant 160 : i32
    %add3A_61 = arith.addi %add3A_60, %add3A : i32
    %dma_start3A_62 = arith.constant 5 : i32
    %dma_start3A_63 = arith.constant 0 : i32
    %dma_start3A_64 = tpu.memref_slice %arg4[%dma_start3A_62, %dma_start3A_63] : memref<9x128xf32, #tpu.memory_space<vmem>> -> memref<1x128xf32, #tpu.memory_space<vmem>>
    %dma_start3A_65 = arith.constant 0 : i32
    %dma_start3A_66 = tpu.memref_slice %arg2[%add3A_61, %dma_start3A_65] : memref<257x128xf32, #tpu.memory_space<hbm>> -> memref<1x128xf32, #tpu.memory_space<hbm>>
    %dma_start3A_67 = arith.constant 5 : i32
    %dma_start3A_68 = arith.constant 0 : i32
    %dma_start3A_69 = tpu.memref_slice %arg4[%dma_start3A_67, %dma_start3A_68] : memref<9x128xf32, #tpu.memory_space<vmem>> -> memref<1x128xf32, #tpu.memory_space<vmem>>
    %dma_start3A_70 = arith.constant 0 : i32
    %dma_start3A_71 = tpu.memref_slice %arg2[%add3A_61, %dma_start3A_70] : memref<257x128xf32, #tpu.memory_space<hbm>> -> memref<1x128xf32, #tpu.memory_space<hbm>>
    tpu.enqueue_dma source(%dma_start3A_71 : memref<1x128xf32, #tpu.memory_space<hbm>>) target(%dma_start3A_69 : memref<1x128xf32, #tpu.memory_space<vmem>>) target_semaphore(%arg12 : memref<!tpu.dma_semaphore, #tpu.memory_space<semaphore_mem>>)
    %add3A_72 = arith.constant 192 : i32
    %add3A_73 = arith.addi %add3A_72, %add3A : i32
    %dma_start3A_74 = arith.constant 6 : i32
    %dma_start3A_75 = arith.constant 0 : i32
    %dma_start3A_76 = tpu.memref_slice %arg4[%dma_start3A_74, %dma_start3A_75] : memref<9x128xf32, #tpu.memory_space<vmem>> -> memref<1x128xf32, #tpu.memory_space<vmem>>
    %dma_start3A_77 = arith.constant 0 : i32
    %dma_start3A_78 = tpu.memref_slice %arg2[%add3A_73, %dma_start3A_77] : memref<257x128xf32, #tpu.memory_space<hbm>> -> memref<1x128xf32, #tpu.memory_space<hbm>>
    %dma_start3A_79 = arith.constant 6 : i32
    %dma_start3A_80 = arith.constant 0 : i32
    %dma_start3A_81 = tpu.memref_slice %arg4[%dma_start3A_79, %dma_start3A_80] : memref<9x128xf32, #tpu.memory_space<vmem>> -> memref<1x128xf32, #tpu.memory_space<vmem>>
    %dma_start3A_82 = arith.constant 0 : i32
    %dma_start3A_83 = tpu.memref_slice %arg2[%add3A_73, %dma_start3A_82] : memref<257x128xf32, #tpu.memory_space<hbm>> -> memref<1x128xf32, #tpu.memory_space<hbm>>
    tpu.enqueue_dma source(%dma_start3A_83 : memref<1x128xf32, #tpu.memory_space<hbm>>) target(%dma_start3A_81 : memref<1x128xf32, #tpu.memory_space<vmem>>) target_semaphore(%arg13 : memref<!tpu.dma_semaphore, #tpu.memory_space<semaphore_mem>>)
    %add3A_84 = arith.constant 224 : i32
    %add3A_85 = arith.addi %add3A_84, %add3A : i32
    %dma_start3A_86 = arith.constant 7 : i32
    %dma_start3A_87 = arith.constant 0 : i32
    %dma_start3A_88 = tpu.memref_slice %arg4[%dma_start3A_86, %dma_start3A_87] : memref<9x128xf32, #tpu.memory_space<vmem>> -> memref<1x128xf32, #tpu.memory_space<vmem>>
    %dma_start3A_89 = arith.constant 0 : i32
    %dma_start3A_90 = tpu.memref_slice %arg2[%add3A_85, %dma_start3A_89] : memref<257x128xf32, #tpu.memory_space<hbm>> -> memref<1x128xf32, #tpu.memory_space<hbm>>
    %dma_start3A_91 = arith.constant 7 : i32
    %dma_start3A_92 = arith.constant 0 : i32
    %dma_start3A_93 = tpu.memref_slice %arg4[%dma_start3A_91, %dma_start3A_92] : memref<9x128xf32, #tpu.memory_space<vmem>> -> memref<1x128xf32, #tpu.memory_space<vmem>>
    %dma_start3A_94 = arith.constant 0 : i32
    %dma_start3A_95 = tpu.memref_slice %arg2[%add3A_85, %dma_start3A_94] : memref<257x128xf32, #tpu.memory_space<hbm>> -> memref<1x128xf32, #tpu.memory_space<hbm>>
    tpu.enqueue_dma source(%dma_start3A_95 : memref<1x128xf32, #tpu.memory_space<hbm>>) target(%dma_start3A_93 : memref<1x128xf32, #tpu.memory_space<vmem>>) target_semaphore(%arg14 : memref<!tpu.dma_semaphore, #tpu.memory_space<semaphore_mem>>)
    %dma_start3A_96 = arith.constant 8 : i32
    %dma_start3A_97 = arith.constant 0 : i32
    %dma_start3A_98 = tpu.memref_slice %arg4[%dma_start3A_96, %dma_start3A_97] : memref<9x128xf32, #tpu.memory_space<vmem>> -> memref<1x128xf32, #tpu.memory_space<vmem>>
    %dma_start3A_99 = arith.constant 256 : i32
    %dma_start3A_100 = arith.constant 0 : i32
    %dma_start3A_101 = tpu.memref_slice %arg2[%dma_start3A_99, %dma_start3A_100] : memref<257x128xf32, #tpu.memory_space<hbm>> -> memref<1x128xf32, #tpu.memory_space<hbm>>
    %dma_start3A_102 = arith.constant 8 : i32
    %dma_start3A_103 = arith.constant 0 : i32
    %dma_start3A_104 = tpu.memref_slice %arg4[%dma_start3A_102, %dma_start3A_103] : memref<9x128xf32, #tpu.memory_space<vmem>> -> memref<1x128xf32, #tpu.memory_space<vmem>>
    %dma_start3A_105 = arith.constant 256 : i32
    %dma_start3A_106 = arith.constant 0 : i32
    %dma_start3A_107 = tpu.memref_slice %arg2[%dma_start3A_105, %dma_start3A_106] : memref<257x128xf32, #tpu.memory_space<hbm>> -> memref<1x128xf32, #tpu.memory_space<hbm>>
    tpu.enqueue_dma source(%dma_start3A_107 : memref<1x128xf32, #tpu.memory_space<hbm>>) target(%dma_start3A_104 : memref<1x128xf32, #tpu.memory_space<vmem>>) target_semaphore(%arg15 : memref<!tpu.dma_semaphore, #tpu.memory_space<semaphore_mem>>)
    %dma_wait3A = arith.constant 0 : i32
    %dma_wait3A_108 = arith.constant 0 : i32
    %dma_wait3A_109 = tpu.memref_slice %arg4[%dma_wait3A, %dma_wait3A_108] : memref<9x128xf32, #tpu.memory_space<vmem>> -> memref<1x128xf32, #tpu.memory_space<vmem>>
    %dma_wait3A_110 = arith.constant 0 : i32
    %dma_wait3A_111 = tpu.memref_slice %arg2[%add3A_2, %dma_wait3A_110] : memref<257x128xf32, #tpu.memory_space<hbm>> -> memref<1x128xf32, #tpu.memory_space<hbm>>
    %dma_wait3A_112 = arith.constant 0 : i32
    %dma_wait3A_113 = arith.constant 0 : i32
    %dma_wait3A_114 = tpu.memref_slice %arg4[%dma_wait3A_112, %dma_wait3A_113] : memref<9x128xf32, #tpu.memory_space<vmem>> -> memref<1x128xf32, #tpu.memory_space<vmem>>
    %dma_wait3A_115 = arith.constant 0 : i32
    %dma_wait3A_116 = tpu.memref_slice %arg2[%add3A_2, %dma_wait3A_115] : memref<257x128xf32, #tpu.memory_space<hbm>> -> memref<1x128xf32, #tpu.memory_space<hbm>>
    tpu.wait_dma2 semaphore(%arg7 : memref<!tpu.dma_semaphore, #tpu.memory_space<semaphore_mem>>) src(%dma_wait3A_116 : memref<1x128xf32, #tpu.memory_space<hbm>>) dst(%dma_wait3A_114 : memref<1x128xf32, #tpu.memory_space<vmem>>)
    %get3A = arith.constant 0 : i32
    %get3A_117 = arith.index_cast %get3A : i32 to index
    %get3A_118 = arith.constant 0 : index
    %get3A_119 = tpu.vector_load %arg4[%get3A_117, %get3A_118] {strides = array<i32>} : memref<9x128xf32, #tpu.memory_space<vmem>>, vector<1x16xf32>,
    %get3A_120 = vector.shape_cast %get3A_119 : vector<1x16xf32> to vector<16xf32>
    %get3A_121 = arith.constant 0 : i32
    %get3A_122 = arith.index_cast %get3A_121 : i32 to index
    %get3A_123 = arith.constant 16 : index
    %get3A_124 = tpu.vector_load %arg4[%get3A_122, %get3A_123] {strides = array<i32>} : memref<9x128xf32, #tpu.memory_space<vmem>>, vector<1x16xf32>,
    %get3A_125 = vector.shape_cast %get3A_124 : vector<1x16xf32> to vector<16xf32>
    %get3A_126 = arith.constant 0 : i32
    %get3A_127 = arith.index_cast %get3A_126 : i32 to index
    %get3A_128 = arith.constant 32 : index
    %get3A_129 = tpu.vector_load %arg4[%get3A_127, %get3A_128] {strides = array<i32>} : memref<9x128xf32, #tpu.memory_space<vmem>>, vector<1x16xf32>,
    %get3A_130 = vector.shape_cast %get3A_129 : vector<1x16xf32> to vector<16xf32>
    %get3A_131 = arith.constant 0 : i32
    %get3A_132 = arith.index_cast %get3A_131 : i32 to index
    %get3A_133 = arith.constant 48 : index
    %get3A_134 = tpu.vector_load %arg4[%get3A_132, %get3A_133] {strides = array<i32>} : memref<9x128xf32, #tpu.memory_space<vmem>>, vector<1x16xf32>,
    %get3A_135 = vector.shape_cast %get3A_134 : vector<1x16xf32> to vector<16xf32>
    %get3A_136 = arith.constant 0 : i32
    %get3A_137 = arith.index_cast %get3A_136 : i32 to index
    %get3A_138 = arith.constant 64 : index
    %get3A_139 = tpu.vector_load %arg4[%get3A_137, %get3A_138] {strides = array<i32>} : memref<9x128xf32, #tpu.memory_space<vmem>>, vector<1x16xf32>,
    %get3A_140 = vector.shape_cast %get3A_139 : vector<1x16xf32> to vector<16xf32>
    %get3A_141 = arith.constant 0 : i32
    %get3A_142 = arith.index_cast %get3A_141 : i32 to index
    %get3A_143 = arith.constant 80 : index
    %get3A_144 = tpu.vector_load %arg4[%get3A_142, %get3A_143] {strides = array<i32>} : memref<9x128xf32, #tpu.memory_space<vmem>>, vector<1x16xf32>,
    %get3A_145 = vector.shape_cast %get3A_144 : vector<1x16xf32> to vector<16xf32>
    %get3A_146 = arith.constant 0 : i32
    %get3A_147 = arith.index_cast %get3A_146 : i32 to index
    %get3A_148 = arith.constant 96 : index
    %get3A_149 = tpu.vector_load %arg4[%get3A_147, %get3A_148] {strides = array<i32>} : memref<9x128xf32, #tpu.memory_space<vmem>>, vector<1x16xf32>,
    %get3A_150 = vector.shape_cast %get3A_149 : vector<1x16xf32> to vector<16xf32>
    %get3A_151 = arith.constant 0 : i32
    %get3A_152 = arith.index_cast %get3A_151 : i32 to index
    %get3A_153 = arith.constant 112 : index
    %get3A_154 = tpu.vector_load %arg4[%get3A_152, %get3A_153] {strides = array<i32>} : memref<9x128xf32, #tpu.memory_space<vmem>>, vector<1x16xf32>,
    %get3A_155 = vector.shape_cast %get3A_154 : vector<1x16xf32> to vector<16xf32>
    %scan3A = arith.constant 0 : i32
    %scan3A_156 = arith.constant 0 : i32
    %scan3A_157 = arith.constant 256 : i32
    %scan3A_158 = arith.addi %scan3A_156, %scan3A_157 : i32
    %scan3A_159 = arith.constant 1 : i32
    scf.for %scan3A_1679 = %scan3A_156 to %scan3A_158 step %scan3A_159  : i32 {
      %swap3A = arith.index_cast %scan3A_1679 : i32 to index
      %swap3A_1680 = arith.constant 0 : index
      %swap3A_1681 = tpu.vector_load %arg5[%swap3A, %swap3A_1680] {strides = array<i32>} : memref<256x128xf32, #tpu.memory_space<vmem>>, vector<1x16xf32>,
      %swap3A_1682 = vector.shape_cast %swap3A_1681 : vector<1x16xf32> to vector<16xf32>
      %swap3A_1683 = vector.shape_cast %get3A_120 : vector<16xf32> to vector<1x16xf32>
      tpu.vector_store %arg5[%swap3A, %swap3A_1680], %swap3A_1683 {strides = array<i32>} : memref<256x128xf32, #tpu.memory_space<vmem>>, vector<1x16xf32>,
      %swap3A_1684 = arith.index_cast %scan3A_1679 : i32 to index
      %swap3A_1685 = arith.constant 16 : index
      %swap3A_1686 = tpu.vector_load %arg5[%swap3A_1684, %swap3A_1685] {strides = array<i32>} : memref<256x128xf32, #tpu.memory_space<vmem>>, vector<1x16xf32>,
      %swap3A_1687 = vector.shape_cast %swap3A_1686 : vector<1x16xf32> to vector<16xf32>
      %swap3A_1688 = vector.shape_cast %get3A_125 : vector<16xf32> to vector<1x16xf32>
      tpu.vector_store %arg5[%swap3A_1684, %swap3A_1685], %swap3A_1688 {strides = array<i32>} : memref<256x128xf32, #tpu.memory_space<vmem>>, vector<1x16xf32>,
      %swap3A_1689 = arith.index_cast %scan3A_1679 : i32 to index
      %swap3A_1690 = arith.constant 32 : index
      %swap3A_1691 = tpu.vector_load %arg5[%swap3A_1689, %swap3A_1690] {strides = array<i32>} : memref<256x128xf32, #tpu.memory_space<vmem>>, vector<1x16xf32>,
      %swap3A_1692 = vector.shape_cast %swap3A_1691 : vector<1x16xf32> to vector<16xf32>
      %swap3A_1693 = vector.shape_cast %get3A_130 : vector<16xf32> to vector<1x16xf32>
      tpu.vector_store %arg5[%swap3A_1689, %swap3A_1690], %swap3A_1693 {strides = array<i32>} : memref<256x128xf32, #tpu.memory_space<vmem>>, vector<1x16xf32>,
      %swap3A_1694 = arith.index_cast %scan3A_1679 : i32 to index
      %swap3A_1695 = arith.constant 48 : index
      %swap3A_1696 = tpu.vector_load %arg5[%swap3A_1694, %swap3A_1695] {strides = array<i32>} : memref<256x128xf32, #tpu.memory_space<vmem>>, vector<1x16xf32>,
      %swap3A_1697 = vector.shape_cast %swap3A_1696 : vector<1x16xf32> to vector<16xf32>
      %swap3A_1698 = vector.shape_cast %get3A_135 : vector<16xf32> to vector<1x16xf32>
      tpu.vector_store %arg5[%swap3A_1694, %swap3A_1695], %swap3A_1698 {strides = array<i32>} : memref<256x128xf32, #tpu.memory_space<vmem>>, vector<1x16xf32>,
      %swap3A_1699 = arith.index_cast %scan3A_1679 : i32 to index
      %swap3A_1700 = arith.constant 64 : index
      %swap3A_1701 = tpu.vector_load %arg5[%swap3A_1699, %swap3A_1700] {strides = array<i32>} : memref<256x128xf32, #tpu.memory_space<vmem>>, vector<1x16xf32>,
      %swap3A_1702 = vector.shape_cast %swap3A_1701 : vector<1x16xf32> to vector<16xf32>
      %swap3A_1703 = vector.shape_cast %get3A_140 : vector<16xf32> to vector<1x16xf32>
      tpu.vector_store %arg5[%swap3A_1699, %swap3A_1700], %swap3A_1703 {strides = array<i32>} : memref<256x128xf32, #tpu.memory_space<vmem>>, vector<1x16xf32>,
      %swap3A_1704 = arith.index_cast %scan3A_1679 : i32 to index
      %swap3A_1705 = arith.constant 80 : index
      %swap3A_1706 = tpu.vector_load %arg5[%swap3A_1704, %swap3A_1705] {strides = array<i32>} : memref<256x128xf32, #tpu.memory_space<vmem>>, vector<1x16xf32>,
      %swap3A_1707 = vector.shape_cast %swap3A_1706 : vector<1x16xf32> to vector<16xf32>
      %swap3A_1708 = vector.shape_cast %get3A_145 : vector<16xf32> to vector<1x16xf32>
      tpu.vector_store %arg5[%swap3A_1704, %swap3A_1705], %swap3A_1708 {strides = array<i32>} : memref<256x128xf32, #tpu.memory_space<vmem>>, vector<1x16xf32>,
      %swap3A_1709 = arith.index_cast %scan3A_1679 : i32 to index
      %swap3A_1710 = arith.constant 96 : index
      %swap3A_1711 = tpu.vector_load %arg5[%swap3A_1709, %swap3A_1710] {strides = array<i32>} : memref<256x128xf32, #tpu.memory_space<vmem>>, vector<1x16xf32>,
      %swap3A_1712 = vector.shape_cast %swap3A_1711 : vector<1x16xf32> to vector<16xf32>
      %swap3A_1713 = vector.shape_cast %get3A_150 : vector<16xf32> to vector<1x16xf32>
      tpu.vector_store %arg5[%swap3A_1709, %swap3A_1710], %swap3A_1713 {strides = array<i32>} : memref<256x128xf32, #tpu.memory_space<vmem>>, vector<1x16xf32>,
      %swap3A_1714 = arith.index_cast %scan3A_1679 : i32 to index
      %swap3A_1715 = arith.constant 112 : index
      %swap3A_1716 = tpu.vector_load %arg5[%swap3A_1714, %swap3A_1715] {strides = array<i32>} : memref<256x128xf32, #tpu.memory_space<vmem>>, vector<1x16xf32>,
      %swap3A_1717 = vector.shape_cast %swap3A_1716 : vector<1x16xf32> to vector<16xf32>
      %swap3A_1718 = vector.shape_cast %get3A_155 : vector<16xf32> to vector<1x16xf32>
      tpu.vector_store %arg5[%swap3A_1714, %swap3A_1715], %swap3A_1718 {strides = array<i32>} : memref<256x128xf32, #tpu.memory_space<vmem>>, vector<1x16xf32>,
    }
    %scan3A_160 = arith.constant 256 : i32
    %add3A_161 = arith.constant 0 : i32
    %add3A_162 = arith.addi %add3A_161, %add3A : i32
    %dma_start3A_163 = arith.constant 0 : i32
    %dma_start3A_164 = arith.constant 0 : i32
    %dma_start3A_165 = tpu.memref_slice %arg3[%add3A_162, %dma_start3A_163, %dma_start3A_164] : memref<257x2048x128xf32, #tpu.memory_space<hbm>> -> memref<1x256x128xf32, #tpu.memory_space<hbm>>
    %dma_start3A_166 = tpu.memref_squeeze %dma_start3A_165 : memref<1x256x128xf32, #tpu.memory_space<hbm>> -> memref<256x128xf32, #tpu.memory_space<hbm>>
    %dma_start3A_167 = arith.constant 0 : i32
    %dma_start3A_168 = arith.constant 0 : i32
    %dma_start3A_169 = tpu.memref_slice %arg3[%add3A_162, %dma_start3A_167, %dma_start3A_168] : memref<257x2048x128xf32, #tpu.memory_space<hbm>> -> memref<1x256x128xf32, #tpu.memory_space<hbm>>
    %dma_start3A_170 = tpu.memref_squeeze %dma_start3A_169 : memref<1x256x128xf32, #tpu.memory_space<hbm>> -> memref<256x128xf32, #tpu.memory_space<hbm>>
    tpu.enqueue_dma source(%arg5 : memref<256x128xf32, #tpu.memory_space<vmem>>) target(%dma_start3A_170 : memref<256x128xf32, #tpu.memory_space<hbm>>) target_semaphore(%arg16 : memref<!tpu.dma_semaphore, #tpu.memory_space<semaphore_mem>>)
    %dma_start3A_171 = arith.constant 256 : i32
    %dma_start3A_172 = arith.constant 0 : i32
    %dma_start3A_173 = tpu.memref_slice %arg3[%add3A_162, %dma_start3A_171, %dma_start3A_172] : memref<257x2048x128xf32, #tpu.memory_space<hbm>> -> memref<1x256x128xf32, #tpu.memory_space<hbm>>
    %dma_start3A_174 = tpu.memref_squeeze %dma_start3A_173 : memref<1x256x128xf32, #tpu.memory_space<hbm>> -> memref<256x128xf32, #tpu.memory_space<hbm>>
    %dma_start3A_175 = arith.constant 256 : i32
    %dma_start3A_176 = arith.constant 0 : i32
    %dma_start3A_177 = tpu.memref_slice %arg3[%add3A_162, %dma_start3A_175, %dma_start3A_176] : memref<257x2048x128xf32, #tpu.memory_space<hbm>> -> memref<1x256x128xf32, #tpu.memory_space<hbm>>
    %dma_start3A_178 = tpu.memref_squeeze %dma_start3A_177 : memref<1x256x128xf32, #tpu.memory_space<hbm>> -> memref<256x128xf32, #tpu.memory_space<hbm>>
    tpu.enqueue_dma source(%arg5 : memref<256x128xf32, #tpu.memory_space<vmem>>) target(%dma_start3A_178 : memref<256x128xf32, #tpu.memory_space<hbm>>) target_semaphore(%arg16 : memref<!tpu.dma_semaphore, #tpu.memory_space<semaphore_mem>>)
    %dma_start3A_179 = arith.constant 512 : i32
    %dma_start3A_180 = arith.constant 0 : i32
    %dma_start3A_181 = tpu.memref_slice %arg3[%add3A_162, %dma_start3A_179, %dma_start3A_180] : memref<257x2048x128xf32, #tpu.memory_space<hbm>> -> memref<1x256x128xf32, #tpu.memory_space<hbm>>
    %dma_start3A_182 = tpu.memref_squeeze %dma_start3A_181 : memref<1x256x128xf32, #tpu.memory_space<hbm>> -> memref<256x128xf32, #tpu.memory_space<hbm>>
    %dma_start3A_183 = arith.constant 512 : i32
    %dma_start3A_184 = arith.constant 0 : i32
    %dma_start3A_185 = tpu.memref_slice %arg3[%add3A_162, %dma_start3A_183, %dma_start3A_184] : memref<257x2048x128xf32, #tpu.memory_space<hbm>> -> memref<1x256x128xf32, #tpu.memory_space<hbm>>
    %dma_start3A_186 = tpu.memref_squeeze %dma_start3A_185 : memref<1x256x128xf32, #tpu.memory_space<hbm>> -> memref<256x128xf32, #tpu.memory_space<hbm>>
    tpu.enqueue_dma source(%arg5 : memref<256x128xf32, #tpu.memory_space<vmem>>) target(%dma_start3A_186 : memref<256x128xf32, #tpu.memory_space<hbm>>) target_semaphore(%arg16 : memref<!tpu.dma_semaphore, #tpu.memory_space<semaphore_mem>>)
    %dma_start3A_187 = arith.constant 768 : i32
    %dma_start3A_188 = arith.constant 0 : i32
    %dma_start3A_189 = tpu.memref_slice %arg3[%add3A_162, %dma_start3A_187, %dma_start3A_188] : memref<257x2048x128xf32, #tpu.memory_space<hbm>> -> memref<1x256x128xf32, #tpu.memory_space<hbm>>
    %dma_start3A_190 = tpu.memref_squeeze %dma_start3A_189 : memref<1x256x128xf32, #tpu.memory_space<hbm>> -> memref<256x128xf32, #tpu.memory_space<hbm>>
    %dma_start3A_191 = arith.constant 768 : i32
    %dma_start3A_192 = arith.constant 0 : i32
    %dma_start3A_193 = tpu.memref_slice %arg3[%add3A_162, %dma_start3A_191, %dma_start3A_192] : memref<257x2048x128xf32, #tpu.memory_space<hbm>> -> memref<1x256x128xf32, #tpu.memory_space<hbm>>
    %dma_start3A_194 = tpu.memref_squeeze %dma_start3A_193 : memref<1x256x128xf32, #tpu.memory_space<hbm>> -> memref<256x128xf32, #tpu.memory_space<hbm>>
    tpu.enqueue_dma source(%arg5 : memref<256x128xf32, #tpu.memory_space<vmem>>) target(%dma_start3A_194 : memref<256x128xf32, #tpu.memory_space<hbm>>) target_semaphore(%arg16 : memref<!tpu.dma_semaphore, #tpu.memory_space<semaphore_mem>>)
    %dma_start3A_195 = arith.constant 1024 : i32
    %dma_start3A_196 = arith.constant 0 : i32
    %dma_start3A_197 = tpu.memref_slice %arg3[%add3A_162, %dma_start3A_195, %dma_start3A_196] : memref<257x2048x128xf32, #tpu.memory_space<hbm>> -> memref<1x256x128xf32, #tpu.memory_space<hbm>>
    %dma_start3A_198 = tpu.memref_squeeze %dma_start3A_197 : memref<1x256x128xf32, #tpu.memory_space<hbm>> -> memref<256x128xf32, #tpu.memory_space<hbm>>
    %dma_start3A_199 = arith.constant 1024 : i32
    %dma_start3A_200 = arith.constant 0 : i32
    %dma_start3A_201 = tpu.memref_slice %arg3[%add3A_162, %dma_start3A_199, %dma_start3A_200] : memref<257x2048x128xf32, #tpu.memory_space<hbm>> -> memref<1x256x128xf32, #tpu.memory_space<hbm>>
    %dma_start3A_202 = tpu.memref_squeeze %dma_start3A_201 : memref<1x256x128xf32, #tpu.memory_space<hbm>> -> memref<256x128xf32, #tpu.memory_space<hbm>>
    tpu.enqueue_dma source(%arg5 : memref<256x128xf32, #tpu.memory_space<vmem>>) target(%dma_start3A_202 : memref<256x128xf32, #tpu.memory_space<hbm>>) target_semaphore(%arg16 : memref<!tpu.dma_semaphore, #tpu.memory_space<semaphore_mem>>)
    %dma_start3A_203 = arith.constant 1280 : i32
    %dma_start3A_204 = arith.constant 0 : i32
    %dma_start3A_205 = tpu.memref_slice %arg3[%add3A_162, %dma_start3A_203, %dma_start3A_204] : memref<257x2048x128xf32, #tpu.memory_space<hbm>> -> memref<1x256x128xf32, #tpu.memory_space<hbm>>
    %dma_start3A_206 = tpu.memref_squeeze %dma_start3A_205 : memref<1x256x128xf32, #tpu.memory_space<hbm>> -> memref<256x128xf32, #tpu.memory_space<hbm>>
    %dma_start3A_207 = arith.constant 1280 : i32
    %dma_start3A_208 = arith.constant 0 : i32
    %dma_start3A_209 = tpu.memref_slice %arg3[%add3A_162, %dma_start3A_207, %dma_start3A_208] : memref<257x2048x128xf32, #tpu.memory_space<hbm>> -> memref<1x256x128xf32, #tpu.memory_space<hbm>>
    %dma_start3A_210 = tpu.memref_squeeze %dma_start3A_209 : memref<1x256x128xf32, #tpu.memory_space<hbm>> -> memref<256x128xf32, #tpu.memory_space<hbm>>
    tpu.enqueue_dma source(%arg5 : memref<256x128xf32, #tpu.memory_space<vmem>>) target(%dma_start3A_210 : memref<256x128xf32, #tpu.memory_space<hbm>>) target_semaphore(%arg16 : memref<!tpu.dma_semaphore, #tpu.memory_space<semaphore_mem>>)
    %dma_start3A_211 = arith.constant 1536 : i32
    %dma_start3A_212 = arith.constant 0 : i32
    %dma_start3A_213 = tpu.memref_slice %arg3[%add3A_162, %dma_start3A_211, %dma_start3A_212] : memref<257x2048x128xf32, #tpu.memory_space<hbm>> -> memref<1x256x128xf32, #tpu.memory_space<hbm>>
    %dma_start3A_214 = tpu.memref_squeeze %dma_start3A_213 : memref<1x256x128xf32, #tpu.memory_space<hbm>> -> memref<256x128xf32, #tpu.memory_space<hbm>>
    %dma_start3A_215 = arith.constant 1536 : i32
    %dma_start3A_216 = arith.constant 0 : i32
    %dma_start3A_217 = tpu.memref_slice %arg3[%add3A_162, %dma_start3A_215, %dma_start3A_216] : memref<257x2048x128xf32, #tpu.memory_space<hbm>> -> memref<1x256x128xf32, #tpu.memory_space<hbm>>
    %dma_start3A_218 = tpu.memref_squeeze %dma_start3A_217 : memref<1x256x128xf32, #tpu.memory_space<hbm>> -> memref<256x128xf32, #tpu.memory_space<hbm>>
    tpu.enqueue_dma source(%arg5 : memref<256x128xf32, #tpu.memory_space<vmem>>) target(%dma_start3A_218 : memref<256x128xf32, #tpu.memory_space<hbm>>) target_semaphore(%arg16 : memref<!tpu.dma_semaphore, #tpu.memory_space<semaphore_mem>>)
    %dma_start3A_219 = arith.constant 1792 : i32
    %dma_start3A_220 = arith.constant 0 : i32
    %dma_start3A_221 = tpu.memref_slice %arg3[%add3A_162, %dma_start3A_219, %dma_start3A_220] : memref<257x2048x128xf32, #tpu.memory_space<hbm>> -> memref<1x256x128xf32, #tpu.memory_space<hbm>>
    %dma_start3A_222 = tpu.memref_squeeze %dma_start3A_221 : memref<1x256x128xf32, #tpu.memory_space<hbm>> -> memref<256x128xf32, #tpu.memory_space<hbm>>
    %dma_start3A_223 = arith.constant 1792 : i32
    %dma_start3A_224 = arith.constant 0 : i32
    %dma_start3A_225 = tpu.memref_slice %arg3[%add3A_162, %dma_start3A_223, %dma_start3A_224] : memref<257x2048x128xf32, #tpu.memory_space<hbm>> -> memref<1x256x128xf32, #tpu.memory_space<hbm>>
    %dma_start3A_226 = tpu.memref_squeeze %dma_start3A_225 : memref<1x256x128xf32, #tpu.memory_space<hbm>> -> memref<256x128xf32, #tpu.memory_space<hbm>>
    tpu.enqueue_dma source(%arg5 : memref<256x128xf32, #tpu.memory_space<vmem>>) target(%dma_start3A_226 : memref<256x128xf32, #tpu.memory_space<hbm>>) target_semaphore(%arg16 : memref<!tpu.dma_semaphore, #tpu.memory_space<semaphore_mem>>)
    %dma_wait3A_227 = arith.constant 1 : i32
    %dma_wait3A_228 = arith.constant 0 : i32
    %dma_wait3A_229 = tpu.memref_slice %arg4[%dma_wait3A_227, %dma_wait3A_228] : memref<9x128xf32, #tpu.memory_space<vmem>> -> memref<1x128xf32, #tpu.memory_space<vmem>>
    %dma_wait3A_230 = arith.constant 0 : i32
    %dma_wait3A_231 = tpu.memref_slice %arg2[%add3A_13, %dma_wait3A_230] : memref<257x128xf32, #tpu.memory_space<hbm>> -> memref<1x128xf32, #tpu.memory_space<hbm>>
    %dma_wait3A_232 = arith.constant 1 : i32
    %dma_wait3A_233 = arith.constant 0 : i32
    %dma_wait3A_234 = tpu.memref_slice %arg4[%dma_wait3A_232, %dma_wait3A_233] : memref<9x128xf32, #tpu.memory_space<vmem>> -> memref<1x128xf32, #tpu.memory_space<vmem>>
    %dma_wait3A_235 = arith.constant 0 : i32
    %dma_wait3A_236 = tpu.memref_slice %arg2[%add3A_13, %dma_wait3A_235] : memref<257x128xf32, #tpu.memory_space<hbm>> -> memref<1x128xf32, #tpu.memory_space<hbm>>
    tpu.wait_dma2 semaphore(%arg8 : memref<!tpu.dma_semaphore, #tpu.memory_space<semaphore_mem>>) src(%dma_wait3A_236 : memref<1x128xf32, #tpu.memory_space<hbm>>) dst(%dma_wait3A_234 : memref<1x128xf32, #tpu.memory_space<vmem>>)
    %get3A_237 = arith.constant 1 : i32
    %get3A_238 = arith.index_cast %get3A_237 : i32 to index
    %get3A_239 = arith.constant 0 : index
    %get3A_240 = tpu.vector_load %arg4[%get3A_238, %get3A_239] {strides = array<i32>} : memref<9x128xf32, #tpu.memory_space<vmem>>, vector<1x16xf32>,
    %get3A_241 = vector.shape_cast %get3A_240 : vector<1x16xf32> to vector<16xf32>
    %get3A_242 = arith.constant 1 : i32
    %get3A_243 = arith.index_cast %get3A_242 : i32 to index
    %get3A_244 = arith.constant 16 : index
    %get3A_245 = tpu.vector_load %arg4[%get3A_243, %get3A_244] {strides = array<i32>} : memref<9x128xf32, #tpu.memory_space<vmem>>, vector<1x16xf32>,
    %get3A_246 = vector.shape_cast %get3A_245 : vector<1x16xf32> to vector<16xf32>
    %get3A_247 = arith.constant 1 : i32
    %get3A_248 = arith.index_cast %get3A_247 : i32 to index
    %get3A_249 = arith.constant 32 : index
    %get3A_250 = tpu.vector_load %arg4[%get3A_248, %get3A_249] {strides = array<i32>} : memref<9x128xf32, #tpu.memory_space<vmem>>, vector<1x16xf32>,
    %get3A_251 = vector.shape_cast %get3A_250 : vector<1x16xf32> to vector<16xf32>
    %get3A_252 = arith.constant 1 : i32
    %get3A_253 = arith.index_cast %get3A_252 : i32 to index
    %get3A_254 = arith.constant 48 : index
    %get3A_255 = tpu.vector_load %arg4[%get3A_253, %get3A_254] {strides = array<i32>} : memref<9x128xf32, #tpu.memory_space<vmem>>, vector<1x16xf32>,
    %get3A_256 = vector.shape_cast %get3A_255 : vector<1x16xf32> to vector<16xf32>
    %get3A_257 = arith.constant 1 : i32
    %get3A_258 = arith.index_cast %get3A_257 : i32 to index
    %get3A_259 = arith.constant 64 : index
    %get3A_260 = tpu.vector_load %arg4[%get3A_258, %get3A_259] {strides = array<i32>} : memref<9x128xf32, #tpu.memory_space<vmem>>, vector<1x16xf32>,
    %get3A_261 = vector.shape_cast %get3A_260 : vector<1x16xf32> to vector<16xf32>
    %get3A_262 = arith.constant 1 : i32
    %get3A_263 = arith.index_cast %get3A_262 : i32 to index
    %get3A_264 = arith.constant 80 : index
    %get3A_265 = tpu.vector_load %arg4[%get3A_263, %get3A_264] {strides = array<i32>} : memref<9x128xf32, #tpu.memory_space<vmem>>, vector<1x16xf32>,
    %get3A_266 = vector.shape_cast %get3A_265 : vector<1x16xf32> to vector<16xf32>
    %get3A_267 = arith.constant 1 : i32
    %get3A_268 = arith.index_cast %get3A_267 : i32 to index
    %get3A_269 = arith.constant 96 : index
    %get3A_270 = tpu.vector_load %arg4[%get3A_268, %get3A_269] {strides = array<i32>} : memref<9x128xf32, #tpu.memory_space<vmem>>, vector<1x16xf32>,
    %get3A_271 = vector.shape_cast %get3A_270 : vector<1x16xf32> to vector<16xf32>
    %get3A_272 = arith.constant 1 : i32
    %get3A_273 = arith.index_cast %get3A_272 : i32 to index
    %get3A_274 = arith.constant 112 : index
    %get3A_275 = tpu.vector_load %arg4[%get3A_273, %get3A_274] {strides = array<i32>} : memref<9x128xf32, #tpu.memory_space<vmem>>, vector<1x16xf32>,
    %get3A_276 = vector.shape_cast %get3A_275 : vector<1x16xf32> to vector<16xf32>
    %scan3A_277 = arith.constant 0 : i32
    %scan3A_278 = arith.constant 0 : i32
    %scan3A_279 = arith.constant 256 : i32
    %scan3A_280 = arith.addi %scan3A_278, %scan3A_279 : i32
    %scan3A_281 = arith.constant 1 : i32
    scf.for %scan3A_1679 = %scan3A_278 to %scan3A_280 step %scan3A_281  : i32 {
      %swap3A = arith.index_cast %scan3A_1679 : i32 to index
      %swap3A_1680 = arith.constant 0 : index
      %swap3A_1681 = tpu.vector_load %arg6[%swap3A, %swap3A_1680] {strides = array<i32>} : memref<256x128xf32, #tpu.memory_space<vmem>>, vector<1x16xf32>,
      %swap3A_1682 = vector.shape_cast %swap3A_1681 : vector<1x16xf32> to vector<16xf32>
      %swap3A_1683 = vector.shape_cast %get3A_241 : vector<16xf32> to vector<1x16xf32>
      tpu.vector_store %arg6[%swap3A, %swap3A_1680], %swap3A_1683 {strides = array<i32>} : memref<256x128xf32, #tpu.memory_space<vmem>>, vector<1x16xf32>,
      %swap3A_1684 = arith.index_cast %scan3A_1679 : i32 to index
      %swap3A_1685 = arith.constant 16 : index
      %swap3A_1686 = tpu.vector_load %arg6[%swap3A_1684, %swap3A_1685] {strides = array<i32>} : memref<256x128xf32, #tpu.memory_space<vmem>>, vector<1x16xf32>,
      %swap3A_1687 = vector.shape_cast %swap3A_1686 : vector<1x16xf32> to vector<16xf32>
      %swap3A_1688 = vector.shape_cast %get3A_246 : vector<16xf32> to vector<1x16xf32>
      tpu.vector_store %arg6[%swap3A_1684, %swap3A_1685], %swap3A_1688 {strides = array<i32>} : memref<256x128xf32, #tpu.memory_space<vmem>>, vector<1x16xf32>,
      %swap3A_1689 = arith.index_cast %scan3A_1679 : i32 to index
      %swap3A_1690 = arith.constant 32 : index
      %swap3A_1691 = tpu.vector_load %arg6[%swap3A_1689, %swap3A_1690] {strides = array<i32>} : memref<256x128xf32, #tpu.memory_space<vmem>>, vector<1x16xf32>,
      %swap3A_1692 = vector.shape_cast %swap3A_1691 : vector<1x16xf32> to vector<16xf32>
      %swap3A_1693 = vector.shape_cast %get3A_251 : vector<16xf32> to vector<1x16xf32>
      tpu.vector_store %arg6[%swap3A_1689, %swap3A_1690], %swap3A_1693 {strides = array<i32>} : memref<256x128xf32, #tpu.memory_space<vmem>>, vector<1x16xf32>,
      %swap3A_1694 = arith.index_cast %scan3A_1679 : i32 to index
      %swap3A_1695 = arith.constant 48 : index
      %swap3A_1696 = tpu.vector_load %arg6[%swap3A_1694, %swap3A_1695] {strides = array<i32>} : memref<256x128xf32, #tpu.memory_space<vmem>>, vector<1x16xf32>,
      %swap3A_1697 = vector.shape_cast %swap3A_1696 : vector<1x16xf32> to vector<16xf32>
      %swap3A_1698 = vector.shape_cast %get3A_256 : vector<16xf32> to vector<1x16xf32>
      tpu.vector_store %arg6[%swap3A_1694, %swap3A_1695], %swap3A_1698 {strides = array<i32>} : memref<256x128xf32, #tpu.memory_space<vmem>>, vector<1x16xf32>,
      %swap3A_1699 = arith.index_cast %scan3A_1679 : i32 to index
      %swap3A_1700 = arith.constant 64 : index
      %swap3A_1701 = tpu.vector_load %arg6[%swap3A_1699, %swap3A_1700] {strides = array<i32>} : memref<256x128xf32, #tpu.memory_space<vmem>>, vector<1x16xf32>,
      %swap3A_1702 = vector.shape_cast %swap3A_1701 : vector<1x16xf32> to vector<16xf32>
      %swap3A_1703 = vector.shape_cast %get3A_261 : vector<16xf32> to vector<1x16xf32>
      tpu.vector_store %arg6[%swap3A_1699, %swap3A_1700], %swap3A_1703 {strides = array<i32>} : memref<256x128xf32, #tpu.memory_space<vmem>>, vector<1x16xf32>,
      %swap3A_1704 = arith.index_cast %scan3A_1679 : i32 to index
      %swap3A_1705 = arith.constant 80 : index
      %swap3A_1706 = tpu.vector_load %arg6[%swap3A_1704, %swap3A_1705] {strides = array<i32>} : memref<256x128xf32, #tpu.memory_space<vmem>>, vector<1x16xf32>,
      %swap3A_1707 = vector.shape_cast %swap3A_1706 : vector<1x16xf32> to vector<16xf32>
      %swap3A_1708 = vector.shape_cast %get3A_266 : vector<16xf32> to vector<1x16xf32>
      tpu.vector_store %arg6[%swap3A_1704, %swap3A_1705], %swap3A_1708 {strides = array<i32>} : memref<256x128xf32, #tpu.memory_space<vmem>>, vector<1x16xf32>,
      %swap3A_1709 = arith.index_cast %scan3A_1679 : i32 to index
      %swap3A_1710 = arith.constant 96 : index
      %swap3A_1711 = tpu.vector_load %arg6[%swap3A_1709, %swap3A_1710] {strides = array<i32>} : memref<256x128xf32, #tpu.memory_space<vmem>>, vector<1x16xf32>,
      %swap3A_1712 = vector.shape_cast %swap3A_1711 : vector<1x16xf32> to vector<16xf32>
      %swap3A_1713 = vector.shape_cast %get3A_271 : vector<16xf32> to vector<1x16xf32>
      tpu.vector_store %arg6[%swap3A_1709, %swap3A_1710], %swap3A_1713 {strides = array<i32>} : memref<256x128xf32, #tpu.memory_space<vmem>>, vector<1x16xf32>,
      %swap3A_1714 = arith.index_cast %scan3A_1679 : i32 to index
      %swap3A_1715 = arith.constant 112 : index
      %swap3A_1716 = tpu.vector_load %arg6[%swap3A_1714, %swap3A_1715] {strides = array<i32>} : memref<256x128xf32, #tpu.memory_space<vmem>>, vector<1x16xf32>,
      %swap3A_1717 = vector.shape_cast %swap3A_1716 : vector<1x16xf32> to vector<16xf32>
      %swap3A_1718 = vector.shape_cast %get3A_276 : vector<16xf32> to vector<1x16xf32>
      tpu.vector_store %arg6[%swap3A_1714, %swap3A_1715], %swap3A_1718 {strides = array<i32>} : memref<256x128xf32, #tpu.memory_space<vmem>>, vector<1x16xf32>,
    }
    %scan3A_282 = arith.constant 256 : i32
    %add3A_283 = arith.constant 32 : i32
    %add3A_284 = arith.addi %add3A_283, %add3A : i32
    %dma_start3A_285 = arith.constant 0 : i32
    %dma_start3A_286 = arith.constant 0 : i32
    %dma_start3A_287 = tpu.memref_slice %arg3[%add3A_284, %dma_start3A_285, %dma_start3A_286] : memref<257x2048x128xf32, #tpu.memory_space<hbm>> -> memref<1x256x128xf32, #tpu.memory_space<hbm>>
    %dma_start3A_288 = tpu.memref_squeeze %dma_start3A_287 : memref<1x256x128xf32, #tpu.memory_space<hbm>> -> memref<256x128xf32, #tpu.memory_space<hbm>>
    %dma_start3A_289 = arith.constant 0 : i32
    %dma_start3A_290 = arith.constant 0 : i32
    %dma_start3A_291 = tpu.memref_slice %arg3[%add3A_284, %dma_start3A_289, %dma_start3A_290] : memref<257x2048x128xf32, #tpu.memory_space<hbm>> -> memref<1x256x128xf32, #tpu.memory_space<hbm>>
    %dma_start3A_292 = tpu.memref_squeeze %dma_start3A_291 : memref<1x256x128xf32, #tpu.memory_space<hbm>> -> memref<256x128xf32, #tpu.memory_space<hbm>>
    tpu.enqueue_dma source(%arg6 : memref<256x128xf32, #tpu.memory_space<vmem>>) target(%dma_start3A_292 : memref<256x128xf32, #tpu.memory_space<hbm>>) target_semaphore(%arg17 : memref<!tpu.dma_semaphore, #tpu.memory_space<semaphore_mem>>)
    %dma_start3A_293 = arith.constant 256 : i32
    %dma_start3A_294 = arith.constant 0 : i32
    %dma_start3A_295 = tpu.memref_slice %arg3[%add3A_284, %dma_start3A_293, %dma_start3A_294] : memref<257x2048x128xf32, #tpu.memory_space<hbm>> -> memref<1x256x128xf32, #tpu.memory_space<hbm>>
    %dma_start3A_296 = tpu.memref_squeeze %dma_start3A_295 : memref<1x256x128xf32, #tpu.memory_space<hbm>> -> memref<256x128xf32, #tpu.memory_space<hbm>>
    %dma_start3A_297 = arith.constant 256 : i32
    %dma_start3A_298 = arith.constant 0 : i32
    %dma_start3A_299 = tpu.memref_slice %arg3[%add3A_284, %dma_start3A_297, %dma_start3A_298] : memref<257x2048x128xf32, #tpu.memory_space<hbm>> -> memref<1x256x128xf32, #tpu.memory_space<hbm>>
    %dma_start3A_300 = tpu.memref_squeeze %dma_start3A_299 : memref<1x256x128xf32, #tpu.memory_space<hbm>> -> memref<256x128xf32, #tpu.memory_space<hbm>>
    tpu.enqueue_dma source(%arg6 : memref<256x128xf32, #tpu.memory_space<vmem>>) target(%dma_start3A_300 : memref<256x128xf32, #tpu.memory_space<hbm>>) target_semaphore(%arg17 : memref<!tpu.dma_semaphore, #tpu.memory_space<semaphore_mem>>)
    %dma_start3A_301 = arith.constant 512 : i32
    %dma_start3A_302 = arith.constant 0 : i32
    %dma_start3A_303 = tpu.memref_slice %arg3[%add3A_284, %dma_start3A_301, %dma_start3A_302] : memref<257x2048x128xf32, #tpu.memory_space<hbm>> -> memref<1x256x128xf32, #tpu.memory_space<hbm>>
    %dma_start3A_304 = tpu.memref_squeeze %dma_start3A_303 : memref<1x256x128xf32, #tpu.memory_space<hbm>> -> memref<256x128xf32, #tpu.memory_space<hbm>>
    %dma_start3A_305 = arith.constant 512 : i32
    %dma_start3A_306 = arith.constant 0 : i32
    %dma_start3A_307 = tpu.memref_slice %arg3[%add3A_284, %dma_start3A_305, %dma_start3A_306] : memref<257x2048x128xf32, #tpu.memory_space<hbm>> -> memref<1x256x128xf32, #tpu.memory_space<hbm>>
    %dma_start3A_308 = tpu.memref_squeeze %dma_start3A_307 : memref<1x256x128xf32, #tpu.memory_space<hbm>> -> memref<256x128xf32, #tpu.memory_space<hbm>>
    tpu.enqueue_dma source(%arg6 : memref<256x128xf32, #tpu.memory_space<vmem>>) target(%dma_start3A_308 : memref<256x128xf32, #tpu.memory_space<hbm>>) target_semaphore(%arg17 : memref<!tpu.dma_semaphore, #tpu.memory_space<semaphore_mem>>)
    %dma_start3A_309 = arith.constant 768 : i32
    %dma_start3A_310 = arith.constant 0 : i32
    %dma_start3A_311 = tpu.memref_slice %arg3[%add3A_284, %dma_start3A_309, %dma_start3A_310] : memref<257x2048x128xf32, #tpu.memory_space<hbm>> -> memref<1x256x128xf32, #tpu.memory_space<hbm>>
    %dma_start3A_312 = tpu.memref_squeeze %dma_start3A_311 : memref<1x256x128xf32, #tpu.memory_space<hbm>> -> memref<256x128xf32, #tpu.memory_space<hbm>>
    %dma_start3A_313 = arith.constant 768 : i32
    %dma_start3A_314 = arith.constant 0 : i32
    %dma_start3A_315 = tpu.memref_slice %arg3[%add3A_284, %dma_start3A_313, %dma_start3A_314] : memref<257x2048x128xf32, #tpu.memory_space<hbm>> -> memref<1x256x128xf32, #tpu.memory_space<hbm>>
    %dma_start3A_316 = tpu.memref_squeeze %dma_start3A_315 : memref<1x256x128xf32, #tpu.memory_space<hbm>> -> memref<256x128xf32, #tpu.memory_space<hbm>>
    tpu.enqueue_dma source(%arg6 : memref<256x128xf32, #tpu.memory_space<vmem>>) target(%dma_start3A_316 : memref<256x128xf32, #tpu.memory_space<hbm>>) target_semaphore(%arg17 : memref<!tpu.dma_semaphore, #tpu.memory_space<semaphore_mem>>)
    %dma_start3A_317 = arith.constant 1024 : i32
    %dma_start3A_318 = arith.constant 0 : i32
    %dma_start3A_319 = tpu.memref_slice %arg3[%add3A_284, %dma_start3A_317, %dma_start3A_318] : memref<257x2048x128xf32, #tpu.memory_space<hbm>> -> memref<1x256x128xf32, #tpu.memory_space<hbm>>
    %dma_start3A_320 = tpu.memref_squeeze %dma_start3A_319 : memref<1x256x128xf32, #tpu.memory_space<hbm>> -> memref<256x128xf32, #tpu.memory_space<hbm>>
    %dma_start3A_321 = arith.constant 1024 : i32
    %dma_start3A_322 = arith.constant 0 : i32
    %dma_start3A_323 = tpu.memref_slice %arg3[%add3A_284, %dma_start3A_321, %dma_start3A_322] : memref<257x2048x128xf32, #tpu.memory_space<hbm>> -> memref<1x256x128xf32, #tpu.memory_space<hbm>>
    %dma_start3A_324 = tpu.memref_squeeze %dma_start3A_323 : memref<1x256x128xf32, #tpu.memory_space<hbm>> -> memref<256x128xf32, #tpu.memory_space<hbm>>
    tpu.enqueue_dma source(%arg6 : memref<256x128xf32, #tpu.memory_space<vmem>>) target(%dma_start3A_324 : memref<256x128xf32, #tpu.memory_space<hbm>>) target_semaphore(%arg17 : memref<!tpu.dma_semaphore, #tpu.memory_space<semaphore_mem>>)
    %dma_start3A_325 = arith.constant 1280 : i32
    %dma_start3A_326 = arith.constant 0 : i32
    %dma_start3A_327 = tpu.memref_slice %arg3[%add3A_284, %dma_start3A_325, %dma_start3A_326] : memref<257x2048x128xf32, #tpu.memory_space<hbm>> -> memref<1x256x128xf32, #tpu.memory_space<hbm>>
    %dma_start3A_328 = tpu.memref_squeeze %dma_start3A_327 : memref<1x256x128xf32, #tpu.memory_space<hbm>> -> memref<256x128xf32, #tpu.memory_space<hbm>>
    %dma_start3A_329 = arith.constant 1280 : i32
    %dma_start3A_330 = arith.constant 0 : i32
    %dma_start3A_331 = tpu.memref_slice %arg3[%add3A_284, %dma_start3A_329, %dma_start3A_330] : memref<257x2048x128xf32, #tpu.memory_space<hbm>> -> memref<1x256x128xf32, #tpu.memory_space<hbm>>
    %dma_start3A_332 = tpu.memref_squeeze %dma_start3A_331 : memref<1x256x128xf32, #tpu.memory_space<hbm>> -> memref<256x128xf32, #tpu.memory_space<hbm>>
    tpu.enqueue_dma source(%arg6 : memref<256x128xf32, #tpu.memory_space<vmem>>) target(%dma_start3A_332 : memref<256x128xf32, #tpu.memory_space<hbm>>) target_semaphore(%arg17 : memref<!tpu.dma_semaphore, #tpu.memory_space<semaphore_mem>>)
    %dma_start3A_333 = arith.constant 1536 : i32
    %dma_start3A_334 = arith.constant 0 : i32
    %dma_start3A_335 = tpu.memref_slice %arg3[%add3A_284, %dma_start3A_333, %dma_start3A_334] : memref<257x2048x128xf32, #tpu.memory_space<hbm>> -> memref<1x256x128xf32, #tpu.memory_space<hbm>>
    %dma_start3A_336 = tpu.memref_squeeze %dma_start3A_335 : memref<1x256x128xf32, #tpu.memory_space<hbm>> -> memref<256x128xf32, #tpu.memory_space<hbm>>
    %dma_start3A_337 = arith.constant 1536 : i32
    %dma_start3A_338 = arith.constant 0 : i32
    %dma_start3A_339 = tpu.memref_slice %arg3[%add3A_284, %dma_start3A_337, %dma_start3A_338] : memref<257x2048x128xf32, #tpu.memory_space<hbm>> -> memref<1x256x128xf32, #tpu.memory_space<hbm>>
    %dma_start3A_340 = tpu.memref_squeeze %dma_start3A_339 : memref<1x256x128xf32, #tpu.memory_space<hbm>> -> memref<256x128xf32, #tpu.memory_space<hbm>>
    tpu.enqueue_dma source(%arg6 : memref<256x128xf32, #tpu.memory_space<vmem>>) target(%dma_start3A_340 : memref<256x128xf32, #tpu.memory_space<hbm>>) target_semaphore(%arg17 : memref<!tpu.dma_semaphore, #tpu.memory_space<semaphore_mem>>)
    %dma_start3A_341 = arith.constant 1792 : i32
    %dma_start3A_342 = arith.constant 0 : i32
    %dma_start3A_343 = tpu.memref_slice %arg3[%add3A_284, %dma_start3A_341, %dma_start3A_342] : memref<257x2048x128xf32, #tpu.memory_space<hbm>> -> memref<1x256x128xf32, #tpu.memory_space<hbm>>
    %dma_start3A_344 = tpu.memref_squeeze %dma_start3A_343 : memref<1x256x128xf32, #tpu.memory_space<hbm>> -> memref<256x128xf32, #tpu.memory_space<hbm>>
    %dma_start3A_345 = arith.constant 1792 : i32
    %dma_start3A_346 = arith.constant 0 : i32
    %dma_start3A_347 = tpu.memref_slice %arg3[%add3A_284, %dma_start3A_345, %dma_start3A_346] : memref<257x2048x128xf32, #tpu.memory_space<hbm>> -> memref<1x256x128xf32, #tpu.memory_space<hbm>>
    %dma_start3A_348 = tpu.memref_squeeze %dma_start3A_347 : memref<1x256x128xf32, #tpu.memory_space<hbm>> -> memref<256x128xf32, #tpu.memory_space<hbm>>
    tpu.enqueue_dma source(%arg6 : memref<256x128xf32, #tpu.memory_space<vmem>>) target(%dma_start3A_348 : memref<256x128xf32, #tpu.memory_space<hbm>>) target_semaphore(%arg17 : memref<!tpu.dma_semaphore, #tpu.memory_space<semaphore_mem>>)
    %dma_wait3A_349 = arith.constant 0 : i32
    %dma_wait3A_350 = arith.constant 0 : i32
    %dma_wait3A_351 = tpu.memref_slice %arg3[%add3A_162, %dma_wait3A_349, %dma_wait3A_350] : memref<257x2048x128xf32, #tpu.memory_space<hbm>> -> memref<1x256x128xf32, #tpu.memory_space<hbm>>
    %dma_wait3A_352 = tpu.memref_squeeze %dma_wait3A_351 : memref<1x256x128xf32, #tpu.memory_space<hbm>> -> memref<256x128xf32, #tpu.memory_space<hbm>>
    %dma_wait3A_353 = arith.constant 0 : i32
    %dma_wait3A_354 = arith.constant 0 : i32
    %dma_wait3A_355 = tpu.memref_slice %arg3[%add3A_162, %dma_wait3A_353, %dma_wait3A_354] : memref<257x2048x128xf32, #tpu.memory_space<hbm>> -> memref<1x256x128xf32, #tpu.memory_space<hbm>>
    %dma_wait3A_356 = tpu.memref_squeeze %dma_wait3A_355 : memref<1x256x128xf32, #tpu.memory_space<hbm>> -> memref<256x128xf32, #tpu.memory_space<hbm>>
    tpu.wait_dma2 semaphore(%arg16 : memref<!tpu.dma_semaphore, #tpu.memory_space<semaphore_mem>>) src(%arg5 : memref<256x128xf32, #tpu.memory_space<vmem>>) dst(%dma_wait3A_356 : memref<256x128xf32, #tpu.memory_space<hbm>>)
    %dma_wait3A_357 = arith.constant 256 : i32
    %dma_wait3A_358 = arith.constant 0 : i32
    %dma_wait3A_359 = tpu.memref_slice %arg3[%add3A_162, %dma_wait3A_357, %dma_wait3A_358] : memref<257x2048x128xf32, #tpu.memory_space<hbm>> -> memref<1x256x128xf32, #tpu.memory_space<hbm>>
    %dma_wait3A_360 = tpu.memref_squeeze %dma_wait3A_359 : memref<1x256x128xf32, #tpu.memory_space<hbm>> -> memref<256x128xf32, #tpu.memory_space<hbm>>
    %dma_wait3A_361 = arith.constant 256 : i32
    %dma_wait3A_362 = arith.constant 0 : i32
    %dma_wait3A_363 = tpu.memref_slice %arg3[%add3A_162, %dma_wait3A_361, %dma_wait3A_362] : memref<257x2048x128xf32, #tpu.memory_space<hbm>> -> memref<1x256x128xf32, #tpu.memory_space<hbm>>
    %dma_wait3A_364 = tpu.memref_squeeze %dma_wait3A_363 : memref<1x256x128xf32, #tpu.memory_space<hbm>> -> memref<256x128xf32, #tpu.memory_space<hbm>>
    tpu.wait_dma2 semaphore(%arg16 : memref<!tpu.dma_semaphore, #tpu.memory_space<semaphore_mem>>) src(%arg5 : memref<256x128xf32, #tpu.memory_space<vmem>>) dst(%dma_wait3A_364 : memref<256x128xf32, #tpu.memory_space<hbm>>)
    %dma_wait3A_365 = arith.constant 512 : i32
    %dma_wait3A_366 = arith.constant 0 : i32
    %dma_wait3A_367 = tpu.memref_slice %arg3[%add3A_162, %dma_wait3A_365, %dma_wait3A_366] : memref<257x2048x128xf32, #tpu.memory_space<hbm>> -> memref<1x256x128xf32, #tpu.memory_space<hbm>>
    %dma_wait3A_368 = tpu.memref_squeeze %dma_wait3A_367 : memref<1x256x128xf32, #tpu.memory_space<hbm>> -> memref<256x128xf32, #tpu.memory_space<hbm>>
    %dma_wait3A_369 = arith.constant 512 : i32
    %dma_wait3A_370 = arith.constant 0 : i32
    %dma_wait3A_371 = tpu.memref_slice %arg3[%add3A_162, %dma_wait3A_369, %dma_wait3A_370] : memref<257x2048x128xf32, #tpu.memory_space<hbm>> -> memref<1x256x128xf32, #tpu.memory_space<hbm>>
    %dma_wait3A_372 = tpu.memref_squeeze %dma_wait3A_371 : memref<1x256x128xf32, #tpu.memory_space<hbm>> -> memref<256x128xf32, #tpu.memory_space<hbm>>
    tpu.wait_dma2 semaphore(%arg16 : memref<!tpu.dma_semaphore, #tpu.memory_space<semaphore_mem>>) src(%arg5 : memref<256x128xf32, #tpu.memory_space<vmem>>) dst(%dma_wait3A_372 : memref<256x128xf32, #tpu.memory_space<hbm>>)
    %dma_wait3A_373 = arith.constant 768 : i32
    %dma_wait3A_374 = arith.constant 0 : i32
    %dma_wait3A_375 = tpu.memref_slice %arg3[%add3A_162, %dma_wait3A_373, %dma_wait3A_374] : memref<257x2048x128xf32, #tpu.memory_space<hbm>> -> memref<1x256x128xf32, #tpu.memory_space<hbm>>
    %dma_wait3A_376 = tpu.memref_squeeze %dma_wait3A_375 : memref<1x256x128xf32, #tpu.memory_space<hbm>> -> memref<256x128xf32, #tpu.memory_space<hbm>>
    %dma_wait3A_377 = arith.constant 768 : i32
    %dma_wait3A_378 = arith.constant 0 : i32
    %dma_wait3A_379 = tpu.memref_slice %arg3[%add3A_162, %dma_wait3A_377, %dma_wait3A_378] : memref<257x2048x128xf32, #tpu.memory_space<hbm>> -> memref<1x256x128xf32, #tpu.memory_space<hbm>>
    %dma_wait3A_380 = tpu.memref_squeeze %dma_wait3A_379 : memref<1x256x128xf32, #tpu.memory_space<hbm>> -> memref<256x128xf32, #tpu.memory_space<hbm>>
    tpu.wait_dma2 semaphore(%arg16 : memref<!tpu.dma_semaphore, #tpu.memory_space<semaphore_mem>>) src(%arg5 : memref<256x128xf32, #tpu.memory_space<vmem>>) dst(%dma_wait3A_380 : memref<256x128xf32, #tpu.memory_space<hbm>>)
    %dma_wait3A_381 = arith.constant 1024 : i32
    %dma_wait3A_382 = arith.constant 0 : i32
    %dma_wait3A_383 = tpu.memref_slice %arg3[%add3A_162, %dma_wait3A_381, %dma_wait3A_382] : memref<257x2048x128xf32, #tpu.memory_space<hbm>> -> memref<1x256x128xf32, #tpu.memory_space<hbm>>
    %dma_wait3A_384 = tpu.memref_squeeze %dma_wait3A_383 : memref<1x256x128xf32, #tpu.memory_space<hbm>> -> memref<256x128xf32, #tpu.memory_space<hbm>>
    %dma_wait3A_385 = arith.constant 1024 : i32
    %dma_wait3A_386 = arith.constant 0 : i32
    %dma_wait3A_387 = tpu.memref_slice %arg3[%add3A_162, %dma_wait3A_385, %dma_wait3A_386] : memref<257x2048x128xf32, #tpu.memory_space<hbm>> -> memref<1x256x128xf32, #tpu.memory_space<hbm>>
    %dma_wait3A_388 = tpu.memref_squeeze %dma_wait3A_387 : memref<1x256x128xf32, #tpu.memory_space<hbm>> -> memref<256x128xf32, #tpu.memory_space<hbm>>
    tpu.wait_dma2 semaphore(%arg16 : memref<!tpu.dma_semaphore, #tpu.memory_space<semaphore_mem>>) src(%arg5 : memref<256x128xf32, #tpu.memory_space<vmem>>) dst(%dma_wait3A_388 : memref<256x128xf32, #tpu.memory_space<hbm>>)
    %dma_wait3A_389 = arith.constant 1280 : i32
    %dma_wait3A_390 = arith.constant 0 : i32
    %dma_wait3A_391 = tpu.memref_slice %arg3[%add3A_162, %dma_wait3A_389, %dma_wait3A_390] : memref<257x2048x128xf32, #tpu.memory_space<hbm>> -> memref<1x256x128xf32, #tpu.memory_space<hbm>>
    %dma_wait3A_392 = tpu.memref_squeeze %dma_wait3A_391 : memref<1x256x128xf32, #tpu.memory_space<hbm>> -> memref<256x128xf32, #tpu.memory_space<hbm>>
    %dma_wait3A_393 = arith.constant 1280 : i32
    %dma_wait3A_394 = arith.constant 0 : i32
    %dma_wait3A_395 = tpu.memref_slice %arg3[%add3A_162, %dma_wait3A_393, %dma_wait3A_394] : memref<257x2048x128xf32, #tpu.memory_space<hbm>> -> memref<1x256x128xf32, #tpu.memory_space<hbm>>
    %dma_wait3A_396 = tpu.memref_squeeze %dma_wait3A_395 : memref<1x256x128xf32, #tpu.memory_space<hbm>> -> memref<256x128xf32, #tpu.memory_space<hbm>>
    tpu.wait_dma2 semaphore(%arg16 : memref<!tpu.dma_semaphore, #tpu.memory_space<semaphore_mem>>) src(%arg5 : memref<256x128xf32, #tpu.memory_space<vmem>>) dst(%dma_wait3A_396 : memref<256x128xf32, #tpu.memory_space<hbm>>)
    %dma_wait3A_397 = arith.constant 1536 : i32
    %dma_wait3A_398 = arith.constant 0 : i32
    %dma_wait3A_399 = tpu.memref_slice %arg3[%add3A_162, %dma_wait3A_397, %dma_wait3A_398] : memref<257x2048x128xf32, #tpu.memory_space<hbm>> -> memref<1x256x128xf32, #tpu.memory_space<hbm>>
    %dma_wait3A_400 = tpu.memref_squeeze %dma_wait3A_399 : memref<1x256x128xf32, #tpu.memory_space<hbm>> -> memref<256x128xf32, #tpu.memory_space<hbm>>
    %dma_wait3A_401 = arith.constant 1536 : i32
    %dma_wait3A_402 = arith.constant 0 : i32
    %dma_wait3A_403 = tpu.memref_slice %arg3[%add3A_162, %dma_wait3A_401, %dma_wait3A_402] : memref<257x2048x128xf32, #tpu.memory_space<hbm>> -> memref<1x256x128xf32, #tpu.memory_space<hbm>>
    %dma_wait3A_404 = tpu.memref_squeeze %dma_wait3A_403 : memref<1x256x128xf32, #tpu.memory_space<hbm>> -> memref<256x128xf32, #tpu.memory_space<hbm>>
    tpu.wait_dma2 semaphore(%arg16 : memref<!tpu.dma_semaphore, #tpu.memory_space<semaphore_mem>>) src(%arg5 : memref<256x128xf32, #tpu.memory_space<vmem>>) dst(%dma_wait3A_404 : memref<256x128xf32, #tpu.memory_space<hbm>>)
    %dma_wait3A_405 = arith.constant 1792 : i32
    %dma_wait3A_406 = arith.constant 0 : i32
    %dma_wait3A_407 = tpu.memref_slice %arg3[%add3A_162, %dma_wait3A_405, %dma_wait3A_406] : memref<257x2048x128xf32, #tpu.memory_space<hbm>> -> memref<1x256x128xf32, #tpu.memory_space<hbm>>
    %dma_wait3A_408 = tpu.memref_squeeze %dma_wait3A_407 : memref<1x256x128xf32, #tpu.memory_space<hbm>> -> memref<256x128xf32, #tpu.memory_space<hbm>>
    %dma_wait3A_409 = arith.constant 1792 : i32
    %dma_wait3A_410 = arith.constant 0 : i32
    %dma_wait3A_411 = tpu.memref_slice %arg3[%add3A_162, %dma_wait3A_409, %dma_wait3A_410] : memref<257x2048x128xf32, #tpu.memory_space<hbm>> -> memref<1x256x128xf32, #tpu.memory_space<hbm>>
    %dma_wait3A_412 = tpu.memref_squeeze %dma_wait3A_411 : memref<1x256x128xf32, #tpu.memory_space<hbm>> -> memref<256x128xf32, #tpu.memory_space<hbm>>
    tpu.wait_dma2 semaphore(%arg16 : memref<!tpu.dma_semaphore, #tpu.memory_space<semaphore_mem>>) src(%arg5 : memref<256x128xf32, #tpu.memory_space<vmem>>) dst(%dma_wait3A_412 : memref<256x128xf32, #tpu.memory_space<hbm>>)
    %dma_wait3A_413 = arith.constant 2 : i32
    %dma_wait3A_414 = arith.constant 0 : i32
    %dma_wait3A_415 = tpu.memref_slice %arg4[%dma_wait3A_413, %dma_wait3A_414] : memref<9x128xf32, #tpu.memory_space<vmem>> -> memref<1x128xf32, #tpu.memory_space<vmem>>
    %dma_wait3A_416 = arith.constant 0 : i32
    %dma_wait3A_417 = tpu.memref_slice %arg2[%add3A_25, %dma_wait3A_416] : memref<257x128xf32, #tpu.memory_space<hbm>> -> memref<1x128xf32, #tpu.memory_space<hbm>>
    %dma_wait3A_418 = arith.constant 2 : i32
    %dma_wait3A_419 = arith.constant 0 : i32
    %dma_wait3A_420 = tpu.memref_slice %arg4[%dma_wait3A_418, %dma_wait3A_419] : memref<9x128xf32, #tpu.memory_space<vmem>> -> memref<1x128xf32, #tpu.memory_space<vmem>>
    %dma_wait3A_421 = arith.constant 0 : i32
    %dma_wait3A_422 = tpu.memref_slice %arg2[%add3A_25, %dma_wait3A_421] : memref<257x128xf32, #tpu.memory_space<hbm>> -> memref<1x128xf32, #tpu.memory_space<hbm>>
    tpu.wait_dma2 semaphore(%arg9 : memref<!tpu.dma_semaphore, #tpu.memory_space<semaphore_mem>>) src(%dma_wait3A_422 : memref<1x128xf32, #tpu.memory_space<hbm>>) dst(%dma_wait3A_420 : memref<1x128xf32, #tpu.memory_space<vmem>>)
    %get3A_423 = arith.constant 2 : i32
    %get3A_424 = arith.index_cast %get3A_423 : i32 to index
    %get3A_425 = arith.constant 0 : index
    %get3A_426 = tpu.vector_load %arg4[%get3A_424, %get3A_425] {strides = array<i32>} : memref<9x128xf32, #tpu.memory_space<vmem>>, vector<1x16xf32>,
    %get3A_427 = vector.shape_cast %get3A_426 : vector<1x16xf32> to vector<16xf32>
    %get3A_428 = arith.constant 2 : i32
    %get3A_429 = arith.index_cast %get3A_428 : i32 to index
    %get3A_430 = arith.constant 16 : index
    %get3A_431 = tpu.vector_load %arg4[%get3A_429, %get3A_430] {strides = array<i32>} : memref<9x128xf32, #tpu.memory_space<vmem>>, vector<1x16xf32>,
    %get3A_432 = vector.shape_cast %get3A_431 : vector<1x16xf32> to vector<16xf32>
    %get3A_433 = arith.constant 2 : i32
    %get3A_434 = arith.index_cast %get3A_433 : i32 to index
    %get3A_435 = arith.constant 32 : index
    %get3A_436 = tpu.vector_load %arg4[%get3A_434, %get3A_435] {strides = array<i32>} : memref<9x128xf32, #tpu.memory_space<vmem>>, vector<1x16xf32>,
    %get3A_437 = vector.shape_cast %get3A_436 : vector<1x16xf32> to vector<16xf32>
    %get3A_438 = arith.constant 2 : i32
    %get3A_439 = arith.index_cast %get3A_438 : i32 to index
    %get3A_440 = arith.constant 48 : index
    %get3A_441 = tpu.vector_load %arg4[%get3A_439, %get3A_440] {strides = array<i32>} : memref<9x128xf32, #tpu.memory_space<vmem>>, vector<1x16xf32>,
    %get3A_442 = vector.shape_cast %get3A_441 : vector<1x16xf32> to vector<16xf32>
    %get3A_443 = arith.constant 2 : i32
    %get3A_444 = arith.index_cast %get3A_443 : i32 to index
    %get3A_445 = arith.constant 64 : index
    %get3A_446 = tpu.vector_load %arg4[%get3A_444, %get3A_445] {strides = array<i32>} : memref<9x128xf32, #tpu.memory_space<vmem>>, vector<1x16xf32>,
    %get3A_447 = vector.shape_cast %get3A_446 : vector<1x16xf32> to vector<16xf32>
    %get3A_448 = arith.constant 2 : i32
    %get3A_449 = arith.index_cast %get3A_448 : i32 to index
    %get3A_450 = arith.constant 80 : index
    %get3A_451 = tpu.vector_load %arg4[%get3A_449, %get3A_450] {strides = array<i32>} : memref<9x128xf32, #tpu.memory_space<vmem>>, vector<1x16xf32>,
    %get3A_452 = vector.shape_cast %get3A_451 : vector<1x16xf32> to vector<16xf32>
    %get3A_453 = arith.constant 2 : i32
    %get3A_454 = arith.index_cast %get3A_453 : i32 to index
    %get3A_455 = arith.constant 96 : index
    %get3A_456 = tpu.vector_load %arg4[%get3A_454, %get3A_455] {strides = array<i32>} : memref<9x128xf32, #tpu.memory_space<vmem>>, vector<1x16xf32>,
    %get3A_457 = vector.shape_cast %get3A_456 : vector<1x16xf32> to vector<16xf32>
    %get3A_458 = arith.constant 2 : i32
    %get3A_459 = arith.index_cast %get3A_458 : i32 to index
    %get3A_460 = arith.constant 112 : index
    %get3A_461 = tpu.vector_load %arg4[%get3A_459, %get3A_460] {strides = array<i32>} : memref<9x128xf32, #tpu.memory_space<vmem>>, vector<1x16xf32>,
    %get3A_462 = vector.shape_cast %get3A_461 : vector<1x16xf32> to vector<16xf32>
    %scan3A_463 = arith.constant 0 : i32
    %scan3A_464 = arith.constant 0 : i32
    %scan3A_465 = arith.constant 256 : i32
    %scan3A_466 = arith.addi %scan3A_464, %scan3A_465 : i32
    %scan3A_467 = arith.constant 1 : i32
    scf.for %scan3A_1679 = %scan3A_464 to %scan3A_466 step %scan3A_467  : i32 {
      %swap3A = arith.index_cast %scan3A_1679 : i32 to index
      %swap3A_1680 = arith.constant 0 : index
      %swap3A_1681 = tpu.vector_load %arg5[%swap3A, %swap3A_1680] {strides = array<i32>} : memref<256x128xf32, #tpu.memory_space<vmem>>, vector<1x16xf32>,
      %swap3A_1682 = vector.shape_cast %swap3A_1681 : vector<1x16xf32> to vector<16xf32>
      %swap3A_1683 = vector.shape_cast %get3A_427 : vector<16xf32> to vector<1x16xf32>
      tpu.vector_store %arg5[%swap3A, %swap3A_1680], %swap3A_1683 {strides = array<i32>} : memref<256x128xf32, #tpu.memory_space<vmem>>, vector<1x16xf32>,
      %swap3A_1684 = arith.index_cast %scan3A_1679 : i32 to index
      %swap3A_1685 = arith.constant 16 : index
      %swap3A_1686 = tpu.vector_load %arg5[%swap3A_1684, %swap3A_1685] {strides = array<i32>} : memref<256x128xf32, #tpu.memory_space<vmem>>, vector<1x16xf32>,
      %swap3A_1687 = vector.shape_cast %swap3A_1686 : vector<1x16xf32> to vector<16xf32>
      %swap3A_1688 = vector.shape_cast %get3A_432 : vector<16xf32> to vector<1x16xf32>
      tpu.vector_store %arg5[%swap3A_1684, %swap3A_1685], %swap3A_1688 {strides = array<i32>} : memref<256x128xf32, #tpu.memory_space<vmem>>, vector<1x16xf32>,
      %swap3A_1689 = arith.index_cast %scan3A_1679 : i32 to index
      %swap3A_1690 = arith.constant 32 : index
      %swap3A_1691 = tpu.vector_load %arg5[%swap3A_1689, %swap3A_1690] {strides = array<i32>} : memref<256x128xf32, #tpu.memory_space<vmem>>, vector<1x16xf32>,
      %swap3A_1692 = vector.shape_cast %swap3A_1691 : vector<1x16xf32> to vector<16xf32>
      %swap3A_1693 = vector.shape_cast %get3A_437 : vector<16xf32> to vector<1x16xf32>
      tpu.vector_store %arg5[%swap3A_1689, %swap3A_1690], %swap3A_1693 {strides = array<i32>} : memref<256x128xf32, #tpu.memory_space<vmem>>, vector<1x16xf32>,
      %swap3A_1694 = arith.index_cast %scan3A_1679 : i32 to index
      %swap3A_1695 = arith.constant 48 : index
      %swap3A_1696 = tpu.vector_load %arg5[%swap3A_1694, %swap3A_1695] {strides = array<i32>} : memref<256x128xf32, #tpu.memory_space<vmem>>, vector<1x16xf32>,
      %swap3A_1697 = vector.shape_cast %swap3A_1696 : vector<1x16xf32> to vector<16xf32>
      %swap3A_1698 = vector.shape_cast %get3A_442 : vector<16xf32> to vector<1x16xf32>
      tpu.vector_store %arg5[%swap3A_1694, %swap3A_1695], %swap3A_1698 {strides = array<i32>} : memref<256x128xf32, #tpu.memory_space<vmem>>, vector<1x16xf32>,
      %swap3A_1699 = arith.index_cast %scan3A_1679 : i32 to index
      %swap3A_1700 = arith.constant 64 : index
      %swap3A_1701 = tpu.vector_load %arg5[%swap3A_1699, %swap3A_1700] {strides = array<i32>} : memref<256x128xf32, #tpu.memory_space<vmem>>, vector<1x16xf32>,
      %swap3A_1702 = vector.shape_cast %swap3A_1701 : vector<1x16xf32> to vector<16xf32>
      %swap3A_1703 = vector.shape_cast %get3A_447 : vector<16xf32> to vector<1x16xf32>
      tpu.vector_store %arg5[%swap3A_1699, %swap3A_1700], %swap3A_1703 {strides = array<i32>} : memref<256x128xf32, #tpu.memory_space<vmem>>, vector<1x16xf32>,
      %swap3A_1704 = arith.index_cast %scan3A_1679 : i32 to index
      %swap3A_1705 = arith.constant 80 : index
      %swap3A_1706 = tpu.vector_load %arg5[%swap3A_1704, %swap3A_1705] {strides = array<i32>} : memref<256x128xf32, #tpu.memory_space<vmem>>, vector<1x16xf32>,
      %swap3A_1707 = vector.shape_cast %swap3A_1706 : vector<1x16xf32> to vector<16xf32>
      %swap3A_1708 = vector.shape_cast %get3A_452 : vector<16xf32> to vector<1x16xf32>
      tpu.vector_store %arg5[%swap3A_1704, %swap3A_1705], %swap3A_1708 {strides = array<i32>} : memref<256x128xf32, #tpu.memory_space<vmem>>, vector<1x16xf32>,
      %swap3A_1709 = arith.index_cast %scan3A_1679 : i32 to index
      %swap3A_1710 = arith.constant 96 : index
      %swap3A_1711 = tpu.vector_load %arg5[%swap3A_1709, %swap3A_1710] {strides = array<i32>} : memref<256x128xf32, #tpu.memory_space<vmem>>, vector<1x16xf32>,
      %swap3A_1712 = vector.shape_cast %swap3A_1711 : vector<1x16xf32> to vector<16xf32>
      %swap3A_1713 = vector.shape_cast %get3A_457 : vector<16xf32> to vector<1x16xf32>
      tpu.vector_store %arg5[%swap3A_1709, %swap3A_1710], %swap3A_1713 {strides = array<i32>} : memref<256x128xf32, #tpu.memory_space<vmem>>, vector<1x16xf32>,
      %swap3A_1714 = arith.index_cast %scan3A_1679 : i32 to index
      %swap3A_1715 = arith.constant 112 : index
      %swap3A_1716 = tpu.vector_load %arg5[%swap3A_1714, %swap3A_1715] {strides = array<i32>} : memref<256x128xf32, #tpu.memory_space<vmem>>, vector<1x16xf32>,
      %swap3A_1717 = vector.shape_cast %swap3A_1716 : vector<1x16xf32> to vector<16xf32>
      %swap3A_1718 = vector.shape_cast %get3A_462 : vector<16xf32> to vector<1x16xf32>
      tpu.vector_store %arg5[%swap3A_1714, %swap3A_1715], %swap3A_1718 {strides = array<i32>} : memref<256x128xf32, #tpu.memory_space<vmem>>, vector<1x16xf32>,
    }
    %scan3A_468 = arith.constant 256 : i32
    %add3A_469 = arith.constant 64 : i32
    %add3A_470 = arith.addi %add3A_469, %add3A : i32
    %dma_start3A_471 = arith.constant 0 : i32
    %dma_start3A_472 = arith.constant 0 : i32
    %dma_start3A_473 = tpu.memref_slice %arg3[%add3A_470, %dma_start3A_471, %dma_start3A_472] : memref<257x2048x128xf32, #tpu.memory_space<hbm>> -> memref<1x256x128xf32, #tpu.memory_space<hbm>>
    %dma_start3A_474 = tpu.memref_squeeze %dma_start3A_473 : memref<1x256x128xf32, #tpu.memory_space<hbm>> -> memref<256x128xf32, #tpu.memory_space<hbm>>
    %dma_start3A_475 = arith.constant 0 : i32
    %dma_start3A_476 = arith.constant 0 : i32
    %dma_start3A_477 = tpu.memref_slice %arg3[%add3A_470, %dma_start3A_475, %dma_start3A_476] : memref<257x2048x128xf32, #tpu.memory_space<hbm>> -> memref<1x256x128xf32, #tpu.memory_space<hbm>>
    %dma_start3A_478 = tpu.memref_squeeze %dma_start3A_477 : memref<1x256x128xf32, #tpu.memory_space<hbm>> -> memref<256x128xf32, #tpu.memory_space<hbm>>
    tpu.enqueue_dma source(%arg5 : memref<256x128xf32, #tpu.memory_space<vmem>>) target(%dma_start3A_478 : memref<256x128xf32, #tpu.memory_space<hbm>>) target_semaphore(%arg16 : memref<!tpu.dma_semaphore, #tpu.memory_space<semaphore_mem>>)
    %dma_start3A_479 = arith.constant 256 : i32
    %dma_start3A_480 = arith.constant 0 : i32
    %dma_start3A_481 = tpu.memref_slice %arg3[%add3A_470, %dma_start3A_479, %dma_start3A_480] : memref<257x2048x128xf32, #tpu.memory_space<hbm>> -> memref<1x256x128xf32, #tpu.memory_space<hbm>>
    %dma_start3A_482 = tpu.memref_squeeze %dma_start3A_481 : memref<1x256x128xf32, #tpu.memory_space<hbm>> -> memref<256x128xf32, #tpu.memory_space<hbm>>
    %dma_start3A_483 = arith.constant 256 : i32
    %dma_start3A_484 = arith.constant 0 : i32
    %dma_start3A_485 = tpu.memref_slice %arg3[%add3A_470, %dma_start3A_483, %dma_start3A_484] : memref<257x2048x128xf32, #tpu.memory_space<hbm>> -> memref<1x256x128xf32, #tpu.memory_space<hbm>>
    %dma_start3A_486 = tpu.memref_squeeze %dma_start3A_485 : memref<1x256x128xf32, #tpu.memory_space<hbm>> -> memref<256x128xf32, #tpu.memory_space<hbm>>
    tpu.enqueue_dma source(%arg5 : memref<256x128xf32, #tpu.memory_space<vmem>>) target(%dma_start3A_486 : memref<256x128xf32, #tpu.memory_space<hbm>>) target_semaphore(%arg16 : memref<!tpu.dma_semaphore, #tpu.memory_space<semaphore_mem>>)
    %dma_start3A_487 = arith.constant 512 : i32
    %dma_start3A_488 = arith.constant 0 : i32
    %dma_start3A_489 = tpu.memref_slice %arg3[%add3A_470, %dma_start3A_487, %dma_start3A_488] : memref<257x2048x128xf32, #tpu.memory_space<hbm>> -> memref<1x256x128xf32, #tpu.memory_space<hbm>>
    %dma_start3A_490 = tpu.memref_squeeze %dma_start3A_489 : memref<1x256x128xf32, #tpu.memory_space<hbm>> -> memref<256x128xf32, #tpu.memory_space<hbm>>
    %dma_start3A_491 = arith.constant 512 : i32
    %dma_start3A_492 = arith.constant 0 : i32
    %dma_start3A_493 = tpu.memref_slice %arg3[%add3A_470, %dma_start3A_491, %dma_start3A_492] : memref<257x2048x128xf32, #tpu.memory_space<hbm>> -> memref<1x256x128xf32, #tpu.memory_space<hbm>>
    %dma_start3A_494 = tpu.memref_squeeze %dma_start3A_493 : memref<1x256x128xf32, #tpu.memory_space<hbm>> -> memref<256x128xf32, #tpu.memory_space<hbm>>
    tpu.enqueue_dma source(%arg5 : memref<256x128xf32, #tpu.memory_space<vmem>>) target(%dma_start3A_494 : memref<256x128xf32, #tpu.memory_space<hbm>>) target_semaphore(%arg16 : memref<!tpu.dma_semaphore, #tpu.memory_space<semaphore_mem>>)
    %dma_start3A_495 = arith.constant 768 : i32
    %dma_start3A_496 = arith.constant 0 : i32
    %dma_start3A_497 = tpu.memref_slice %arg3[%add3A_470, %dma_start3A_495, %dma_start3A_496] : memref<257x2048x128xf32, #tpu.memory_space<hbm>> -> memref<1x256x128xf32, #tpu.memory_space<hbm>>
    %dma_start3A_498 = tpu.memref_squeeze %dma_start3A_497 : memref<1x256x128xf32, #tpu.memory_space<hbm>> -> memref<256x128xf32, #tpu.memory_space<hbm>>
    %dma_start3A_499 = arith.constant 768 : i32
    %dma_start3A_500 = arith.constant 0 : i32
    %dma_start3A_501 = tpu.memref_slice %arg3[%add3A_470, %dma_start3A_499, %dma_start3A_500] : memref<257x2048x128xf32, #tpu.memory_space<hbm>> -> memref<1x256x128xf32, #tpu.memory_space<hbm>>
    %dma_start3A_502 = tpu.memref_squeeze %dma_start3A_501 : memref<1x256x128xf32, #tpu.memory_space<hbm>> -> memref<256x128xf32, #tpu.memory_space<hbm>>
    tpu.enqueue_dma source(%arg5 : memref<256x128xf32, #tpu.memory_space<vmem>>) target(%dma_start3A_502 : memref<256x128xf32, #tpu.memory_space<hbm>>) target_semaphore(%arg16 : memref<!tpu.dma_semaphore, #tpu.memory_space<semaphore_mem>>)
    %dma_start3A_503 = arith.constant 1024 : i32
    %dma_start3A_504 = arith.constant 0 : i32
    %dma_start3A_505 = tpu.memref_slice %arg3[%add3A_470, %dma_start3A_503, %dma_start3A_504] : memref<257x2048x128xf32, #tpu.memory_space<hbm>> -> memref<1x256x128xf32, #tpu.memory_space<hbm>>
    %dma_start3A_506 = tpu.memref_squeeze %dma_start3A_505 : memref<1x256x128xf32, #tpu.memory_space<hbm>> -> memref<256x128xf32, #tpu.memory_space<hbm>>
    %dma_start3A_507 = arith.constant 1024 : i32
    %dma_start3A_508 = arith.constant 0 : i32
    %dma_start3A_509 = tpu.memref_slice %arg3[%add3A_470, %dma_start3A_507, %dma_start3A_508] : memref<257x2048x128xf32, #tpu.memory_space<hbm>> -> memref<1x256x128xf32, #tpu.memory_space<hbm>>
    %dma_start3A_510 = tpu.memref_squeeze %dma_start3A_509 : memref<1x256x128xf32, #tpu.memory_space<hbm>> -> memref<256x128xf32, #tpu.memory_space<hbm>>
    tpu.enqueue_dma source(%arg5 : memref<256x128xf32, #tpu.memory_space<vmem>>) target(%dma_start3A_510 : memref<256x128xf32, #tpu.memory_space<hbm>>) target_semaphore(%arg16 : memref<!tpu.dma_semaphore, #tpu.memory_space<semaphore_mem>>)
    %dma_start3A_511 = arith.constant 1280 : i32
    %dma_start3A_512 = arith.constant 0 : i32
    %dma_start3A_513 = tpu.memref_slice %arg3[%add3A_470, %dma_start3A_511, %dma_start3A_512] : memref<257x2048x128xf32, #tpu.memory_space<hbm>> -> memref<1x256x128xf32, #tpu.memory_space<hbm>>
    %dma_start3A_514 = tpu.memref_squeeze %dma_start3A_513 : memref<1x256x128xf32, #tpu.memory_space<hbm>> -> memref<256x128xf32, #tpu.memory_space<hbm>>
    %dma_start3A_515 = arith.constant 1280 : i32
    %dma_start3A_516 = arith.constant 0 : i32
    %dma_start3A_517 = tpu.memref_slice %arg3[%add3A_470, %dma_start3A_515, %dma_start3A_516] : memref<257x2048x128xf32, #tpu.memory_space<hbm>> -> memref<1x256x128xf32, #tpu.memory_space<hbm>>
    %dma_start3A_518 = tpu.memref_squeeze %dma_start3A_517 : memref<1x256x128xf32, #tpu.memory_space<hbm>> -> memref<256x128xf32, #tpu.memory_space<hbm>>
    tpu.enqueue_dma source(%arg5 : memref<256x128xf32, #tpu.memory_space<vmem>>) target(%dma_start3A_518 : memref<256x128xf32, #tpu.memory_space<hbm>>) target_semaphore(%arg16 : memref<!tpu.dma_semaphore, #tpu.memory_space<semaphore_mem>>)
    %dma_start3A_519 = arith.constant 1536 : i32
    %dma_start3A_520 = arith.constant 0 : i32
    %dma_start3A_521 = tpu.memref_slice %arg3[%add3A_470, %dma_start3A_519, %dma_start3A_520] : memref<257x2048x128xf32, #tpu.memory_space<hbm>> -> memref<1x256x128xf32, #tpu.memory_space<hbm>>
    %dma_start3A_522 = tpu.memref_squeeze %dma_start3A_521 : memref<1x256x128xf32, #tpu.memory_space<hbm>> -> memref<256x128xf32, #tpu.memory_space<hbm>>
    %dma_start3A_523 = arith.constant 1536 : i32
    %dma_start3A_524 = arith.constant 0 : i32
    %dma_start3A_525 = tpu.memref_slice %arg3[%add3A_470, %dma_start3A_523, %dma_start3A_524] : memref<257x2048x128xf32, #tpu.memory_space<hbm>> -> memref<1x256x128xf32, #tpu.memory_space<hbm>>
    %dma_start3A_526 = tpu.memref_squeeze %dma_start3A_525 : memref<1x256x128xf32, #tpu.memory_space<hbm>> -> memref<256x128xf32, #tpu.memory_space<hbm>>
    tpu.enqueue_dma source(%arg5 : memref<256x128xf32, #tpu.memory_space<vmem>>) target(%dma_start3A_526 : memref<256x128xf32, #tpu.memory_space<hbm>>) target_semaphore(%arg16 : memref<!tpu.dma_semaphore, #tpu.memory_space<semaphore_mem>>)
    %dma_start3A_527 = arith.constant 1792 : i32
    %dma_start3A_528 = arith.constant 0 : i32
    %dma_start3A_529 = tpu.memref_slice %arg3[%add3A_470, %dma_start3A_527, %dma_start3A_528] : memref<257x2048x128xf32, #tpu.memory_space<hbm>> -> memref<1x256x128xf32, #tpu.memory_space<hbm>>
    %dma_start3A_530 = tpu.memref_squeeze %dma_start3A_529 : memref<1x256x128xf32, #tpu.memory_space<hbm>> -> memref<256x128xf32, #tpu.memory_space<hbm>>
    %dma_start3A_531 = arith.constant 1792 : i32
    %dma_start3A_532 = arith.constant 0 : i32
    %dma_start3A_533 = tpu.memref_slice %arg3[%add3A_470, %dma_start3A_531, %dma_start3A_532] : memref<257x2048x128xf32, #tpu.memory_space<hbm>> -> memref<1x256x128xf32, #tpu.memory_space<hbm>>
    %dma_start3A_534 = tpu.memref_squeeze %dma_start3A_533 : memref<1x256x128xf32, #tpu.memory_space<hbm>> -> memref<256x128xf32, #tpu.memory_space<hbm>>
    tpu.enqueue_dma source(%arg5 : memref<256x128xf32, #tpu.memory_space<vmem>>) target(%dma_start3A_534 : memref<256x128xf32, #tpu.memory_space<hbm>>) target_semaphore(%arg16 : memref<!tpu.dma_semaphore, #tpu.memory_space<semaphore_mem>>)
    %dma_wait3A_535 = arith.constant 0 : i32
    %dma_wait3A_536 = arith.constant 0 : i32
    %dma_wait3A_537 = tpu.memref_slice %arg3[%add3A_284, %dma_wait3A_535, %dma_wait3A_536] : memref<257x2048x128xf32, #tpu.memory_space<hbm>> -> memref<1x256x128xf32, #tpu.memory_space<hbm>>
    %dma_wait3A_538 = tpu.memref_squeeze %dma_wait3A_537 : memref<1x256x128xf32, #tpu.memory_space<hbm>> -> memref<256x128xf32, #tpu.memory_space<hbm>>
    %dma_wait3A_539 = arith.constant 0 : i32
    %dma_wait3A_540 = arith.constant 0 : i32
    %dma_wait3A_541 = tpu.memref_slice %arg3[%add3A_284, %dma_wait3A_539, %dma_wait3A_540] : memref<257x2048x128xf32, #tpu.memory_space<hbm>> -> memref<1x256x128xf32, #tpu.memory_space<hbm>>
    %dma_wait3A_542 = tpu.memref_squeeze %dma_wait3A_541 : memref<1x256x128xf32, #tpu.memory_space<hbm>> -> memref<256x128xf32, #tpu.memory_space<hbm>>
    tpu.wait_dma2 semaphore(%arg17 : memref<!tpu.dma_semaphore, #tpu.memory_space<semaphore_mem>>) src(%arg6 : memref<256x128xf32, #tpu.memory_space<vmem>>) dst(%dma_wait3A_542 : memref<256x128xf32, #tpu.memory_space<hbm>>)
    %dma_wait3A_543 = arith.constant 256 : i32
    %dma_wait3A_544 = arith.constant 0 : i32
    %dma_wait3A_545 = tpu.memref_slice %arg3[%add3A_284, %dma_wait3A_543, %dma_wait3A_544] : memref<257x2048x128xf32, #tpu.memory_space<hbm>> -> memref<1x256x128xf32, #tpu.memory_space<hbm>>
    %dma_wait3A_546 = tpu.memref_squeeze %dma_wait3A_545 : memref<1x256x128xf32, #tpu.memory_space<hbm>> -> memref<256x128xf32, #tpu.memory_space<hbm>>
    %dma_wait3A_547 = arith.constant 256 : i32
    %dma_wait3A_548 = arith.constant 0 : i32
    %dma_wait3A_549 = tpu.memref_slice %arg3[%add3A_284, %dma_wait3A_547, %dma_wait3A_548] : memref<257x2048x128xf32, #tpu.memory_space<hbm>> -> memref<1x256x128xf32, #tpu.memory_space<hbm>>
    %dma_wait3A_550 = tpu.memref_squeeze %dma_wait3A_549 : memref<1x256x128xf32, #tpu.memory_space<hbm>> -> memref<256x128xf32, #tpu.memory_space<hbm>>
    tpu.wait_dma2 semaphore(%arg17 : memref<!tpu.dma_semaphore, #tpu.memory_space<semaphore_mem>>) src(%arg6 : memref<256x128xf32, #tpu.memory_space<vmem>>) dst(%dma_wait3A_550 : memref<256x128xf32, #tpu.memory_space<hbm>>)
    %dma_wait3A_551 = arith.constant 512 : i32
    %dma_wait3A_552 = arith.constant 0 : i32
    %dma_wait3A_553 = tpu.memref_slice %arg3[%add3A_284, %dma_wait3A_551, %dma_wait3A_552] : memref<257x2048x128xf32, #tpu.memory_space<hbm>> -> memref<1x256x128xf32, #tpu.memory_space<hbm>>
    %dma_wait3A_554 = tpu.memref_squeeze %dma_wait3A_553 : memref<1x256x128xf32, #tpu.memory_space<hbm>> -> memref<256x128xf32, #tpu.memory_space<hbm>>
    %dma_wait3A_555 = arith.constant 512 : i32
    %dma_wait3A_556 = arith.constant 0 : i32
    %dma_wait3A_557 = tpu.memref_slice %arg3[%add3A_284, %dma_wait3A_555, %dma_wait3A_556] : memref<257x2048x128xf32, #tpu.memory_space<hbm>> -> memref<1x256x128xf32, #tpu.memory_space<hbm>>
    %dma_wait3A_558 = tpu.memref_squeeze %dma_wait3A_557 : memref<1x256x128xf32, #tpu.memory_space<hbm>> -> memref<256x128xf32, #tpu.memory_space<hbm>>
    tpu.wait_dma2 semaphore(%arg17 : memref<!tpu.dma_semaphore, #tpu.memory_space<semaphore_mem>>) src(%arg6 : memref<256x128xf32, #tpu.memory_space<vmem>>) dst(%dma_wait3A_558 : memref<256x128xf32, #tpu.memory_space<hbm>>)
    %dma_wait3A_559 = arith.constant 768 : i32
    %dma_wait3A_560 = arith.constant 0 : i32
    %dma_wait3A_561 = tpu.memref_slice %arg3[%add3A_284, %dma_wait3A_559, %dma_wait3A_560] : memref<257x2048x128xf32, #tpu.memory_space<hbm>> -> memref<1x256x128xf32, #tpu.memory_space<hbm>>
    %dma_wait3A_562 = tpu.memref_squeeze %dma_wait3A_561 : memref<1x256x128xf32, #tpu.memory_space<hbm>> -> memref<256x128xf32, #tpu.memory_space<hbm>>
    %dma_wait3A_563 = arith.constant 768 : i32
    %dma_wait3A_564 = arith.constant 0 : i32
    %dma_wait3A_565 = tpu.memref_slice %arg3[%add3A_284, %dma_wait3A_563, %dma_wait3A_564] : memref<257x2048x128xf32, #tpu.memory_space<hbm>> -> memref<1x256x128xf32, #tpu.memory_space<hbm>>
    %dma_wait3A_566 = tpu.memref_squeeze %dma_wait3A_565 : memref<1x256x128xf32, #tpu.memory_space<hbm>> -> memref<256x128xf32, #tpu.memory_space<hbm>>
    tpu.wait_dma2 semaphore(%arg17 : memref<!tpu.dma_semaphore, #tpu.memory_space<semaphore_mem>>) src(%arg6 : memref<256x128xf32, #tpu.memory_space<vmem>>) dst(%dma_wait3A_566 : memref<256x128xf32, #tpu.memory_space<hbm>>)
    %dma_wait3A_567 = arith.constant 1024 : i32
    %dma_wait3A_568 = arith.constant 0 : i32
    %dma_wait3A_569 = tpu.memref_slice %arg3[%add3A_284, %dma_wait3A_567, %dma_wait3A_568] : memref<257x2048x128xf32, #tpu.memory_space<hbm>> -> memref<1x256x128xf32, #tpu.memory_space<hbm>>
    %dma_wait3A_570 = tpu.memref_squeeze %dma_wait3A_569 : memref<1x256x128xf32, #tpu.memory_space<hbm>> -> memref<256x128xf32, #tpu.memory_space<hbm>>
    %dma_wait3A_571 = arith.constant 1024 : i32
    %dma_wait3A_572 = arith.constant 0 : i32
    %dma_wait3A_573 = tpu.memref_slice %arg3[%add3A_284, %dma_wait3A_571, %dma_wait3A_572] : memref<257x2048x128xf32, #tpu.memory_space<hbm>> -> memref<1x256x128xf32, #tpu.memory_space<hbm>>
    %dma_wait3A_574 = tpu.memref_squeeze %dma_wait3A_573 : memref<1x256x128xf32, #tpu.memory_space<hbm>> -> memref<256x128xf32, #tpu.memory_space<hbm>>
    tpu.wait_dma2 semaphore(%arg17 : memref<!tpu.dma_semaphore, #tpu.memory_space<semaphore_mem>>) src(%arg6 : memref<256x128xf32, #tpu.memory_space<vmem>>) dst(%dma_wait3A_574 : memref<256x128xf32, #tpu.memory_space<hbm>>)
    %dma_wait3A_575 = arith.constant 1280 : i32
    %dma_wait3A_576 = arith.constant 0 : i32
    %dma_wait3A_577 = tpu.memref_slice %arg3[%add3A_284, %dma_wait3A_575, %dma_wait3A_576] : memref<257x2048x128xf32, #tpu.memory_space<hbm>> -> memref<1x256x128xf32, #tpu.memory_space<hbm>>
    %dma_wait3A_578 = tpu.memref_squeeze %dma_wait3A_577 : memref<1x256x128xf32, #tpu.memory_space<hbm>> -> memref<256x128xf32, #tpu.memory_space<hbm>>
    %dma_wait3A_579 = arith.constant 1280 : i32
    %dma_wait3A_580 = arith.constant 0 : i32
    %dma_wait3A_581 = tpu.memref_slice %arg3[%add3A_284, %dma_wait3A_579, %dma_wait3A_580] : memref<257x2048x128xf32, #tpu.memory_space<hbm>> -> memref<1x256x128xf32, #tpu.memory_space<hbm>>
    %dma_wait3A_582 = tpu.memref_squeeze %dma_wait3A_581 : memref<1x256x128xf32, #tpu.memory_space<hbm>> -> memref<256x128xf32, #tpu.memory_space<hbm>>
    tpu.wait_dma2 semaphore(%arg17 : memref<!tpu.dma_semaphore, #tpu.memory_space<semaphore_mem>>) src(%arg6 : memref<256x128xf32, #tpu.memory_space<vmem>>) dst(%dma_wait3A_582 : memref<256x128xf32, #tpu.memory_space<hbm>>)
    %dma_wait3A_583 = arith.constant 1536 : i32
    %dma_wait3A_584 = arith.constant 0 : i32
    %dma_wait3A_585 = tpu.memref_slice %arg3[%add3A_284, %dma_wait3A_583, %dma_wait3A_584] : memref<257x2048x128xf32, #tpu.memory_space<hbm>> -> memref<1x256x128xf32, #tpu.memory_space<hbm>>
    %dma_wait3A_586 = tpu.memref_squeeze %dma_wait3A_585 : memref<1x256x128xf32, #tpu.memory_space<hbm>> -> memref<256x128xf32, #tpu.memory_space<hbm>>
    %dma_wait3A_587 = arith.constant 1536 : i32
    %dma_wait3A_588 = arith.constant 0 : i32
    %dma_wait3A_589 = tpu.memref_slice %arg3[%add3A_284, %dma_wait3A_587, %dma_wait3A_588] : memref<257x2048x128xf32, #tpu.memory_space<hbm>> -> memref<1x256x128xf32, #tpu.memory_space<hbm>>
    %dma_wait3A_590 = tpu.memref_squeeze %dma_wait3A_589 : memref<1x256x128xf32, #tpu.memory_space<hbm>> -> memref<256x128xf32, #tpu.memory_space<hbm>>
    tpu.wait_dma2 semaphore(%arg17 : memref<!tpu.dma_semaphore, #tpu.memory_space<semaphore_mem>>) src(%arg6 : memref<256x128xf32, #tpu.memory_space<vmem>>) dst(%dma_wait3A_590 : memref<256x128xf32, #tpu.memory_space<hbm>>)
    %dma_wait3A_591 = arith.constant 1792 : i32
    %dma_wait3A_592 = arith.constant 0 : i32
    %dma_wait3A_593 = tpu.memref_slice %arg3[%add3A_284, %dma_wait3A_591, %dma_wait3A_592] : memref<257x2048x128xf32, #tpu.memory_space<hbm>> -> memref<1x256x128xf32, #tpu.memory_space<hbm>>
    %dma_wait3A_594 = tpu.memref_squeeze %dma_wait3A_593 : memref<1x256x128xf32, #tpu.memory_space<hbm>> -> memref<256x128xf32, #tpu.memory_space<hbm>>
    %dma_wait3A_595 = arith.constant 1792 : i32
    %dma_wait3A_596 = arith.constant 0 : i32
    %dma_wait3A_597 = tpu.memref_slice %arg3[%add3A_284, %dma_wait3A_595, %dma_wait3A_596] : memref<257x2048x128xf32, #tpu.memory_space<hbm>> -> memref<1x256x128xf32, #tpu.memory_space<hbm>>
    %dma_wait3A_598 = tpu.memref_squeeze %dma_wait3A_597 : memref<1x256x128xf32, #tpu.memory_space<hbm>> -> memref<256x128xf32, #tpu.memory_space<hbm>>
    tpu.wait_dma2 semaphore(%arg17 : memref<!tpu.dma_semaphore, #tpu.memory_space<semaphore_mem>>) src(%arg6 : memref<256x128xf32, #tpu.memory_space<vmem>>) dst(%dma_wait3A_598 : memref<256x128xf32, #tpu.memory_space<hbm>>)
    %dma_wait3A_599 = arith.constant 3 : i32
    %dma_wait3A_600 = arith.constant 0 : i32
    %dma_wait3A_601 = tpu.memref_slice %arg4[%dma_wait3A_599, %dma_wait3A_600] : memref<9x128xf32, #tpu.memory_space<vmem>> -> memref<1x128xf32, #tpu.memory_space<vmem>>
    %dma_wait3A_602 = arith.constant 0 : i32
    %dma_wait3A_603 = tpu.memref_slice %arg2[%add3A_37, %dma_wait3A_602] : memref<257x128xf32, #tpu.memory_space<hbm>> -> memref<1x128xf32, #tpu.memory_space<hbm>>
    %dma_wait3A_604 = arith.constant 3 : i32
    %dma_wait3A_605 = arith.constant 0 : i32
    %dma_wait3A_606 = tpu.memref_slice %arg4[%dma_wait3A_604, %dma_wait3A_605] : memref<9x128xf32, #tpu.memory_space<vmem>> -> memref<1x128xf32, #tpu.memory_space<vmem>>
    %dma_wait3A_607 = arith.constant 0 : i32
    %dma_wait3A_608 = tpu.memref_slice %arg2[%add3A_37, %dma_wait3A_607] : memref<257x128xf32, #tpu.memory_space<hbm>> -> memref<1x128xf32, #tpu.memory_space<hbm>>
    tpu.wait_dma2 semaphore(%arg10 : memref<!tpu.dma_semaphore, #tpu.memory_space<semaphore_mem>>) src(%dma_wait3A_608 : memref<1x128xf32, #tpu.memory_space<hbm>>) dst(%dma_wait3A_606 : memref<1x128xf32, #tpu.memory_space<vmem>>)
    %get3A_609 = arith.constant 3 : i32
    %get3A_610 = arith.index_cast %get3A_609 : i32 to index
    %get3A_611 = arith.constant 0 : index
    %get3A_612 = tpu.vector_load %arg4[%get3A_610, %get3A_611] {strides = array<i32>} : memref<9x128xf32, #tpu.memory_space<vmem>>, vector<1x16xf32>,
    %get3A_613 = vector.shape_cast %get3A_612 : vector<1x16xf32> to vector<16xf32>
    %get3A_614 = arith.constant 3 : i32
    %get3A_615 = arith.index_cast %get3A_614 : i32 to index
    %get3A_616 = arith.constant 16 : index
    %get3A_617 = tpu.vector_load %arg4[%get3A_615, %get3A_616] {strides = array<i32>} : memref<9x128xf32, #tpu.memory_space<vmem>>, vector<1x16xf32>,
    %get3A_618 = vector.shape_cast %get3A_617 : vector<1x16xf32> to vector<16xf32>
    %get3A_619 = arith.constant 3 : i32
    %get3A_620 = arith.index_cast %get3A_619 : i32 to index
    %get3A_621 = arith.constant 32 : index
    %get3A_622 = tpu.vector_load %arg4[%get3A_620, %get3A_621] {strides = array<i32>} : memref<9x128xf32, #tpu.memory_space<vmem>>, vector<1x16xf32>,
    %get3A_623 = vector.shape_cast %get3A_622 : vector<1x16xf32> to vector<16xf32>
    %get3A_624 = arith.constant 3 : i32
    %get3A_625 = arith.index_cast %get3A_624 : i32 to index
    %get3A_626 = arith.constant 48 : index
    %get3A_627 = tpu.vector_load %arg4[%get3A_625, %get3A_626] {strides = array<i32>} : memref<9x128xf32, #tpu.memory_space<vmem>>, vector<1x16xf32>,
    %get3A_628 = vector.shape_cast %get3A_627 : vector<1x16xf32> to vector<16xf32>
    %get3A_629 = arith.constant 3 : i32
    %get3A_630 = arith.index_cast %get3A_629 : i32 to index
    %get3A_631 = arith.constant 64 : index
    %get3A_632 = tpu.vector_load %arg4[%get3A_630, %get3A_631] {strides = array<i32>} : memref<9x128xf32, #tpu.memory_space<vmem>>, vector<1x16xf32>,
    %get3A_633 = vector.shape_cast %get3A_632 : vector<1x16xf32> to vector<16xf32>
    %get3A_634 = arith.constant 3 : i32
    %get3A_635 = arith.index_cast %get3A_634 : i32 to index
    %get3A_636 = arith.constant 80 : index
    %get3A_637 = tpu.vector_load %arg4[%get3A_635, %get3A_636] {strides = array<i32>} : memref<9x128xf32, #tpu.memory_space<vmem>>, vector<1x16xf32>,
    %get3A_638 = vector.shape_cast %get3A_637 : vector<1x16xf32> to vector<16xf32>
    %get3A_639 = arith.constant 3 : i32
    %get3A_640 = arith.index_cast %get3A_639 : i32 to index
    %get3A_641 = arith.constant 96 : index
    %get3A_642 = tpu.vector_load %arg4[%get3A_640, %get3A_641] {strides = array<i32>} : memref<9x128xf32, #tpu.memory_space<vmem>>, vector<1x16xf32>,
    %get3A_643 = vector.shape_cast %get3A_642 : vector<1x16xf32> to vector<16xf32>
    %get3A_644 = arith.constant 3 : i32
    %get3A_645 = arith.index_cast %get3A_644 : i32 to index
    %get3A_646 = arith.constant 112 : index
    %get3A_647 = tpu.vector_load %arg4[%get3A_645, %get3A_646] {strides = array<i32>} : memref<9x128xf32, #tpu.memory_space<vmem>>, vector<1x16xf32>,
    %get3A_648 = vector.shape_cast %get3A_647 : vector<1x16xf32> to vector<16xf32>
    %scan3A_649 = arith.constant 0 : i32
    %scan3A_650 = arith.constant 0 : i32
    %scan3A_651 = arith.constant 256 : i32
    %scan3A_652 = arith.addi %scan3A_650, %scan3A_651 : i32
    %scan3A_653 = arith.constant 1 : i32
    scf.for %scan3A_1679 = %scan3A_650 to %scan3A_652 step %scan3A_653  : i32 {
      %swap3A = arith.index_cast %scan3A_1679 : i32 to index
      %swap3A_1680 = arith.constant 0 : index
      %swap3A_1681 = tpu.vector_load %arg6[%swap3A, %swap3A_1680] {strides = array<i32>} : memref<256x128xf32, #tpu.memory_space<vmem>>, vector<1x16xf32>,
      %swap3A_1682 = vector.shape_cast %swap3A_1681 : vector<1x16xf32> to vector<16xf32>
      %swap3A_1683 = vector.shape_cast %get3A_613 : vector<16xf32> to vector<1x16xf32>
      tpu.vector_store %arg6[%swap3A, %swap3A_1680], %swap3A_1683 {strides = array<i32>} : memref<256x128xf32, #tpu.memory_space<vmem>>, vector<1x16xf32>,
      %swap3A_1684 = arith.index_cast %scan3A_1679 : i32 to index
      %swap3A_1685 = arith.constant 16 : index
      %swap3A_1686 = tpu.vector_load %arg6[%swap3A_1684, %swap3A_1685] {strides = array<i32>} : memref<256x128xf32, #tpu.memory_space<vmem>>, vector<1x16xf32>,
      %swap3A_1687 = vector.shape_cast %swap3A_1686 : vector<1x16xf32> to vector<16xf32>
      %swap3A_1688 = vector.shape_cast %get3A_618 : vector<16xf32> to vector<1x16xf32>
      tpu.vector_store %arg6[%swap3A_1684, %swap3A_1685], %swap3A_1688 {strides = array<i32>} : memref<256x128xf32, #tpu.memory_space<vmem>>, vector<1x16xf32>,
      %swap3A_1689 = arith.index_cast %scan3A_1679 : i32 to index
      %swap3A_1690 = arith.constant 32 : index
      %swap3A_1691 = tpu.vector_load %arg6[%swap3A_1689, %swap3A_1690] {strides = array<i32>} : memref<256x128xf32, #tpu.memory_space<vmem>>, vector<1x16xf32>,
      %swap3A_1692 = vector.shape_cast %swap3A_1691 : vector<1x16xf32> to vector<16xf32>
      %swap3A_1693 = vector.shape_cast %get3A_623 : vector<16xf32> to vector<1x16xf32>
      tpu.vector_store %arg6[%swap3A_1689, %swap3A_1690], %swap3A_1693 {strides = array<i32>} : memref<256x128xf32, #tpu.memory_space<vmem>>, vector<1x16xf32>,
      %swap3A_1694 = arith.index_cast %scan3A_1679 : i32 to index
      %swap3A_1695 = arith.constant 48 : index
      %swap3A_1696 = tpu.vector_load %arg6[%swap3A_1694, %swap3A_1695] {strides = array<i32>} : memref<256x128xf32, #tpu.memory_space<vmem>>, vector<1x16xf32>,
      %swap3A_1697 = vector.shape_cast %swap3A_1696 : vector<1x16xf32> to vector<16xf32>
      %swap3A_1698 = vector.shape_cast %get3A_628 : vector<16xf32> to vector<1x16xf32>
      tpu.vector_store %arg6[%swap3A_1694, %swap3A_1695], %swap3A_1698 {strides = array<i32>} : memref<256x128xf32, #tpu.memory_space<vmem>>, vector<1x16xf32>,
      %swap3A_1699 = arith.index_cast %scan3A_1679 : i32 to index
      %swap3A_1700 = arith.constant 64 : index
      %swap3A_1701 = tpu.vector_load %arg6[%swap3A_1699, %swap3A_1700] {strides = array<i32>} : memref<256x128xf32, #tpu.memory_space<vmem>>, vector<1x16xf32>,
      %swap3A_1702 = vector.shape_cast %swap3A_1701 : vector<1x16xf32> to vector<16xf32>
      %swap3A_1703 = vector.shape_cast %get3A_633 : vector<16xf32> to vector<1x16xf32>
      tpu.vector_store %arg6[%swap3A_1699, %swap3A_1700], %swap3A_1703 {strides = array<i32>} : memref<256x128xf32, #tpu.memory_space<vmem>>, vector<1x16xf32>,
      %swap3A_1704 = arith.index_cast %scan3A_1679 : i32 to index
      %swap3A_1705 = arith.constant 80 : index
      %swap3A_1706 = tpu.vector_load %arg6[%swap3A_1704, %swap3A_1705] {strides = array<i32>} : memref<256x128xf32, #tpu.memory_space<vmem>>, vector<1x16xf32>,
      %swap3A_1707 = vector.shape_cast %swap3A_1706 : vector<1x16xf32> to vector<16xf32>
      %swap3A_1708 = vector.shape_cast %get3A_638 : vector<16xf32> to vector<1x16xf32>
      tpu.vector_store %arg6[%swap3A_1704, %swap3A_1705], %swap3A_1708 {strides = array<i32>} : memref<256x128xf32, #tpu.memory_space<vmem>>, vector<1x16xf32>,
      %swap3A_1709 = arith.index_cast %scan3A_1679 : i32 to index
      %swap3A_1710 = arith.constant 96 : index
      %swap3A_1711 = tpu.vector_load %arg6[%swap3A_1709, %swap3A_1710] {strides = array<i32>} : memref<256x128xf32, #tpu.memory_space<vmem>>, vector<1x16xf32>,
      %swap3A_1712 = vector.shape_cast %swap3A_1711 : vector<1x16xf32> to vector<16xf32>
      %swap3A_1713 = vector.shape_cast %get3A_643 : vector<16xf32> to vector<1x16xf32>
      tpu.vector_store %arg6[%swap3A_1709, %swap3A_1710], %swap3A_1713 {strides = array<i32>} : memref<256x128xf32, #tpu.memory_space<vmem>>, vector<1x16xf32>,
      %swap3A_1714 = arith.index_cast %scan3A_1679 : i32 to index
      %swap3A_1715 = arith.constant 112 : index
      %swap3A_1716 = tpu.vector_load %arg6[%swap3A_1714, %swap3A_1715] {strides = array<i32>} : memref<256x128xf32, #tpu.memory_space<vmem>>, vector<1x16xf32>,
      %swap3A_1717 = vector.shape_cast %swap3A_1716 : vector<1x16xf32> to vector<16xf32>
      %swap3A_1718 = vector.shape_cast %get3A_648 : vector<16xf32> to vector<1x16xf32>
      tpu.vector_store %arg6[%swap3A_1714, %swap3A_1715], %swap3A_1718 {strides = array<i32>} : memref<256x128xf32, #tpu.memory_space<vmem>>, vector<1x16xf32>,
    }
    %scan3A_654 = arith.constant 256 : i32
    %add3A_655 = arith.constant 96 : i32
    %add3A_656 = arith.addi %add3A_655, %add3A : i32
    %dma_start3A_657 = arith.constant 0 : i32
    %dma_start3A_658 = arith.constant 0 : i32
    %dma_start3A_659 = tpu.memref_slice %arg3[%add3A_656, %dma_start3A_657, %dma_start3A_658] : memref<257x2048x128xf32, #tpu.memory_space<hbm>> -> memref<1x256x128xf32, #tpu.memory_space<hbm>>
    %dma_start3A_660 = tpu.memref_squeeze %dma_start3A_659 : memref<1x256x128xf32, #tpu.memory_space<hbm>> -> memref<256x128xf32, #tpu.memory_space<hbm>>
    %dma_start3A_661 = arith.constant 0 : i32
    %dma_start3A_662 = arith.constant 0 : i32
    %dma_start3A_663 = tpu.memref_slice %arg3[%add3A_656, %dma_start3A_661, %dma_start3A_662] : memref<257x2048x128xf32, #tpu.memory_space<hbm>> -> memref<1x256x128xf32, #tpu.memory_space<hbm>>
    %dma_start3A_664 = tpu.memref_squeeze %dma_start3A_663 : memref<1x256x128xf32, #tpu.memory_space<hbm>> -> memref<256x128xf32, #tpu.memory_space<hbm>>
    tpu.enqueue_dma source(%arg6 : memref<256x128xf32, #tpu.memory_space<vmem>>) target(%dma_start3A_664 : memref<256x128xf32, #tpu.memory_space<hbm>>) target_semaphore(%arg17 : memref<!tpu.dma_semaphore, #tpu.memory_space<semaphore_mem>>)
    %dma_start3A_665 = arith.constant 256 : i32
    %dma_start3A_666 = arith.constant 0 : i32
    %dma_start3A_667 = tpu.memref_slice %arg3[%add3A_656, %dma_start3A_665, %dma_start3A_666] : memref<257x2048x128xf32, #tpu.memory_space<hbm>> -> memref<1x256x128xf32, #tpu.memory_space<hbm>>
    %dma_start3A_668 = tpu.memref_squeeze %dma_start3A_667 : memref<1x256x128xf32, #tpu.memory_space<hbm>> -> memref<256x128xf32, #tpu.memory_space<hbm>>
    %dma_start3A_669 = arith.constant 256 : i32
    %dma_start3A_670 = arith.constant 0 : i32
    %dma_start3A_671 = tpu.memref_slice %arg3[%add3A_656, %dma_start3A_669, %dma_start3A_670] : memref<257x2048x128xf32, #tpu.memory_space<hbm>> -> memref<1x256x128xf32, #tpu.memory_space<hbm>>
    %dma_start3A_672 = tpu.memref_squeeze %dma_start3A_671 : memref<1x256x128xf32, #tpu.memory_space<hbm>> -> memref<256x128xf32, #tpu.memory_space<hbm>>
    tpu.enqueue_dma source(%arg6 : memref<256x128xf32, #tpu.memory_space<vmem>>) target(%dma_start3A_672 : memref<256x128xf32, #tpu.memory_space<hbm>>) target_semaphore(%arg17 : memref<!tpu.dma_semaphore, #tpu.memory_space<semaphore_mem>>)
    %dma_start3A_673 = arith.constant 512 : i32
    %dma_start3A_674 = arith.constant 0 : i32
    %dma_start3A_675 = tpu.memref_slice %arg3[%add3A_656, %dma_start3A_673, %dma_start3A_674] : memref<257x2048x128xf32, #tpu.memory_space<hbm>> -> memref<1x256x128xf32, #tpu.memory_space<hbm>>
    %dma_start3A_676 = tpu.memref_squeeze %dma_start3A_675 : memref<1x256x128xf32, #tpu.memory_space<hbm>> -> memref<256x128xf32, #tpu.memory_space<hbm>>
    %dma_start3A_677 = arith.constant 512 : i32
    %dma_start3A_678 = arith.constant 0 : i32
    %dma_start3A_679 = tpu.memref_slice %arg3[%add3A_656, %dma_start3A_677, %dma_start3A_678] : memref<257x2048x128xf32, #tpu.memory_space<hbm>> -> memref<1x256x128xf32, #tpu.memory_space<hbm>>
    %dma_start3A_680 = tpu.memref_squeeze %dma_start3A_679 : memref<1x256x128xf32, #tpu.memory_space<hbm>> -> memref<256x128xf32, #tpu.memory_space<hbm>>
    tpu.enqueue_dma source(%arg6 : memref<256x128xf32, #tpu.memory_space<vmem>>) target(%dma_start3A_680 : memref<256x128xf32, #tpu.memory_space<hbm>>) target_semaphore(%arg17 : memref<!tpu.dma_semaphore, #tpu.memory_space<semaphore_mem>>)
    %dma_start3A_681 = arith.constant 768 : i32
    %dma_start3A_682 = arith.constant 0 : i32
    %dma_start3A_683 = tpu.memref_slice %arg3[%add3A_656, %dma_start3A_681, %dma_start3A_682] : memref<257x2048x128xf32, #tpu.memory_space<hbm>> -> memref<1x256x128xf32, #tpu.memory_space<hbm>>
    %dma_start3A_684 = tpu.memref_squeeze %dma_start3A_683 : memref<1x256x128xf32, #tpu.memory_space<hbm>> -> memref<256x128xf32, #tpu.memory_space<hbm>>
    %dma_start3A_685 = arith.constant 768 : i32
    %dma_start3A_686 = arith.constant 0 : i32
    %dma_start3A_687 = tpu.memref_slice %arg3[%add3A_656, %dma_start3A_685, %dma_start3A_686] : memref<257x2048x128xf32, #tpu.memory_space<hbm>> -> memref<1x256x128xf32, #tpu.memory_space<hbm>>
    %dma_start3A_688 = tpu.memref_squeeze %dma_start3A_687 : memref<1x256x128xf32, #tpu.memory_space<hbm>> -> memref<256x128xf32, #tpu.memory_space<hbm>>
    tpu.enqueue_dma source(%arg6 : memref<256x128xf32, #tpu.memory_space<vmem>>) target(%dma_start3A_688 : memref<256x128xf32, #tpu.memory_space<hbm>>) target_semaphore(%arg17 : memref<!tpu.dma_semaphore, #tpu.memory_space<semaphore_mem>>)
    %dma_start3A_689 = arith.constant 1024 : i32
    %dma_start3A_690 = arith.constant 0 : i32
    %dma_start3A_691 = tpu.memref_slice %arg3[%add3A_656, %dma_start3A_689, %dma_start3A_690] : memref<257x2048x128xf32, #tpu.memory_space<hbm>> -> memref<1x256x128xf32, #tpu.memory_space<hbm>>
    %dma_start3A_692 = tpu.memref_squeeze %dma_start3A_691 : memref<1x256x128xf32, #tpu.memory_space<hbm>> -> memref<256x128xf32, #tpu.memory_space<hbm>>
    %dma_start3A_693 = arith.constant 1024 : i32
    %dma_start3A_694 = arith.constant 0 : i32
    %dma_start3A_695 = tpu.memref_slice %arg3[%add3A_656, %dma_start3A_693, %dma_start3A_694] : memref<257x2048x128xf32, #tpu.memory_space<hbm>> -> memref<1x256x128xf32, #tpu.memory_space<hbm>>
    %dma_start3A_696 = tpu.memref_squeeze %dma_start3A_695 : memref<1x256x128xf32, #tpu.memory_space<hbm>> -> memref<256x128xf32, #tpu.memory_space<hbm>>
    tpu.enqueue_dma source(%arg6 : memref<256x128xf32, #tpu.memory_space<vmem>>) target(%dma_start3A_696 : memref<256x128xf32, #tpu.memory_space<hbm>>) target_semaphore(%arg17 : memref<!tpu.dma_semaphore, #tpu.memory_space<semaphore_mem>>)
    %dma_start3A_697 = arith.constant 1280 : i32
    %dma_start3A_698 = arith.constant 0 : i32
    %dma_start3A_699 = tpu.memref_slice %arg3[%add3A_656, %dma_start3A_697, %dma_start3A_698] : memref<257x2048x128xf32, #tpu.memory_space<hbm>> -> memref<1x256x128xf32, #tpu.memory_space<hbm>>
    %dma_start3A_700 = tpu.memref_squeeze %dma_start3A_699 : memref<1x256x128xf32, #tpu.memory_space<hbm>> -> memref<256x128xf32, #tpu.memory_space<hbm>>
    %dma_start3A_701 = arith.constant 1280 : i32
    %dma_start3A_702 = arith.constant 0 : i32
    %dma_start3A_703 = tpu.memref_slice %arg3[%add3A_656, %dma_start3A_701, %dma_start3A_702] : memref<257x2048x128xf32, #tpu.memory_space<hbm>> -> memref<1x256x128xf32, #tpu.memory_space<hbm>>
    %dma_start3A_704 = tpu.memref_squeeze %dma_start3A_703 : memref<1x256x128xf32, #tpu.memory_space<hbm>> -> memref<256x128xf32, #tpu.memory_space<hbm>>
    tpu.enqueue_dma source(%arg6 : memref<256x128xf32, #tpu.memory_space<vmem>>) target(%dma_start3A_704 : memref<256x128xf32, #tpu.memory_space<hbm>>) target_semaphore(%arg17 : memref<!tpu.dma_semaphore, #tpu.memory_space<semaphore_mem>>)
    %dma_start3A_705 = arith.constant 1536 : i32
    %dma_start3A_706 = arith.constant 0 : i32
    %dma_start3A_707 = tpu.memref_slice %arg3[%add3A_656, %dma_start3A_705, %dma_start3A_706] : memref<257x2048x128xf32, #tpu.memory_space<hbm>> -> memref<1x256x128xf32, #tpu.memory_space<hbm>>
    %dma_start3A_708 = tpu.memref_squeeze %dma_start3A_707 : memref<1x256x128xf32, #tpu.memory_space<hbm>> -> memref<256x128xf32, #tpu.memory_space<hbm>>
    %dma_start3A_709 = arith.constant 1536 : i32
    %dma_start3A_710 = arith.constant 0 : i32
    %dma_start3A_711 = tpu.memref_slice %arg3[%add3A_656, %dma_start3A_709, %dma_start3A_710] : memref<257x2048x128xf32, #tpu.memory_space<hbm>> -> memref<1x256x128xf32, #tpu.memory_space<hbm>>
    %dma_start3A_712 = tpu.memref_squeeze %dma_start3A_711 : memref<1x256x128xf32, #tpu.memory_space<hbm>> -> memref<256x128xf32, #tpu.memory_space<hbm>>
    tpu.enqueue_dma source(%arg6 : memref<256x128xf32, #tpu.memory_space<vmem>>) target(%dma_start3A_712 : memref<256x128xf32, #tpu.memory_space<hbm>>) target_semaphore(%arg17 : memref<!tpu.dma_semaphore, #tpu.memory_space<semaphore_mem>>)
    %dma_start3A_713 = arith.constant 1792 : i32
    %dma_start3A_714 = arith.constant 0 : i32
    %dma_start3A_715 = tpu.memref_slice %arg3[%add3A_656, %dma_start3A_713, %dma_start3A_714] : memref<257x2048x128xf32, #tpu.memory_space<hbm>> -> memref<1x256x128xf32, #tpu.memory_space<hbm>>
    %dma_start3A_716 = tpu.memref_squeeze %dma_start3A_715 : memref<1x256x128xf32, #tpu.memory_space<hbm>> -> memref<256x128xf32, #tpu.memory_space<hbm>>
    %dma_start3A_717 = arith.constant 1792 : i32
    %dma_start3A_718 = arith.constant 0 : i32
    %dma_start3A_719 = tpu.memref_slice %arg3[%add3A_656, %dma_start3A_717, %dma_start3A_718] : memref<257x2048x128xf32, #tpu.memory_space<hbm>> -> memref<1x256x128xf32, #tpu.memory_space<hbm>>
    %dma_start3A_720 = tpu.memref_squeeze %dma_start3A_719 : memref<1x256x128xf32, #tpu.memory_space<hbm>> -> memref<256x128xf32, #tpu.memory_space<hbm>>
    tpu.enqueue_dma source(%arg6 : memref<256x128xf32, #tpu.memory_space<vmem>>) target(%dma_start3A_720 : memref<256x128xf32, #tpu.memory_space<hbm>>) target_semaphore(%arg17 : memref<!tpu.dma_semaphore, #tpu.memory_space<semaphore_mem>>)
    %dma_wait3A_721 = arith.constant 0 : i32
    %dma_wait3A_722 = arith.constant 0 : i32
    %dma_wait3A_723 = tpu.memref_slice %arg3[%add3A_470, %dma_wait3A_721, %dma_wait3A_722] : memref<257x2048x128xf32, #tpu.memory_space<hbm>> -> memref<1x256x128xf32, #tpu.memory_space<hbm>>
    %dma_wait3A_724 = tpu.memref_squeeze %dma_wait3A_723 : memref<1x256x128xf32, #tpu.memory_space<hbm>> -> memref<256x128xf32, #tpu.memory_space<hbm>>
    %dma_wait3A_725 = arith.constant 0 : i32
    %dma_wait3A_726 = arith.constant 0 : i32
    %dma_wait3A_727 = tpu.memref_slice %arg3[%add3A_470, %dma_wait3A_725, %dma_wait3A_726] : memref<257x2048x128xf32, #tpu.memory_space<hbm>> -> memref<1x256x128xf32, #tpu.memory_space<hbm>>
    %dma_wait3A_728 = tpu.memref_squeeze %dma_wait3A_727 : memref<1x256x128xf32, #tpu.memory_space<hbm>> -> memref<256x128xf32, #tpu.memory_space<hbm>>
    tpu.wait_dma2 semaphore(%arg16 : memref<!tpu.dma_semaphore, #tpu.memory_space<semaphore_mem>>) src(%arg5 : memref<256x128xf32, #tpu.memory_space<vmem>>) dst(%dma_wait3A_728 : memref<256x128xf32, #tpu.memory_space<hbm>>)
    %dma_wait3A_729 = arith.constant 256 : i32
    %dma_wait3A_730 = arith.constant 0 : i32
    %dma_wait3A_731 = tpu.memref_slice %arg3[%add3A_470, %dma_wait3A_729, %dma_wait3A_730] : memref<257x2048x128xf32, #tpu.memory_space<hbm>> -> memref<1x256x128xf32, #tpu.memory_space<hbm>>
    %dma_wait3A_732 = tpu.memref_squeeze %dma_wait3A_731 : memref<1x256x128xf32, #tpu.memory_space<hbm>> -> memref<256x128xf32, #tpu.memory_space<hbm>>
    %dma_wait3A_733 = arith.constant 256 : i32
    %dma_wait3A_734 = arith.constant 0 : i32
    %dma_wait3A_735 = tpu.memref_slice %arg3[%add3A_470, %dma_wait3A_733, %dma_wait3A_734] : memref<257x2048x128xf32, #tpu.memory_space<hbm>> -> memref<1x256x128xf32, #tpu.memory_space<hbm>>
    %dma_wait3A_736 = tpu.memref_squeeze %dma_wait3A_735 : memref<1x256x128xf32, #tpu.memory_space<hbm>> -> memref<256x128xf32, #tpu.memory_space<hbm>>
    tpu.wait_dma2 semaphore(%arg16 : memref<!tpu.dma_semaphore, #tpu.memory_space<semaphore_mem>>) src(%arg5 : memref<256x128xf32, #tpu.memory_space<vmem>>) dst(%dma_wait3A_736 : memref<256x128xf32, #tpu.memory_space<hbm>>)
    %dma_wait3A_737 = arith.constant 512 : i32
    %dma_wait3A_738 = arith.constant 0 : i32
    %dma_wait3A_739 = tpu.memref_slice %arg3[%add3A_470, %dma_wait3A_737, %dma_wait3A_738] : memref<257x2048x128xf32, #tpu.memory_space<hbm>> -> memref<1x256x128xf32, #tpu.memory_space<hbm>>
    %dma_wait3A_740 = tpu.memref_squeeze %dma_wait3A_739 : memref<1x256x128xf32, #tpu.memory_space<hbm>> -> memref<256x128xf32, #tpu.memory_space<hbm>>
    %dma_wait3A_741 = arith.constant 512 : i32
    %dma_wait3A_742 = arith.constant 0 : i32
    %dma_wait3A_743 = tpu.memref_slice %arg3[%add3A_470, %dma_wait3A_741, %dma_wait3A_742] : memref<257x2048x128xf32, #tpu.memory_space<hbm>> -> memref<1x256x128xf32, #tpu.memory_space<hbm>>
    %dma_wait3A_744 = tpu.memref_squeeze %dma_wait3A_743 : memref<1x256x128xf32, #tpu.memory_space<hbm>> -> memref<256x128xf32, #tpu.memory_space<hbm>>
    tpu.wait_dma2 semaphore(%arg16 : memref<!tpu.dma_semaphore, #tpu.memory_space<semaphore_mem>>) src(%arg5 : memref<256x128xf32, #tpu.memory_space<vmem>>) dst(%dma_wait3A_744 : memref<256x128xf32, #tpu.memory_space<hbm>>)
    %dma_wait3A_745 = arith.constant 768 : i32
    %dma_wait3A_746 = arith.constant 0 : i32
    %dma_wait3A_747 = tpu.memref_slice %arg3[%add3A_470, %dma_wait3A_745, %dma_wait3A_746] : memref<257x2048x128xf32, #tpu.memory_space<hbm>> -> memref<1x256x128xf32, #tpu.memory_space<hbm>>
    %dma_wait3A_748 = tpu.memref_squeeze %dma_wait3A_747 : memref<1x256x128xf32, #tpu.memory_space<hbm>> -> memref<256x128xf32, #tpu.memory_space<hbm>>
    %dma_wait3A_749 = arith.constant 768 : i32
    %dma_wait3A_750 = arith.constant 0 : i32
    %dma_wait3A_751 = tpu.memref_slice %arg3[%add3A_470, %dma_wait3A_749, %dma_wait3A_750] : memref<257x2048x128xf32, #tpu.memory_space<hbm>> -> memref<1x256x128xf32, #tpu.memory_space<hbm>>
    %dma_wait3A_752 = tpu.memref_squeeze %dma_wait3A_751 : memref<1x256x128xf32, #tpu.memory_space<hbm>> -> memref<256x128xf32, #tpu.memory_space<hbm>>
    tpu.wait_dma2 semaphore(%arg16 : memref<!tpu.dma_semaphore, #tpu.memory_space<semaphore_mem>>) src(%arg5 : memref<256x128xf32, #tpu.memory_space<vmem>>) dst(%dma_wait3A_752 : memref<256x128xf32, #tpu.memory_space<hbm>>)
    %dma_wait3A_753 = arith.constant 1024 : i32
    %dma_wait3A_754 = arith.constant 0 : i32
    %dma_wait3A_755 = tpu.memref_slice %arg3[%add3A_470, %dma_wait3A_753, %dma_wait3A_754] : memref<257x2048x128xf32, #tpu.memory_space<hbm>> -> memref<1x256x128xf32, #tpu.memory_space<hbm>>
    %dma_wait3A_756 = tpu.memref_squeeze %dma_wait3A_755 : memref<1x256x128xf32, #tpu.memory_space<hbm>> -> memref<256x128xf32, #tpu.memory_space<hbm>>
    %dma_wait3A_757 = arith.constant 1024 : i32
    %dma_wait3A_758 = arith.constant 0 : i32
    %dma_wait3A_759 = tpu.memref_slice %arg3[%add3A_470, %dma_wait3A_757, %dma_wait3A_758] : memref<257x2048x128xf32, #tpu.memory_space<hbm>> -> memref<1x256x128xf32, #tpu.memory_space<hbm>>
    %dma_wait3A_760 = tpu.memref_squeeze %dma_wait3A_759 : memref<1x256x128xf32, #tpu.memory_space<hbm>> -> memref<256x128xf32, #tpu.memory_space<hbm>>
    tpu.wait_dma2 semaphore(%arg16 : memref<!tpu.dma_semaphore, #tpu.memory_space<semaphore_mem>>) src(%arg5 : memref<256x128xf32, #tpu.memory_space<vmem>>) dst(%dma_wait3A_760 : memref<256x128xf32, #tpu.memory_space<hbm>>)
    %dma_wait3A_761 = arith.constant 1280 : i32
    %dma_wait3A_762 = arith.constant 0 : i32
    %dma_wait3A_763 = tpu.memref_slice %arg3[%add3A_470, %dma_wait3A_761, %dma_wait3A_762] : memref<257x2048x128xf32, #tpu.memory_space<hbm>> -> memref<1x256x128xf32, #tpu.memory_space<hbm>>
    %dma_wait3A_764 = tpu.memref_squeeze %dma_wait3A_763 : memref<1x256x128xf32, #tpu.memory_space<hbm>> -> memref<256x128xf32, #tpu.memory_space<hbm>>
    %dma_wait3A_765 = arith.constant 1280 : i32
    %dma_wait3A_766 = arith.constant 0 : i32
    %dma_wait3A_767 = tpu.memref_slice %arg3[%add3A_470, %dma_wait3A_765, %dma_wait3A_766] : memref<257x2048x128xf32, #tpu.memory_space<hbm>> -> memref<1x256x128xf32, #tpu.memory_space<hbm>>
    %dma_wait3A_768 = tpu.memref_squeeze %dma_wait3A_767 : memref<1x256x128xf32, #tpu.memory_space<hbm>> -> memref<256x128xf32, #tpu.memory_space<hbm>>
    tpu.wait_dma2 semaphore(%arg16 : memref<!tpu.dma_semaphore, #tpu.memory_space<semaphore_mem>>) src(%arg5 : memref<256x128xf32, #tpu.memory_space<vmem>>) dst(%dma_wait3A_768 : memref<256x128xf32, #tpu.memory_space<hbm>>)
    %dma_wait3A_769 = arith.constant 1536 : i32
    %dma_wait3A_770 = arith.constant 0 : i32
    %dma_wait3A_771 = tpu.memref_slice %arg3[%add3A_470, %dma_wait3A_769, %dma_wait3A_770] : memref<257x2048x128xf32, #tpu.memory_space<hbm>> -> memref<1x256x128xf32, #tpu.memory_space<hbm>>
    %dma_wait3A_772 = tpu.memref_squeeze %dma_wait3A_771 : memref<1x256x128xf32, #tpu.memory_space<hbm>> -> memref<256x128xf32, #tpu.memory_space<hbm>>
    %dma_wait3A_773 = arith.constant 1536 : i32
    %dma_wait3A_774 = arith.constant 0 : i32
    %dma_wait3A_775 = tpu.memref_slice %arg3[%add3A_470, %dma_wait3A_773, %dma_wait3A_774] : memref<257x2048x128xf32, #tpu.memory_space<hbm>> -> memref<1x256x128xf32, #tpu.memory_space<hbm>>
    %dma_wait3A_776 = tpu.memref_squeeze %dma_wait3A_775 : memref<1x256x128xf32, #tpu.memory_space<hbm>> -> memref<256x128xf32, #tpu.memory_space<hbm>>
    tpu.wait_dma2 semaphore(%arg16 : memref<!tpu.dma_semaphore, #tpu.memory_space<semaphore_mem>>) src(%arg5 : memref<256x128xf32, #tpu.memory_space<vmem>>) dst(%dma_wait3A_776 : memref<256x128xf32, #tpu.memory_space<hbm>>)
    %dma_wait3A_777 = arith.constant 1792 : i32
    %dma_wait3A_778 = arith.constant 0 : i32
    %dma_wait3A_779 = tpu.memref_slice %arg3[%add3A_470, %dma_wait3A_777, %dma_wait3A_778] : memref<257x2048x128xf32, #tpu.memory_space<hbm>> -> memref<1x256x128xf32, #tpu.memory_space<hbm>>
    %dma_wait3A_780 = tpu.memref_squeeze %dma_wait3A_779 : memref<1x256x128xf32, #tpu.memory_space<hbm>> -> memref<256x128xf32, #tpu.memory_space<hbm>>
    %dma_wait3A_781 = arith.constant 1792 : i32
    %dma_wait3A_782 = arith.constant 0 : i32
    %dma_wait3A_783 = tpu.memref_slice %arg3[%add3A_470, %dma_wait3A_781, %dma_wait3A_782] : memref<257x2048x128xf32, #tpu.memory_space<hbm>> -> memref<1x256x128xf32, #tpu.memory_space<hbm>>
    %dma_wait3A_784 = tpu.memref_squeeze %dma_wait3A_783 : memref<1x256x128xf32, #tpu.memory_space<hbm>> -> memref<256x128xf32, #tpu.memory_space<hbm>>
    tpu.wait_dma2 semaphore(%arg16 : memref<!tpu.dma_semaphore, #tpu.memory_space<semaphore_mem>>) src(%arg5 : memref<256x128xf32, #tpu.memory_space<vmem>>) dst(%dma_wait3A_784 : memref<256x128xf32, #tpu.memory_space<hbm>>)
    %dma_wait3A_785 = arith.constant 4 : i32
    %dma_wait3A_786 = arith.constant 0 : i32
    %dma_wait3A_787 = tpu.memref_slice %arg4[%dma_wait3A_785, %dma_wait3A_786] : memref<9x128xf32, #tpu.memory_space<vmem>> -> memref<1x128xf32, #tpu.memory_space<vmem>>
    %dma_wait3A_788 = arith.constant 0 : i32
    %dma_wait3A_789 = tpu.memref_slice %arg2[%add3A_49, %dma_wait3A_788] : memref<257x128xf32, #tpu.memory_space<hbm>> -> memref<1x128xf32, #tpu.memory_space<hbm>>
    %dma_wait3A_790 = arith.constant 4 : i32
    %dma_wait3A_791 = arith.constant 0 : i32
    %dma_wait3A_792 = tpu.memref_slice %arg4[%dma_wait3A_790, %dma_wait3A_791] : memref<9x128xf32, #tpu.memory_space<vmem>> -> memref<1x128xf32, #tpu.memory_space<vmem>>
    %dma_wait3A_793 = arith.constant 0 : i32
    %dma_wait3A_794 = tpu.memref_slice %arg2[%add3A_49, %dma_wait3A_793] : memref<257x128xf32, #tpu.memory_space<hbm>> -> memref<1x128xf32, #tpu.memory_space<hbm>>
    tpu.wait_dma2 semaphore(%arg11 : memref<!tpu.dma_semaphore, #tpu.memory_space<semaphore_mem>>) src(%dma_wait3A_794 : memref<1x128xf32, #tpu.memory_space<hbm>>) dst(%dma_wait3A_792 : memref<1x128xf32, #tpu.memory_space<vmem>>)
    %get3A_795 = arith.constant 4 : i32
    %get3A_796 = arith.index_cast %get3A_795 : i32 to index
    %get3A_797 = arith.constant 0 : index
    %get3A_798 = tpu.vector_load %arg4[%get3A_796, %get3A_797] {strides = array<i32>} : memref<9x128xf32, #tpu.memory_space<vmem>>, vector<1x16xf32>,
    %get3A_799 = vector.shape_cast %get3A_798 : vector<1x16xf32> to vector<16xf32>
    %get3A_800 = arith.constant 4 : i32
    %get3A_801 = arith.index_cast %get3A_800 : i32 to index
    %get3A_802 = arith.constant 16 : index
    %get3A_803 = tpu.vector_load %arg4[%get3A_801, %get3A_802] {strides = array<i32>} : memref<9x128xf32, #tpu.memory_space<vmem>>, vector<1x16xf32>,
    %get3A_804 = vector.shape_cast %get3A_803 : vector<1x16xf32> to vector<16xf32>
    %get3A_805 = arith.constant 4 : i32
    %get3A_806 = arith.index_cast %get3A_805 : i32 to index
    %get3A_807 = arith.constant 32 : index
    %get3A_808 = tpu.vector_load %arg4[%get3A_806, %get3A_807] {strides = array<i32>} : memref<9x128xf32, #tpu.memory_space<vmem>>, vector<1x16xf32>,
    %get3A_809 = vector.shape_cast %get3A_808 : vector<1x16xf32> to vector<16xf32>
    %get3A_810 = arith.constant 4 : i32
    %get3A_811 = arith.index_cast %get3A_810 : i32 to index
    %get3A_812 = arith.constant 48 : index
    %get3A_813 = tpu.vector_load %arg4[%get3A_811, %get3A_812] {strides = array<i32>} : memref<9x128xf32, #tpu.memory_space<vmem>>, vector<1x16xf32>,
    %get3A_814 = vector.shape_cast %get3A_813 : vector<1x16xf32> to vector<16xf32>
    %get3A_815 = arith.constant 4 : i32
    %get3A_816 = arith.index_cast %get3A_815 : i32 to index
    %get3A_817 = arith.constant 64 : index
    %get3A_818 = tpu.vector_load %arg4[%get3A_816, %get3A_817] {strides = array<i32>} : memref<9x128xf32, #tpu.memory_space<vmem>>, vector<1x16xf32>,
    %get3A_819 = vector.shape_cast %get3A_818 : vector<1x16xf32> to vector<16xf32>
    %get3A_820 = arith.constant 4 : i32
    %get3A_821 = arith.index_cast %get3A_820 : i32 to index
    %get3A_822 = arith.constant 80 : index
    %get3A_823 = tpu.vector_load %arg4[%get3A_821, %get3A_822] {strides = array<i32>} : memref<9x128xf32, #tpu.memory_space<vmem>>, vector<1x16xf32>,
    %get3A_824 = vector.shape_cast %get3A_823 : vector<1x16xf32> to vector<16xf32>
    %get3A_825 = arith.constant 4 : i32
    %get3A_826 = arith.index_cast %get3A_825 : i32 to index
    %get3A_827 = arith.constant 96 : index
    %get3A_828 = tpu.vector_load %arg4[%get3A_826, %get3A_827] {strides = array<i32>} : memref<9x128xf32, #tpu.memory_space<vmem>>, vector<1x16xf32>,
    %get3A_829 = vector.shape_cast %get3A_828 : vector<1x16xf32> to vector<16xf32>
    %get3A_830 = arith.constant 4 : i32
    %get3A_831 = arith.index_cast %get3A_830 : i32 to index
    %get3A_832 = arith.constant 112 : index
    %get3A_833 = tpu.vector_load %arg4[%get3A_831, %get3A_832] {strides = array<i32>} : memref<9x128xf32, #tpu.memory_space<vmem>>, vector<1x16xf32>,
    %get3A_834 = vector.shape_cast %get3A_833 : vector<1x16xf32> to vector<16xf32>
    %scan3A_835 = arith.constant 0 : i32
    %scan3A_836 = arith.constant 0 : i32
    %scan3A_837 = arith.constant 256 : i32
    %scan3A_838 = arith.addi %scan3A_836, %scan3A_837 : i32
    %scan3A_839 = arith.constant 1 : i32
    scf.for %scan3A_1679 = %scan3A_836 to %scan3A_838 step %scan3A_839  : i32 {
      %swap3A = arith.index_cast %scan3A_1679 : i32 to index
      %swap3A_1680 = arith.constant 0 : index
      %swap3A_1681 = tpu.vector_load %arg5[%swap3A, %swap3A_1680] {strides = array<i32>} : memref<256x128xf32, #tpu.memory_space<vmem>>, vector<1x16xf32>,
      %swap3A_1682 = vector.shape_cast %swap3A_1681 : vector<1x16xf32> to vector<16xf32>
      %swap3A_1683 = vector.shape_cast %get3A_799 : vector<16xf32> to vector<1x16xf32>
      tpu.vector_store %arg5[%swap3A, %swap3A_1680], %swap3A_1683 {strides = array<i32>} : memref<256x128xf32, #tpu.memory_space<vmem>>, vector<1x16xf32>,
      %swap3A_1684 = arith.index_cast %scan3A_1679 : i32 to index
      %swap3A_1685 = arith.constant 16 : index
      %swap3A_1686 = tpu.vector_load %arg5[%swap3A_1684, %swap3A_1685] {strides = array<i32>} : memref<256x128xf32, #tpu.memory_space<vmem>>, vector<1x16xf32>,
      %swap3A_1687 = vector.shape_cast %swap3A_1686 : vector<1x16xf32> to vector<16xf32>
      %swap3A_1688 = vector.shape_cast %get3A_804 : vector<16xf32> to vector<1x16xf32>
      tpu.vector_store %arg5[%swap3A_1684, %swap3A_1685], %swap3A_1688 {strides = array<i32>} : memref<256x128xf32, #tpu.memory_space<vmem>>, vector<1x16xf32>,
      %swap3A_1689 = arith.index_cast %scan3A_1679 : i32 to index
      %swap3A_1690 = arith.constant 32 : index
      %swap3A_1691 = tpu.vector_load %arg5[%swap3A_1689, %swap3A_1690] {strides = array<i32>} : memref<256x128xf32, #tpu.memory_space<vmem>>, vector<1x16xf32>,
      %swap3A_1692 = vector.shape_cast %swap3A_1691 : vector<1x16xf32> to vector<16xf32>
      %swap3A_1693 = vector.shape_cast %get3A_809 : vector<16xf32> to vector<1x16xf32>
      tpu.vector_store %arg5[%swap3A_1689, %swap3A_1690], %swap3A_1693 {strides = array<i32>} : memref<256x128xf32, #tpu.memory_space<vmem>>, vector<1x16xf32>,
      %swap3A_1694 = arith.index_cast %scan3A_1679 : i32 to index
      %swap3A_1695 = arith.constant 48 : index
      %swap3A_1696 = tpu.vector_load %arg5[%swap3A_1694, %swap3A_1695] {strides = array<i32>} : memref<256x128xf32, #tpu.memory_space<vmem>>, vector<1x16xf32>,
      %swap3A_1697 = vector.shape_cast %swap3A_1696 : vector<1x16xf32> to vector<16xf32>
      %swap3A_1698 = vector.shape_cast %get3A_814 : vector<16xf32> to vector<1x16xf32>
      tpu.vector_store %arg5[%swap3A_1694, %swap3A_1695], %swap3A_1698 {strides = array<i32>} : memref<256x128xf32, #tpu.memory_space<vmem>>, vector<1x16xf32>,
      %swap3A_1699 = arith.index_cast %scan3A_1679 : i32 to index
      %swap3A_1700 = arith.constant 64 : index
      %swap3A_1701 = tpu.vector_load %arg5[%swap3A_1699, %swap3A_1700] {strides = array<i32>} : memref<256x128xf32, #tpu.memory_space<vmem>>, vector<1x16xf32>,
      %swap3A_1702 = vector.shape_cast %swap3A_1701 : vector<1x16xf32> to vector<16xf32>
      %swap3A_1703 = vector.shape_cast %get3A_819 : vector<16xf32> to vector<1x16xf32>
      tpu.vector_store %arg5[%swap3A_1699, %swap3A_1700], %swap3A_1703 {strides = array<i32>} : memref<256x128xf32, #tpu.memory_space<vmem>>, vector<1x16xf32>,
      %swap3A_1704 = arith.index_cast %scan3A_1679 : i32 to index
      %swap3A_1705 = arith.constant 80 : index
      %swap3A_1706 = tpu.vector_load %arg5[%swap3A_1704, %swap3A_1705] {strides = array<i32>} : memref<256x128xf32, #tpu.memory_space<vmem>>, vector<1x16xf32>,
      %swap3A_1707 = vector.shape_cast %swap3A_1706 : vector<1x16xf32> to vector<16xf32>
      %swap3A_1708 = vector.shape_cast %get3A_824 : vector<16xf32> to vector<1x16xf32>
      tpu.vector_store %arg5[%swap3A_1704, %swap3A_1705], %swap3A_1708 {strides = array<i32>} : memref<256x128xf32, #tpu.memory_space<vmem>>, vector<1x16xf32>,
      %swap3A_1709 = arith.index_cast %scan3A_1679 : i32 to index
      %swap3A_1710 = arith.constant 96 : index
      %swap3A_1711 = tpu.vector_load %arg5[%swap3A_1709, %swap3A_1710] {strides = array<i32>} : memref<256x128xf32, #tpu.memory_space<vmem>>, vector<1x16xf32>,
      %swap3A_1712 = vector.shape_cast %swap3A_1711 : vector<1x16xf32> to vector<16xf32>
      %swap3A_1713 = vector.shape_cast %get3A_829 : vector<16xf32> to vector<1x16xf32>
      tpu.vector_store %arg5[%swap3A_1709, %swap3A_1710], %swap3A_1713 {strides = array<i32>} : memref<256x128xf32, #tpu.memory_space<vmem>>, vector<1x16xf32>,
      %swap3A_1714 = arith.index_cast %scan3A_1679 : i32 to index
      %swap3A_1715 = arith.constant 112 : index
      %swap3A_1716 = tpu.vector_load %arg5[%swap3A_1714, %swap3A_1715] {strides = array<i32>} : memref<256x128xf32, #tpu.memory_space<vmem>>, vector<1x16xf32>,
      %swap3A_1717 = vector.shape_cast %swap3A_1716 : vector<1x16xf32> to vector<16xf32>
      %swap3A_1718 = vector.shape_cast %get3A_834 : vector<16xf32> to vector<1x16xf32>
      tpu.vector_store %arg5[%swap3A_1714, %swap3A_1715], %swap3A_1718 {strides = array<i32>} : memref<256x128xf32, #tpu.memory_space<vmem>>, vector<1x16xf32>,
    }
    %scan3A_840 = arith.constant 256 : i32
    %add3A_841 = arith.constant 128 : i32
    %add3A_842 = arith.addi %add3A_841, %add3A : i32
    %dma_start3A_843 = arith.constant 0 : i32
    %dma_start3A_844 = arith.constant 0 : i32
    %dma_start3A_845 = tpu.memref_slice %arg3[%add3A_842, %dma_start3A_843, %dma_start3A_844] : memref<257x2048x128xf32, #tpu.memory_space<hbm>> -> memref<1x256x128xf32, #tpu.memory_space<hbm>>
    %dma_start3A_846 = tpu.memref_squeeze %dma_start3A_845 : memref<1x256x128xf32, #tpu.memory_space<hbm>> -> memref<256x128xf32, #tpu.memory_space<hbm>>
    %dma_start3A_847 = arith.constant 0 : i32
    %dma_start3A_848 = arith.constant 0 : i32
    %dma_start3A_849 = tpu.memref_slice %arg3[%add3A_842, %dma_start3A_847, %dma_start3A_848] : memref<257x2048x128xf32, #tpu.memory_space<hbm>> -> memref<1x256x128xf32, #tpu.memory_space<hbm>>
    %dma_start3A_850 = tpu.memref_squeeze %dma_start3A_849 : memref<1x256x128xf32, #tpu.memory_space<hbm>> -> memref<256x128xf32, #tpu.memory_space<hbm>>
    tpu.enqueue_dma source(%arg5 : memref<256x128xf32, #tpu.memory_space<vmem>>) target(%dma_start3A_850 : memref<256x128xf32, #tpu.memory_space<hbm>>) target_semaphore(%arg16 : memref<!tpu.dma_semaphore, #tpu.memory_space<semaphore_mem>>)
    %dma_start3A_851 = arith.constant 256 : i32
    %dma_start3A_852 = arith.constant 0 : i32
    %dma_start3A_853 = tpu.memref_slice %arg3[%add3A_842, %dma_start3A_851, %dma_start3A_852] : memref<257x2048x128xf32, #tpu.memory_space<hbm>> -> memref<1x256x128xf32, #tpu.memory_space<hbm>>
    %dma_start3A_854 = tpu.memref_squeeze %dma_start3A_853 : memref<1x256x128xf32, #tpu.memory_space<hbm>> -> memref<256x128xf32, #tpu.memory_space<hbm>>
    %dma_start3A_855 = arith.constant 256 : i32
    %dma_start3A_856 = arith.constant 0 : i32
    %dma_start3A_857 = tpu.memref_slice %arg3[%add3A_842, %dma_start3A_855, %dma_start3A_856] : memref<257x2048x128xf32, #tpu.memory_space<hbm>> -> memref<1x256x128xf32, #tpu.memory_space<hbm>>
    %dma_start3A_858 = tpu.memref_squeeze %dma_start3A_857 : memref<1x256x128xf32, #tpu.memory_space<hbm>> -> memref<256x128xf32, #tpu.memory_space<hbm>>
    tpu.enqueue_dma source(%arg5 : memref<256x128xf32, #tpu.memory_space<vmem>>) target(%dma_start3A_858 : memref<256x128xf32, #tpu.memory_space<hbm>>) target_semaphore(%arg16 : memref<!tpu.dma_semaphore, #tpu.memory_space<semaphore_mem>>)
    %dma_start3A_859 = arith.constant 512 : i32
    %dma_start3A_860 = arith.constant 0 : i32
    %dma_start3A_861 = tpu.memref_slice %arg3[%add3A_842, %dma_start3A_859, %dma_start3A_860] : memref<257x2048x128xf32, #tpu.memory_space<hbm>> -> memref<1x256x128xf32, #tpu.memory_space<hbm>>
    %dma_start3A_862 = tpu.memref_squeeze %dma_start3A_861 : memref<1x256x128xf32, #tpu.memory_space<hbm>> -> memref<256x128xf32, #tpu.memory_space<hbm>>
    %dma_start3A_863 = arith.constant 512 : i32
    %dma_start3A_864 = arith.constant 0 : i32
    %dma_start3A_865 = tpu.memref_slice %arg3[%add3A_842, %dma_start3A_863, %dma_start3A_864] : memref<257x2048x128xf32, #tpu.memory_space<hbm>> -> memref<1x256x128xf32, #tpu.memory_space<hbm>>
    %dma_start3A_866 = tpu.memref_squeeze %dma_start3A_865 : memref<1x256x128xf32, #tpu.memory_space<hbm>> -> memref<256x128xf32, #tpu.memory_space<hbm>>
    tpu.enqueue_dma source(%arg5 : memref<256x128xf32, #tpu.memory_space<vmem>>) target(%dma_start3A_866 : memref<256x128xf32, #tpu.memory_space<hbm>>) target_semaphore(%arg16 : memref<!tpu.dma_semaphore, #tpu.memory_space<semaphore_mem>>)
    %dma_start3A_867 = arith.constant 768 : i32
    %dma_start3A_868 = arith.constant 0 : i32
    %dma_start3A_869 = tpu.memref_slice %arg3[%add3A_842, %dma_start3A_867, %dma_start3A_868] : memref<257x2048x128xf32, #tpu.memory_space<hbm>> -> memref<1x256x128xf32, #tpu.memory_space<hbm>>
    %dma_start3A_870 = tpu.memref_squeeze %dma_start3A_869 : memref<1x256x128xf32, #tpu.memory_space<hbm>> -> memref<256x128xf32, #tpu.memory_space<hbm>>
    %dma_start3A_871 = arith.constant 768 : i32
    %dma_start3A_872 = arith.constant 0 : i32
    %dma_start3A_873 = tpu.memref_slice %arg3[%add3A_842, %dma_start3A_871, %dma_start3A_872] : memref<257x2048x128xf32, #tpu.memory_space<hbm>> -> memref<1x256x128xf32, #tpu.memory_space<hbm>>
    %dma_start3A_874 = tpu.memref_squeeze %dma_start3A_873 : memref<1x256x128xf32, #tpu.memory_space<hbm>> -> memref<256x128xf32, #tpu.memory_space<hbm>>
    tpu.enqueue_dma source(%arg5 : memref<256x128xf32, #tpu.memory_space<vmem>>) target(%dma_start3A_874 : memref<256x128xf32, #tpu.memory_space<hbm>>) target_semaphore(%arg16 : memref<!tpu.dma_semaphore, #tpu.memory_space<semaphore_mem>>)
    %dma_start3A_875 = arith.constant 1024 : i32
    %dma_start3A_876 = arith.constant 0 : i32
    %dma_start3A_877 = tpu.memref_slice %arg3[%add3A_842, %dma_start3A_875, %dma_start3A_876] : memref<257x2048x128xf32, #tpu.memory_space<hbm>> -> memref<1x256x128xf32, #tpu.memory_space<hbm>>
    %dma_start3A_878 = tpu.memref_squeeze %dma_start3A_877 : memref<1x256x128xf32, #tpu.memory_space<hbm>> -> memref<256x128xf32, #tpu.memory_space<hbm>>
    %dma_start3A_879 = arith.constant 1024 : i32
    %dma_start3A_880 = arith.constant 0 : i32
    %dma_start3A_881 = tpu.memref_slice %arg3[%add3A_842, %dma_start3A_879, %dma_start3A_880] : memref<257x2048x128xf32, #tpu.memory_space<hbm>> -> memref<1x256x128xf32, #tpu.memory_space<hbm>>
    %dma_start3A_882 = tpu.memref_squeeze %dma_start3A_881 : memref<1x256x128xf32, #tpu.memory_space<hbm>> -> memref<256x128xf32, #tpu.memory_space<hbm>>
    tpu.enqueue_dma source(%arg5 : memref<256x128xf32, #tpu.memory_space<vmem>>) target(%dma_start3A_882 : memref<256x128xf32, #tpu.memory_space<hbm>>) target_semaphore(%arg16 : memref<!tpu.dma_semaphore, #tpu.memory_space<semaphore_mem>>)
    %dma_start3A_883 = arith.constant 1280 : i32
    %dma_start3A_884 = arith.constant 0 : i32
    %dma_start3A_885 = tpu.memref_slice %arg3[%add3A_842, %dma_start3A_883, %dma_start3A_884] : memref<257x2048x128xf32, #tpu.memory_space<hbm>> -> memref<1x256x128xf32, #tpu.memory_space<hbm>>
    %dma_start3A_886 = tpu.memref_squeeze %dma_start3A_885 : memref<1x256x128xf32, #tpu.memory_space<hbm>> -> memref<256x128xf32, #tpu.memory_space<hbm>>
    %dma_start3A_887 = arith.constant 1280 : i32
    %dma_start3A_888 = arith.constant 0 : i32
    %dma_start3A_889 = tpu.memref_slice %arg3[%add3A_842, %dma_start3A_887, %dma_start3A_888] : memref<257x2048x128xf32, #tpu.memory_space<hbm>> -> memref<1x256x128xf32, #tpu.memory_space<hbm>>
    %dma_start3A_890 = tpu.memref_squeeze %dma_start3A_889 : memref<1x256x128xf32, #tpu.memory_space<hbm>> -> memref<256x128xf32, #tpu.memory_space<hbm>>
    tpu.enqueue_dma source(%arg5 : memref<256x128xf32, #tpu.memory_space<vmem>>) target(%dma_start3A_890 : memref<256x128xf32, #tpu.memory_space<hbm>>) target_semaphore(%arg16 : memref<!tpu.dma_semaphore, #tpu.memory_space<semaphore_mem>>)
    %dma_start3A_891 = arith.constant 1536 : i32
    %dma_start3A_892 = arith.constant 0 : i32
    %dma_start3A_893 = tpu.memref_slice %arg3[%add3A_842, %dma_start3A_891, %dma_start3A_892] : memref<257x2048x128xf32, #tpu.memory_space<hbm>> -> memref<1x256x128xf32, #tpu.memory_space<hbm>>
    %dma_start3A_894 = tpu.memref_squeeze %dma_start3A_893 : memref<1x256x128xf32, #tpu.memory_space<hbm>> -> memref<256x128xf32, #tpu.memory_space<hbm>>
    %dma_start3A_895 = arith.constant 1536 : i32
    %dma_start3A_896 = arith.constant 0 : i32
    %dma_start3A_897 = tpu.memref_slice %arg3[%add3A_842, %dma_start3A_895, %dma_start3A_896] : memref<257x2048x128xf32, #tpu.memory_space<hbm>> -> memref<1x256x128xf32, #tpu.memory_space<hbm>>
    %dma_start3A_898 = tpu.memref_squeeze %dma_start3A_897 : memref<1x256x128xf32, #tpu.memory_space<hbm>> -> memref<256x128xf32, #tpu.memory_space<hbm>>
    tpu.enqueue_dma source(%arg5 : memref<256x128xf32, #tpu.memory_space<vmem>>) target(%dma_start3A_898 : memref<256x128xf32, #tpu.memory_space<hbm>>) target_semaphore(%arg16 : memref<!tpu.dma_semaphore, #tpu.memory_space<semaphore_mem>>)
    %dma_start3A_899 = arith.constant 1792 : i32
    %dma_start3A_900 = arith.constant 0 : i32
    %dma_start3A_901 = tpu.memref_slice %arg3[%add3A_842, %dma_start3A_899, %dma_start3A_900] : memref<257x2048x128xf32, #tpu.memory_space<hbm>> -> memref<1x256x128xf32, #tpu.memory_space<hbm>>
    %dma_start3A_902 = tpu.memref_squeeze %dma_start3A_901 : memref<1x256x128xf32, #tpu.memory_space<hbm>> -> memref<256x128xf32, #tpu.memory_space<hbm>>
    %dma_start3A_903 = arith.constant 1792 : i32
    %dma_start3A_904 = arith.constant 0 : i32
    %dma_start3A_905 = tpu.memref_slice %arg3[%add3A_842, %dma_start3A_903, %dma_start3A_904] : memref<257x2048x128xf32, #tpu.memory_space<hbm>> -> memref<1x256x128xf32, #tpu.memory_space<hbm>>
    %dma_start3A_906 = tpu.memref_squeeze %dma_start3A_905 : memref<1x256x128xf32, #tpu.memory_space<hbm>> -> memref<256x128xf32, #tpu.memory_space<hbm>>
    tpu.enqueue_dma source(%arg5 : memref<256x128xf32, #tpu.memory_space<vmem>>) target(%dma_start3A_906 : memref<256x128xf32, #tpu.memory_space<hbm>>) target_semaphore(%arg16 : memref<!tpu.dma_semaphore, #tpu.memory_space<semaphore_mem>>)
    %dma_wait3A_907 = arith.constant 0 : i32
    %dma_wait3A_908 = arith.constant 0 : i32
    %dma_wait3A_909 = tpu.memref_slice %arg3[%add3A_656, %dma_wait3A_907, %dma_wait3A_908] : memref<257x2048x128xf32, #tpu.memory_space<hbm>> -> memref<1x256x128xf32, #tpu.memory_space<hbm>>
    %dma_wait3A_910 = tpu.memref_squeeze %dma_wait3A_909 : memref<1x256x128xf32, #tpu.memory_space<hbm>> -> memref<256x128xf32, #tpu.memory_space<hbm>>
    %dma_wait3A_911 = arith.constant 0 : i32
    %dma_wait3A_912 = arith.constant 0 : i32
    %dma_wait3A_913 = tpu.memref_slice %arg3[%add3A_656, %dma_wait3A_911, %dma_wait3A_912] : memref<257x2048x128xf32, #tpu.memory_space<hbm>> -> memref<1x256x128xf32, #tpu.memory_space<hbm>>
    %dma_wait3A_914 = tpu.memref_squeeze %dma_wait3A_913 : memref<1x256x128xf32, #tpu.memory_space<hbm>> -> memref<256x128xf32, #tpu.memory_space<hbm>>
    tpu.wait_dma2 semaphore(%arg17 : memref<!tpu.dma_semaphore, #tpu.memory_space<semaphore_mem>>) src(%arg6 : memref<256x128xf32, #tpu.memory_space<vmem>>) dst(%dma_wait3A_914 : memref<256x128xf32, #tpu.memory_space<hbm>>)
    %dma_wait3A_915 = arith.constant 256 : i32
    %dma_wait3A_916 = arith.constant 0 : i32
    %dma_wait3A_917 = tpu.memref_slice %arg3[%add3A_656, %dma_wait3A_915, %dma_wait3A_916] : memref<257x2048x128xf32, #tpu.memory_space<hbm>> -> memref<1x256x128xf32, #tpu.memory_space<hbm>>
    %dma_wait3A_918 = tpu.memref_squeeze %dma_wait3A_917 : memref<1x256x128xf32, #tpu.memory_space<hbm>> -> memref<256x128xf32, #tpu.memory_space<hbm>>
    %dma_wait3A_919 = arith.constant 256 : i32
    %dma_wait3A_920 = arith.constant 0 : i32
    %dma_wait3A_921 = tpu.memref_slice %arg3[%add3A_656, %dma_wait3A_919, %dma_wait3A_920] : memref<257x2048x128xf32, #tpu.memory_space<hbm>> -> memref<1x256x128xf32, #tpu.memory_space<hbm>>
    %dma_wait3A_922 = tpu.memref_squeeze %dma_wait3A_921 : memref<1x256x128xf32, #tpu.memory_space<hbm>> -> memref<256x128xf32, #tpu.memory_space<hbm>>
    tpu.wait_dma2 semaphore(%arg17 : memref<!tpu.dma_semaphore, #tpu.memory_space<semaphore_mem>>) src(%arg6 : memref<256x128xf32, #tpu.memory_space<vmem>>) dst(%dma_wait3A_922 : memref<256x128xf32, #tpu.memory_space<hbm>>)
    %dma_wait3A_923 = arith.constant 512 : i32
    %dma_wait3A_924 = arith.constant 0 : i32
    %dma_wait3A_925 = tpu.memref_slice %arg3[%add3A_656, %dma_wait3A_923, %dma_wait3A_924] : memref<257x2048x128xf32, #tpu.memory_space<hbm>> -> memref<1x256x128xf32, #tpu.memory_space<hbm>>
    %dma_wait3A_926 = tpu.memref_squeeze %dma_wait3A_925 : memref<1x256x128xf32, #tpu.memory_space<hbm>> -> memref<256x128xf32, #tpu.memory_space<hbm>>
    %dma_wait3A_927 = arith.constant 512 : i32
    %dma_wait3A_928 = arith.constant 0 : i32
    %dma_wait3A_929 = tpu.memref_slice %arg3[%add3A_656, %dma_wait3A_927, %dma_wait3A_928] : memref<257x2048x128xf32, #tpu.memory_space<hbm>> -> memref<1x256x128xf32, #tpu.memory_space<hbm>>
    %dma_wait3A_930 = tpu.memref_squeeze %dma_wait3A_929 : memref<1x256x128xf32, #tpu.memory_space<hbm>> -> memref<256x128xf32, #tpu.memory_space<hbm>>
    tpu.wait_dma2 semaphore(%arg17 : memref<!tpu.dma_semaphore, #tpu.memory_space<semaphore_mem>>) src(%arg6 : memref<256x128xf32, #tpu.memory_space<vmem>>) dst(%dma_wait3A_930 : memref<256x128xf32, #tpu.memory_space<hbm>>)
    %dma_wait3A_931 = arith.constant 768 : i32
    %dma_wait3A_932 = arith.constant 0 : i32
    %dma_wait3A_933 = tpu.memref_slice %arg3[%add3A_656, %dma_wait3A_931, %dma_wait3A_932] : memref<257x2048x128xf32, #tpu.memory_space<hbm>> -> memref<1x256x128xf32, #tpu.memory_space<hbm>>
    %dma_wait3A_934 = tpu.memref_squeeze %dma_wait3A_933 : memref<1x256x128xf32, #tpu.memory_space<hbm>> -> memref<256x128xf32, #tpu.memory_space<hbm>>
    %dma_wait3A_935 = arith.constant 768 : i32
    %dma_wait3A_936 = arith.constant 0 : i32
    %dma_wait3A_937 = tpu.memref_slice %arg3[%add3A_656, %dma_wait3A_935, %dma_wait3A_936] : memref<257x2048x128xf32, #tpu.memory_space<hbm>> -> memref<1x256x128xf32, #tpu.memory_space<hbm>>
    %dma_wait3A_938 = tpu.memref_squeeze %dma_wait3A_937 : memref<1x256x128xf32, #tpu.memory_space<hbm>> -> memref<256x128xf32, #tpu.memory_space<hbm>>
    tpu.wait_dma2 semaphore(%arg17 : memref<!tpu.dma_semaphore, #tpu.memory_space<semaphore_mem>>) src(%arg6 : memref<256x128xf32, #tpu.memory_space<vmem>>) dst(%dma_wait3A_938 : memref<256x128xf32, #tpu.memory_space<hbm>>)
    %dma_wait3A_939 = arith.constant 1024 : i32
    %dma_wait3A_940 = arith.constant 0 : i32
    %dma_wait3A_941 = tpu.memref_slice %arg3[%add3A_656, %dma_wait3A_939, %dma_wait3A_940] : memref<257x2048x128xf32, #tpu.memory_space<hbm>> -> memref<1x256x128xf32, #tpu.memory_space<hbm>>
    %dma_wait3A_942 = tpu.memref_squeeze %dma_wait3A_941 : memref<1x256x128xf32, #tpu.memory_space<hbm>> -> memref<256x128xf32, #tpu.memory_space<hbm>>
    %dma_wait3A_943 = arith.constant 1024 : i32
    %dma_wait3A_944 = arith.constant 0 : i32
    %dma_wait3A_945 = tpu.memref_slice %arg3[%add3A_656, %dma_wait3A_943, %dma_wait3A_944] : memref<257x2048x128xf32, #tpu.memory_space<hbm>> -> memref<1x256x128xf32, #tpu.memory_space<hbm>>
    %dma_wait3A_946 = tpu.memref_squeeze %dma_wait3A_945 : memref<1x256x128xf32, #tpu.memory_space<hbm>> -> memref<256x128xf32, #tpu.memory_space<hbm>>
    tpu.wait_dma2 semaphore(%arg17 : memref<!tpu.dma_semaphore, #tpu.memory_space<semaphore_mem>>) src(%arg6 : memref<256x128xf32, #tpu.memory_space<vmem>>) dst(%dma_wait3A_946 : memref<256x128xf32, #tpu.memory_space<hbm>>)
    %dma_wait3A_947 = arith.constant 1280 : i32
    %dma_wait3A_948 = arith.constant 0 : i32
    %dma_wait3A_949 = tpu.memref_slice %arg3[%add3A_656, %dma_wait3A_947, %dma_wait3A_948] : memref<257x2048x128xf32, #tpu.memory_space<hbm>> -> memref<1x256x128xf32, #tpu.memory_space<hbm>>
    %dma_wait3A_950 = tpu.memref_squeeze %dma_wait3A_949 : memref<1x256x128xf32, #tpu.memory_space<hbm>> -> memref<256x128xf32, #tpu.memory_space<hbm>>
    %dma_wait3A_951 = arith.constant 1280 : i32
    %dma_wait3A_952 = arith.constant 0 : i32
    %dma_wait3A_953 = tpu.memref_slice %arg3[%add3A_656, %dma_wait3A_951, %dma_wait3A_952] : memref<257x2048x128xf32, #tpu.memory_space<hbm>> -> memref<1x256x128xf32, #tpu.memory_space<hbm>>
    %dma_wait3A_954 = tpu.memref_squeeze %dma_wait3A_953 : memref<1x256x128xf32, #tpu.memory_space<hbm>> -> memref<256x128xf32, #tpu.memory_space<hbm>>
    tpu.wait_dma2 semaphore(%arg17 : memref<!tpu.dma_semaphore, #tpu.memory_space<semaphore_mem>>) src(%arg6 : memref<256x128xf32, #tpu.memory_space<vmem>>) dst(%dma_wait3A_954 : memref<256x128xf32, #tpu.memory_space<hbm>>)
    %dma_wait3A_955 = arith.constant 1536 : i32
    %dma_wait3A_956 = arith.constant 0 : i32
    %dma_wait3A_957 = tpu.memref_slice %arg3[%add3A_656, %dma_wait3A_955, %dma_wait3A_956] : memref<257x2048x128xf32, #tpu.memory_space<hbm>> -> memref<1x256x128xf32, #tpu.memory_space<hbm>>
    %dma_wait3A_958 = tpu.memref_squeeze %dma_wait3A_957 : memref<1x256x128xf32, #tpu.memory_space<hbm>> -> memref<256x128xf32, #tpu.memory_space<hbm>>
    %dma_wait3A_959 = arith.constant 1536 : i32
    %dma_wait3A_960 = arith.constant 0 : i32
    %dma_wait3A_961 = tpu.memref_slice %arg3[%add3A_656, %dma_wait3A_959, %dma_wait3A_960] : memref<257x2048x128xf32, #tpu.memory_space<hbm>> -> memref<1x256x128xf32, #tpu.memory_space<hbm>>
    %dma_wait3A_962 = tpu.memref_squeeze %dma_wait3A_961 : memref<1x256x128xf32, #tpu.memory_space<hbm>> -> memref<256x128xf32, #tpu.memory_space<hbm>>
    tpu.wait_dma2 semaphore(%arg17 : memref<!tpu.dma_semaphore, #tpu.memory_space<semaphore_mem>>) src(%arg6 : memref<256x128xf32, #tpu.memory_space<vmem>>) dst(%dma_wait3A_962 : memref<256x128xf32, #tpu.memory_space<hbm>>)
    %dma_wait3A_963 = arith.constant 1792 : i32
    %dma_wait3A_964 = arith.constant 0 : i32
    %dma_wait3A_965 = tpu.memref_slice %arg3[%add3A_656, %dma_wait3A_963, %dma_wait3A_964] : memref<257x2048x128xf32, #tpu.memory_space<hbm>> -> memref<1x256x128xf32, #tpu.memory_space<hbm>>
    %dma_wait3A_966 = tpu.memref_squeeze %dma_wait3A_965 : memref<1x256x128xf32, #tpu.memory_space<hbm>> -> memref<256x128xf32, #tpu.memory_space<hbm>>
    %dma_wait3A_967 = arith.constant 1792 : i32
    %dma_wait3A_968 = arith.constant 0 : i32
    %dma_wait3A_969 = tpu.memref_slice %arg3[%add3A_656, %dma_wait3A_967, %dma_wait3A_968] : memref<257x2048x128xf32, #tpu.memory_space<hbm>> -> memref<1x256x128xf32, #tpu.memory_space<hbm>>
    %dma_wait3A_970 = tpu.memref_squeeze %dma_wait3A_969 : memref<1x256x128xf32, #tpu.memory_space<hbm>> -> memref<256x128xf32, #tpu.memory_space<hbm>>
    tpu.wait_dma2 semaphore(%arg17 : memref<!tpu.dma_semaphore, #tpu.memory_space<semaphore_mem>>) src(%arg6 : memref<256x128xf32, #tpu.memory_space<vmem>>) dst(%dma_wait3A_970 : memref<256x128xf32, #tpu.memory_space<hbm>>)
    %dma_wait3A_971 = arith.constant 5 : i32
    %dma_wait3A_972 = arith.constant 0 : i32
    %dma_wait3A_973 = tpu.memref_slice %arg4[%dma_wait3A_971, %dma_wait3A_972] : memref<9x128xf32, #tpu.memory_space<vmem>> -> memref<1x128xf32, #tpu.memory_space<vmem>>
    %dma_wait3A_974 = arith.constant 0 : i32
    %dma_wait3A_975 = tpu.memref_slice %arg2[%add3A_61, %dma_wait3A_974] : memref<257x128xf32, #tpu.memory_space<hbm>> -> memref<1x128xf32, #tpu.memory_space<hbm>>
    %dma_wait3A_976 = arith.constant 5 : i32
    %dma_wait3A_977 = arith.constant 0 : i32
    %dma_wait3A_978 = tpu.memref_slice %arg4[%dma_wait3A_976, %dma_wait3A_977] : memref<9x128xf32, #tpu.memory_space<vmem>> -> memref<1x128xf32, #tpu.memory_space<vmem>>
    %dma_wait3A_979 = arith.constant 0 : i32
    %dma_wait3A_980 = tpu.memref_slice %arg2[%add3A_61, %dma_wait3A_979] : memref<257x128xf32, #tpu.memory_space<hbm>> -> memref<1x128xf32, #tpu.memory_space<hbm>>
    tpu.wait_dma2 semaphore(%arg12 : memref<!tpu.dma_semaphore, #tpu.memory_space<semaphore_mem>>) src(%dma_wait3A_980 : memref<1x128xf32, #tpu.memory_space<hbm>>) dst(%dma_wait3A_978 : memref<1x128xf32, #tpu.memory_space<vmem>>)
    %get3A_981 = arith.constant 5 : i32
    %get3A_982 = arith.index_cast %get3A_981 : i32 to index
    %get3A_983 = arith.constant 0 : index
    %get3A_984 = tpu.vector_load %arg4[%get3A_982, %get3A_983] {strides = array<i32>} : memref<9x128xf32, #tpu.memory_space<vmem>>, vector<1x16xf32>,
    %get3A_985 = vector.shape_cast %get3A_984 : vector<1x16xf32> to vector<16xf32>
    %get3A_986 = arith.constant 5 : i32
    %get3A_987 = arith.index_cast %get3A_986 : i32 to index
    %get3A_988 = arith.constant 16 : index
    %get3A_989 = tpu.vector_load %arg4[%get3A_987, %get3A_988] {strides = array<i32>} : memref<9x128xf32, #tpu.memory_space<vmem>>, vector<1x16xf32>,
    %get3A_990 = vector.shape_cast %get3A_989 : vector<1x16xf32> to vector<16xf32>
    %get3A_991 = arith.constant 5 : i32
    %get3A_992 = arith.index_cast %get3A_991 : i32 to index
    %get3A_993 = arith.constant 32 : index
    %get3A_994 = tpu.vector_load %arg4[%get3A_992, %get3A_993] {strides = array<i32>} : memref<9x128xf32, #tpu.memory_space<vmem>>, vector<1x16xf32>,
    %get3A_995 = vector.shape_cast %get3A_994 : vector<1x16xf32> to vector<16xf32>
    %get3A_996 = arith.constant 5 : i32
    %get3A_997 = arith.index_cast %get3A_996 : i32 to index
    %get3A_998 = arith.constant 48 : index
    %get3A_999 = tpu.vector_load %arg4[%get3A_997, %get3A_998] {strides = array<i32>} : memref<9x128xf32, #tpu.memory_space<vmem>>, vector<1x16xf32>,
    %get3A_1000 = vector.shape_cast %get3A_999 : vector<1x16xf32> to vector<16xf32>
    %get3A_1001 = arith.constant 5 : i32
    %get3A_1002 = arith.index_cast %get3A_1001 : i32 to index
    %get3A_1003 = arith.constant 64 : index
    %get3A_1004 = tpu.vector_load %arg4[%get3A_1002, %get3A_1003] {strides = array<i32>} : memref<9x128xf32, #tpu.memory_space<vmem>>, vector<1x16xf32>,
    %get3A_1005 = vector.shape_cast %get3A_1004 : vector<1x16xf32> to vector<16xf32>
    %get3A_1006 = arith.constant 5 : i32
    %get3A_1007 = arith.index_cast %get3A_1006 : i32 to index
    %get3A_1008 = arith.constant 80 : index
    %get3A_1009 = tpu.vector_load %arg4[%get3A_1007, %get3A_1008] {strides = array<i32>} : memref<9x128xf32, #tpu.memory_space<vmem>>, vector<1x16xf32>,
    %get3A_1010 = vector.shape_cast %get3A_1009 : vector<1x16xf32> to vector<16xf32>
    %get3A_1011 = arith.constant 5 : i32
    %get3A_1012 = arith.index_cast %get3A_1011 : i32 to index
    %get3A_1013 = arith.constant 96 : index
    %get3A_1014 = tpu.vector_load %arg4[%get3A_1012, %get3A_1013] {strides = array<i32>} : memref<9x128xf32, #tpu.memory_space<vmem>>, vector<1x16xf32>,
    %get3A_1015 = vector.shape_cast %get3A_1014 : vector<1x16xf32> to vector<16xf32>
    %get3A_1016 = arith.constant 5 : i32
    %get3A_1017 = arith.index_cast %get3A_1016 : i32 to index
    %get3A_1018 = arith.constant 112 : index
    %get3A_1019 = tpu.vector_load %arg4[%get3A_1017, %get3A_1018] {strides = array<i32>} : memref<9x128xf32, #tpu.memory_space<vmem>>, vector<1x16xf32>,
    %get3A_1020 = vector.shape_cast %get3A_1019 : vector<1x16xf32> to vector<16xf32>
    %scan3A_1021 = arith.constant 0 : i32
    %scan3A_1022 = arith.constant 0 : i32
    %scan3A_1023 = arith.constant 256 : i32
    %scan3A_1024 = arith.addi %scan3A_1022, %scan3A_1023 : i32
    %scan3A_1025 = arith.constant 1 : i32
    scf.for %scan3A_1679 = %scan3A_1022 to %scan3A_1024 step %scan3A_1025  : i32 {
      %swap3A = arith.index_cast %scan3A_1679 : i32 to index
      %swap3A_1680 = arith.constant 0 : index
      %swap3A_1681 = tpu.vector_load %arg6[%swap3A, %swap3A_1680] {strides = array<i32>} : memref<256x128xf32, #tpu.memory_space<vmem>>, vector<1x16xf32>,
      %swap3A_1682 = vector.shape_cast %swap3A_1681 : vector<1x16xf32> to vector<16xf32>
      %swap3A_1683 = vector.shape_cast %get3A_985 : vector<16xf32> to vector<1x16xf32>
      tpu.vector_store %arg6[%swap3A, %swap3A_1680], %swap3A_1683 {strides = array<i32>} : memref<256x128xf32, #tpu.memory_space<vmem>>, vector<1x16xf32>,
      %swap3A_1684 = arith.index_cast %scan3A_1679 : i32 to index
      %swap3A_1685 = arith.constant 16 : index
      %swap3A_1686 = tpu.vector_load %arg6[%swap3A_1684, %swap3A_1685] {strides = array<i32>} : memref<256x128xf32, #tpu.memory_space<vmem>>, vector<1x16xf32>,
      %swap3A_1687 = vector.shape_cast %swap3A_1686 : vector<1x16xf32> to vector<16xf32>
      %swap3A_1688 = vector.shape_cast %get3A_990 : vector<16xf32> to vector<1x16xf32>
      tpu.vector_store %arg6[%swap3A_1684, %swap3A_1685], %swap3A_1688 {strides = array<i32>} : memref<256x128xf32, #tpu.memory_space<vmem>>, vector<1x16xf32>,
      %swap3A_1689 = arith.index_cast %scan3A_1679 : i32 to index
      %swap3A_1690 = arith.constant 32 : index
      %swap3A_1691 = tpu.vector_load %arg6[%swap3A_1689, %swap3A_1690] {strides = array<i32>} : memref<256x128xf32, #tpu.memory_space<vmem>>, vector<1x16xf32>,
      %swap3A_1692 = vector.shape_cast %swap3A_1691 : vector<1x16xf32> to vector<16xf32>
      %swap3A_1693 = vector.shape_cast %get3A_995 : vector<16xf32> to vector<1x16xf32>
      tpu.vector_store %arg6[%swap3A_1689, %swap3A_1690], %swap3A_1693 {strides = array<i32>} : memref<256x128xf32, #tpu.memory_space<vmem>>, vector<1x16xf32>,
      %swap3A_1694 = arith.index_cast %scan3A_1679 : i32 to index
      %swap3A_1695 = arith.constant 48 : index
      %swap3A_1696 = tpu.vector_load %arg6[%swap3A_1694, %swap3A_1695] {strides = array<i32>} : memref<256x128xf32, #tpu.memory_space<vmem>>, vector<1x16xf32>,
      %swap3A_1697 = vector.shape_cast %swap3A_1696 : vector<1x16xf32> to vector<16xf32>
      %swap3A_1698 = vector.shape_cast %get3A_1000 : vector<16xf32> to vector<1x16xf32>
      tpu.vector_store %arg6[%swap3A_1694, %swap3A_1695], %swap3A_1698 {strides = array<i32>} : memref<256x128xf32, #tpu.memory_space<vmem>>, vector<1x16xf32>,
      %swap3A_1699 = arith.index_cast %scan3A_1679 : i32 to index
      %swap3A_1700 = arith.constant 64 : index
      %swap3A_1701 = tpu.vector_load %arg6[%swap3A_1699, %swap3A_1700] {strides = array<i32>} : memref<256x128xf32, #tpu.memory_space<vmem>>, vector<1x16xf32>,
      %swap3A_1702 = vector.shape_cast %swap3A_1701 : vector<1x16xf32> to vector<16xf32>
      %swap3A_1703 = vector.shape_cast %get3A_1005 : vector<16xf32> to vector<1x16xf32>
      tpu.vector_store %arg6[%swap3A_1699, %swap3A_1700], %swap3A_1703 {strides = array<i32>} : memref<256x128xf32, #tpu.memory_space<vmem>>, vector<1x16xf32>,
      %swap3A_1704 = arith.index_cast %scan3A_1679 : i32 to index
      %swap3A_1705 = arith.constant 80 : index
      %swap3A_1706 = tpu.vector_load %arg6[%swap3A_1704, %swap3A_1705] {strides = array<i32>} : memref<256x128xf32, #tpu.memory_space<vmem>>, vector<1x16xf32>,
      %swap3A_1707 = vector.shape_cast %swap3A_1706 : vector<1x16xf32> to vector<16xf32>
      %swap3A_1708 = vector.shape_cast %get3A_1010 : vector<16xf32> to vector<1x16xf32>
      tpu.vector_store %arg6[%swap3A_1704, %swap3A_1705], %swap3A_1708 {strides = array<i32>} : memref<256x128xf32, #tpu.memory_space<vmem>>, vector<1x16xf32>,
      %swap3A_1709 = arith.index_cast %scan3A_1679 : i32 to index
      %swap3A_1710 = arith.constant 96 : index
      %swap3A_1711 = tpu.vector_load %arg6[%swap3A_1709, %swap3A_1710] {strides = array<i32>} : memref<256x128xf32, #tpu.memory_space<vmem>>, vector<1x16xf32>,
      %swap3A_1712 = vector.shape_cast %swap3A_1711 : vector<1x16xf32> to vector<16xf32>
      %swap3A_1713 = vector.shape_cast %get3A_1015 : vector<16xf32> to vector<1x16xf32>
      tpu.vector_store %arg6[%swap3A_1709, %swap3A_1710], %swap3A_1713 {strides = array<i32>} : memref<256x128xf32, #tpu.memory_space<vmem>>, vector<1x16xf32>,
      %swap3A_1714 = arith.index_cast %scan3A_1679 : i32 to index
      %swap3A_1715 = arith.constant 112 : index
      %swap3A_1716 = tpu.vector_load %arg6[%swap3A_1714, %swap3A_1715] {strides = array<i32>} : memref<256x128xf32, #tpu.memory_space<vmem>>, vector<1x16xf32>,
      %swap3A_1717 = vector.shape_cast %swap3A_1716 : vector<1x16xf32> to vector<16xf32>
      %swap3A_1718 = vector.shape_cast %get3A_1020 : vector<16xf32> to vector<1x16xf32>
      tpu.vector_store %arg6[%swap3A_1714, %swap3A_1715], %swap3A_1718 {strides = array<i32>} : memref<256x128xf32, #tpu.memory_space<vmem>>, vector<1x16xf32>,
    }
    %scan3A_1026 = arith.constant 256 : i32
    %add3A_1027 = arith.constant 160 : i32
    %add3A_1028 = arith.addi %add3A_1027, %add3A : i32
    %dma_start3A_1029 = arith.constant 0 : i32
    %dma_start3A_1030 = arith.constant 0 : i32
    %dma_start3A_1031 = tpu.memref_slice %arg3[%add3A_1028, %dma_start3A_1029, %dma_start3A_1030] : memref<257x2048x128xf32, #tpu.memory_space<hbm>> -> memref<1x256x128xf32, #tpu.memory_space<hbm>>
    %dma_start3A_1032 = tpu.memref_squeeze %dma_start3A_1031 : memref<1x256x128xf32, #tpu.memory_space<hbm>> -> memref<256x128xf32, #tpu.memory_space<hbm>>
    %dma_start3A_1033 = arith.constant 0 : i32
    %dma_start3A_1034 = arith.constant 0 : i32
    %dma_start3A_1035 = tpu.memref_slice %arg3[%add3A_1028, %dma_start3A_1033, %dma_start3A_1034] : memref<257x2048x128xf32, #tpu.memory_space<hbm>> -> memref<1x256x128xf32, #tpu.memory_space<hbm>>
    %dma_start3A_1036 = tpu.memref_squeeze %dma_start3A_1035 : memref<1x256x128xf32, #tpu.memory_space<hbm>> -> memref<256x128xf32, #tpu.memory_space<hbm>>
    tpu.enqueue_dma source(%arg6 : memref<256x128xf32, #tpu.memory_space<vmem>>) target(%dma_start3A_1036 : memref<256x128xf32, #tpu.memory_space<hbm>>) target_semaphore(%arg17 : memref<!tpu.dma_semaphore, #tpu.memory_space<semaphore_mem>>)
    %dma_start3A_1037 = arith.constant 256 : i32
    %dma_start3A_1038 = arith.constant 0 : i32
    %dma_start3A_1039 = tpu.memref_slice %arg3[%add3A_1028, %dma_start3A_1037, %dma_start3A_1038] : memref<257x2048x128xf32, #tpu.memory_space<hbm>> -> memref<1x256x128xf32, #tpu.memory_space<hbm>>
    %dma_start3A_1040 = tpu.memref_squeeze %dma_start3A_1039 : memref<1x256x128xf32, #tpu.memory_space<hbm>> -> memref<256x128xf32, #tpu.memory_space<hbm>>
    %dma_start3A_1041 = arith.constant 256 : i32
    %dma_start3A_1042 = arith.constant 0 : i32
    %dma_start3A_1043 = tpu.memref_slice %arg3[%add3A_1028, %dma_start3A_1041, %dma_start3A_1042] : memref<257x2048x128xf32, #tpu.memory_space<hbm>> -> memref<1x256x128xf32, #tpu.memory_space<hbm>>
    %dma_start3A_1044 = tpu.memref_squeeze %dma_start3A_1043 : memref<1x256x128xf32, #tpu.memory_space<hbm>> -> memref<256x128xf32, #tpu.memory_space<hbm>>
    tpu.enqueue_dma source(%arg6 : memref<256x128xf32, #tpu.memory_space<vmem>>) target(%dma_start3A_1044 : memref<256x128xf32, #tpu.memory_space<hbm>>) target_semaphore(%arg17 : memref<!tpu.dma_semaphore, #tpu.memory_space<semaphore_mem>>)
    %dma_start3A_1045 = arith.constant 512 : i32
    %dma_start3A_1046 = arith.constant 0 : i32
    %dma_start3A_1047 = tpu.memref_slice %arg3[%add3A_1028, %dma_start3A_1045, %dma_start3A_1046] : memref<257x2048x128xf32, #tpu.memory_space<hbm>> -> memref<1x256x128xf32, #tpu.memory_space<hbm>>
    %dma_start3A_1048 = tpu.memref_squeeze %dma_start3A_1047 : memref<1x256x128xf32, #tpu.memory_space<hbm>> -> memref<256x128xf32, #tpu.memory_space<hbm>>
    %dma_start3A_1049 = arith.constant 512 : i32
    %dma_start3A_1050 = arith.constant 0 : i32
    %dma_start3A_1051 = tpu.memref_slice %arg3[%add3A_1028, %dma_start3A_1049, %dma_start3A_1050] : memref<257x2048x128xf32, #tpu.memory_space<hbm>> -> memref<1x256x128xf32, #tpu.memory_space<hbm>>
    %dma_start3A_1052 = tpu.memref_squeeze %dma_start3A_1051 : memref<1x256x128xf32, #tpu.memory_space<hbm>> -> memref<256x128xf32, #tpu.memory_space<hbm>>
    tpu.enqueue_dma source(%arg6 : memref<256x128xf32, #tpu.memory_space<vmem>>) target(%dma_start3A_1052 : memref<256x128xf32, #tpu.memory_space<hbm>>) target_semaphore(%arg17 : memref<!tpu.dma_semaphore, #tpu.memory_space<semaphore_mem>>)
    %dma_start3A_1053 = arith.constant 768 : i32
    %dma_start3A_1054 = arith.constant 0 : i32
    %dma_start3A_1055 = tpu.memref_slice %arg3[%add3A_1028, %dma_start3A_1053, %dma_start3A_1054] : memref<257x2048x128xf32, #tpu.memory_space<hbm>> -> memref<1x256x128xf32, #tpu.memory_space<hbm>>
    %dma_start3A_1056 = tpu.memref_squeeze %dma_start3A_1055 : memref<1x256x128xf32, #tpu.memory_space<hbm>> -> memref<256x128xf32, #tpu.memory_space<hbm>>
    %dma_start3A_1057 = arith.constant 768 : i32
    %dma_start3A_1058 = arith.constant 0 : i32
    %dma_start3A_1059 = tpu.memref_slice %arg3[%add3A_1028, %dma_start3A_1057, %dma_start3A_1058] : memref<257x2048x128xf32, #tpu.memory_space<hbm>> -> memref<1x256x128xf32, #tpu.memory_space<hbm>>
    %dma_start3A_1060 = tpu.memref_squeeze %dma_start3A_1059 : memref<1x256x128xf32, #tpu.memory_space<hbm>> -> memref<256x128xf32, #tpu.memory_space<hbm>>
    tpu.enqueue_dma source(%arg6 : memref<256x128xf32, #tpu.memory_space<vmem>>) target(%dma_start3A_1060 : memref<256x128xf32, #tpu.memory_space<hbm>>) target_semaphore(%arg17 : memref<!tpu.dma_semaphore, #tpu.memory_space<semaphore_mem>>)
    %dma_start3A_1061 = arith.constant 1024 : i32
    %dma_start3A_1062 = arith.constant 0 : i32
    %dma_start3A_1063 = tpu.memref_slice %arg3[%add3A_1028, %dma_start3A_1061, %dma_start3A_1062] : memref<257x2048x128xf32, #tpu.memory_space<hbm>> -> memref<1x256x128xf32, #tpu.memory_space<hbm>>
    %dma_start3A_1064 = tpu.memref_squeeze %dma_start3A_1063 : memref<1x256x128xf32, #tpu.memory_space<hbm>> -> memref<256x128xf32, #tpu.memory_space<hbm>>
    %dma_start3A_1065 = arith.constant 1024 : i32
    %dma_start3A_1066 = arith.constant 0 : i32
    %dma_start3A_1067 = tpu.memref_slice %arg3[%add3A_1028, %dma_start3A_1065, %dma_start3A_1066] : memref<257x2048x128xf32, #tpu.memory_space<hbm>> -> memref<1x256x128xf32, #tpu.memory_space<hbm>>
    %dma_start3A_1068 = tpu.memref_squeeze %dma_start3A_1067 : memref<1x256x128xf32, #tpu.memory_space<hbm>> -> memref<256x128xf32, #tpu.memory_space<hbm>>
    tpu.enqueue_dma source(%arg6 : memref<256x128xf32, #tpu.memory_space<vmem>>) target(%dma_start3A_1068 : memref<256x128xf32, #tpu.memory_space<hbm>>) target_semaphore(%arg17 : memref<!tpu.dma_semaphore, #tpu.memory_space<semaphore_mem>>)
    %dma_start3A_1069 = arith.constant 1280 : i32
    %dma_start3A_1070 = arith.constant 0 : i32
    %dma_start3A_1071 = tpu.memref_slice %arg3[%add3A_1028, %dma_start3A_1069, %dma_start3A_1070] : memref<257x2048x128xf32, #tpu.memory_space<hbm>> -> memref<1x256x128xf32, #tpu.memory_space<hbm>>
    %dma_start3A_1072 = tpu.memref_squeeze %dma_start3A_1071 : memref<1x256x128xf32, #tpu.memory_space<hbm>> -> memref<256x128xf32, #tpu.memory_space<hbm>>
    %dma_start3A_1073 = arith.constant 1280 : i32
    %dma_start3A_1074 = arith.constant 0 : i32
    %dma_start3A_1075 = tpu.memref_slice %arg3[%add3A_1028, %dma_start3A_1073, %dma_start3A_1074] : memref<257x2048x128xf32, #tpu.memory_space<hbm>> -> memref<1x256x128xf32, #tpu.memory_space<hbm>>
    %dma_start3A_1076 = tpu.memref_squeeze %dma_start3A_1075 : memref<1x256x128xf32, #tpu.memory_space<hbm>> -> memref<256x128xf32, #tpu.memory_space<hbm>>
    tpu.enqueue_dma source(%arg6 : memref<256x128xf32, #tpu.memory_space<vmem>>) target(%dma_start3A_1076 : memref<256x128xf32, #tpu.memory_space<hbm>>) target_semaphore(%arg17 : memref<!tpu.dma_semaphore, #tpu.memory_space<semaphore_mem>>)
    %dma_start3A_1077 = arith.constant 1536 : i32
    %dma_start3A_1078 = arith.constant 0 : i32
    %dma_start3A_1079 = tpu.memref_slice %arg3[%add3A_1028, %dma_start3A_1077, %dma_start3A_1078] : memref<257x2048x128xf32, #tpu.memory_space<hbm>> -> memref<1x256x128xf32, #tpu.memory_space<hbm>>
    %dma_start3A_1080 = tpu.memref_squeeze %dma_start3A_1079 : memref<1x256x128xf32, #tpu.memory_space<hbm>> -> memref<256x128xf32, #tpu.memory_space<hbm>>
    %dma_start3A_1081 = arith.constant 1536 : i32
    %dma_start3A_1082 = arith.constant 0 : i32
    %dma_start3A_1083 = tpu.memref_slice %arg3[%add3A_1028, %dma_start3A_1081, %dma_start3A_1082] : memref<257x2048x128xf32, #tpu.memory_space<hbm>> -> memref<1x256x128xf32, #tpu.memory_space<hbm>>
    %dma_start3A_1084 = tpu.memref_squeeze %dma_start3A_1083 : memref<1x256x128xf32, #tpu.memory_space<hbm>> -> memref<256x128xf32, #tpu.memory_space<hbm>>
    tpu.enqueue_dma source(%arg6 : memref<256x128xf32, #tpu.memory_space<vmem>>) target(%dma_start3A_1084 : memref<256x128xf32, #tpu.memory_space<hbm>>) target_semaphore(%arg17 : memref<!tpu.dma_semaphore, #tpu.memory_space<semaphore_mem>>)
    %dma_start3A_1085 = arith.constant 1792 : i32
    %dma_start3A_1086 = arith.constant 0 : i32
    %dma_start3A_1087 = tpu.memref_slice %arg3[%add3A_1028, %dma_start3A_1085, %dma_start3A_1086] : memref<257x2048x128xf32, #tpu.memory_space<hbm>> -> memref<1x256x128xf32, #tpu.memory_space<hbm>>
    %dma_start3A_1088 = tpu.memref_squeeze %dma_start3A_1087 : memref<1x256x128xf32, #tpu.memory_space<hbm>> -> memref<256x128xf32, #tpu.memory_space<hbm>>
    %dma_start3A_1089 = arith.constant 1792 : i32
    %dma_start3A_1090 = arith.constant 0 : i32
    %dma_start3A_1091 = tpu.memref_slice %arg3[%add3A_1028, %dma_start3A_1089, %dma_start3A_1090] : memref<257x2048x128xf32, #tpu.memory_space<hbm>> -> memref<1x256x128xf32, #tpu.memory_space<hbm>>
    %dma_start3A_1092 = tpu.memref_squeeze %dma_start3A_1091 : memref<1x256x128xf32, #tpu.memory_space<hbm>> -> memref<256x128xf32, #tpu.memory_space<hbm>>
    tpu.enqueue_dma source(%arg6 : memref<256x128xf32, #tpu.memory_space<vmem>>) target(%dma_start3A_1092 : memref<256x128xf32, #tpu.memory_space<hbm>>) target_semaphore(%arg17 : memref<!tpu.dma_semaphore, #tpu.memory_space<semaphore_mem>>)
    %dma_wait3A_1093 = arith.constant 0 : i32
    %dma_wait3A_1094 = arith.constant 0 : i32
    %dma_wait3A_1095 = tpu.memref_slice %arg3[%add3A_842, %dma_wait3A_1093, %dma_wait3A_1094] : memref<257x2048x128xf32, #tpu.memory_space<hbm>> -> memref<1x256x128xf32, #tpu.memory_space<hbm>>
    %dma_wait3A_1096 = tpu.memref_squeeze %dma_wait3A_1095 : memref<1x256x128xf32, #tpu.memory_space<hbm>> -> memref<256x128xf32, #tpu.memory_space<hbm>>
    %dma_wait3A_1097 = arith.constant 0 : i32
    %dma_wait3A_1098 = arith.constant 0 : i32
    %dma_wait3A_1099 = tpu.memref_slice %arg3[%add3A_842, %dma_wait3A_1097, %dma_wait3A_1098] : memref<257x2048x128xf32, #tpu.memory_space<hbm>> -> memref<1x256x128xf32, #tpu.memory_space<hbm>>
    %dma_wait3A_1100 = tpu.memref_squeeze %dma_wait3A_1099 : memref<1x256x128xf32, #tpu.memory_space<hbm>> -> memref<256x128xf32, #tpu.memory_space<hbm>>
    tpu.wait_dma2 semaphore(%arg16 : memref<!tpu.dma_semaphore, #tpu.memory_space<semaphore_mem>>) src(%arg5 : memref<256x128xf32, #tpu.memory_space<vmem>>) dst(%dma_wait3A_1100 : memref<256x128xf32, #tpu.memory_space<hbm>>)
    %dma_wait3A_1101 = arith.constant 256 : i32
    %dma_wait3A_1102 = arith.constant 0 : i32
    %dma_wait3A_1103 = tpu.memref_slice %arg3[%add3A_842, %dma_wait3A_1101, %dma_wait3A_1102] : memref<257x2048x128xf32, #tpu.memory_space<hbm>> -> memref<1x256x128xf32, #tpu.memory_space<hbm>>
    %dma_wait3A_1104 = tpu.memref_squeeze %dma_wait3A_1103 : memref<1x256x128xf32, #tpu.memory_space<hbm>> -> memref<256x128xf32, #tpu.memory_space<hbm>>
    %dma_wait3A_1105 = arith.constant 256 : i32
    %dma_wait3A_1106 = arith.constant 0 : i32
    %dma_wait3A_1107 = tpu.memref_slice %arg3[%add3A_842, %dma_wait3A_1105, %dma_wait3A_1106] : memref<257x2048x128xf32, #tpu.memory_space<hbm>> -> memref<1x256x128xf32, #tpu.memory_space<hbm>>
    %dma_wait3A_1108 = tpu.memref_squeeze %dma_wait3A_1107 : memref<1x256x128xf32, #tpu.memory_space<hbm>> -> memref<256x128xf32, #tpu.memory_space<hbm>>
    tpu.wait_dma2 semaphore(%arg16 : memref<!tpu.dma_semaphore, #tpu.memory_space<semaphore_mem>>) src(%arg5 : memref<256x128xf32, #tpu.memory_space<vmem>>) dst(%dma_wait3A_1108 : memref<256x128xf32, #tpu.memory_space<hbm>>)
    %dma_wait3A_1109 = arith.constant 512 : i32
    %dma_wait3A_1110 = arith.constant 0 : i32
    %dma_wait3A_1111 = tpu.memref_slice %arg3[%add3A_842, %dma_wait3A_1109, %dma_wait3A_1110] : memref<257x2048x128xf32, #tpu.memory_space<hbm>> -> memref<1x256x128xf32, #tpu.memory_space<hbm>>
    %dma_wait3A_1112 = tpu.memref_squeeze %dma_wait3A_1111 : memref<1x256x128xf32, #tpu.memory_space<hbm>> -> memref<256x128xf32, #tpu.memory_space<hbm>>
    %dma_wait3A_1113 = arith.constant 512 : i32
    %dma_wait3A_1114 = arith.constant 0 : i32
    %dma_wait3A_1115 = tpu.memref_slice %arg3[%add3A_842, %dma_wait3A_1113, %dma_wait3A_1114] : memref<257x2048x128xf32, #tpu.memory_space<hbm>> -> memref<1x256x128xf32, #tpu.memory_space<hbm>>
    %dma_wait3A_1116 = tpu.memref_squeeze %dma_wait3A_1115 : memref<1x256x128xf32, #tpu.memory_space<hbm>> -> memref<256x128xf32, #tpu.memory_space<hbm>>
    tpu.wait_dma2 semaphore(%arg16 : memref<!tpu.dma_semaphore, #tpu.memory_space<semaphore_mem>>) src(%arg5 : memref<256x128xf32, #tpu.memory_space<vmem>>) dst(%dma_wait3A_1116 : memref<256x128xf32, #tpu.memory_space<hbm>>)
    %dma_wait3A_1117 = arith.constant 768 : i32
    %dma_wait3A_1118 = arith.constant 0 : i32
    %dma_wait3A_1119 = tpu.memref_slice %arg3[%add3A_842, %dma_wait3A_1117, %dma_wait3A_1118] : memref<257x2048x128xf32, #tpu.memory_space<hbm>> -> memref<1x256x128xf32, #tpu.memory_space<hbm>>
    %dma_wait3A_1120 = tpu.memref_squeeze %dma_wait3A_1119 : memref<1x256x128xf32, #tpu.memory_space<hbm>> -> memref<256x128xf32, #tpu.memory_space<hbm>>
    %dma_wait3A_1121 = arith.constant 768 : i32
    %dma_wait3A_1122 = arith.constant 0 : i32
    %dma_wait3A_1123 = tpu.memref_slice %arg3[%add3A_842, %dma_wait3A_1121, %dma_wait3A_1122] : memref<257x2048x128xf32, #tpu.memory_space<hbm>> -> memref<1x256x128xf32, #tpu.memory_space<hbm>>
    %dma_wait3A_1124 = tpu.memref_squeeze %dma_wait3A_1123 : memref<1x256x128xf32, #tpu.memory_space<hbm>> -> memref<256x128xf32, #tpu.memory_space<hbm>>
    tpu.wait_dma2 semaphore(%arg16 : memref<!tpu.dma_semaphore, #tpu.memory_space<semaphore_mem>>) src(%arg5 : memref<256x128xf32, #tpu.memory_space<vmem>>) dst(%dma_wait3A_1124 : memref<256x128xf32, #tpu.memory_space<hbm>>)
    %dma_wait3A_1125 = arith.constant 1024 : i32
    %dma_wait3A_1126 = arith.constant 0 : i32
    %dma_wait3A_1127 = tpu.memref_slice %arg3[%add3A_842, %dma_wait3A_1125, %dma_wait3A_1126] : memref<257x2048x128xf32, #tpu.memory_space<hbm>> -> memref<1x256x128xf32, #tpu.memory_space<hbm>>
    %dma_wait3A_1128 = tpu.memref_squeeze %dma_wait3A_1127 : memref<1x256x128xf32, #tpu.memory_space<hbm>> -> memref<256x128xf32, #tpu.memory_space<hbm>>
    %dma_wait3A_1129 = arith.constant 1024 : i32
    %dma_wait3A_1130 = arith.constant 0 : i32
    %dma_wait3A_1131 = tpu.memref_slice %arg3[%add3A_842, %dma_wait3A_1129, %dma_wait3A_1130] : memref<257x2048x128xf32, #tpu.memory_space<hbm>> -> memref<1x256x128xf32, #tpu.memory_space<hbm>>
    %dma_wait3A_1132 = tpu.memref_squeeze %dma_wait3A_1131 : memref<1x256x128xf32, #tpu.memory_space<hbm>> -> memref<256x128xf32, #tpu.memory_space<hbm>>
    tpu.wait_dma2 semaphore(%arg16 : memref<!tpu.dma_semaphore, #tpu.memory_space<semaphore_mem>>) src(%arg5 : memref<256x128xf32, #tpu.memory_space<vmem>>) dst(%dma_wait3A_1132 : memref<256x128xf32, #tpu.memory_space<hbm>>)
    %dma_wait3A_1133 = arith.constant 1280 : i32
    %dma_wait3A_1134 = arith.constant 0 : i32
    %dma_wait3A_1135 = tpu.memref_slice %arg3[%add3A_842, %dma_wait3A_1133, %dma_wait3A_1134] : memref<257x2048x128xf32, #tpu.memory_space<hbm>> -> memref<1x256x128xf32, #tpu.memory_space<hbm>>
    %dma_wait3A_1136 = tpu.memref_squeeze %dma_wait3A_1135 : memref<1x256x128xf32, #tpu.memory_space<hbm>> -> memref<256x128xf32, #tpu.memory_space<hbm>>
    %dma_wait3A_1137 = arith.constant 1280 : i32
    %dma_wait3A_1138 = arith.constant 0 : i32
    %dma_wait3A_1139 = tpu.memref_slice %arg3[%add3A_842, %dma_wait3A_1137, %dma_wait3A_1138] : memref<257x2048x128xf32, #tpu.memory_space<hbm>> -> memref<1x256x128xf32, #tpu.memory_space<hbm>>
    %dma_wait3A_1140 = tpu.memref_squeeze %dma_wait3A_1139 : memref<1x256x128xf32, #tpu.memory_space<hbm>> -> memref<256x128xf32, #tpu.memory_space<hbm>>
    tpu.wait_dma2 semaphore(%arg16 : memref<!tpu.dma_semaphore, #tpu.memory_space<semaphore_mem>>) src(%arg5 : memref<256x128xf32, #tpu.memory_space<vmem>>) dst(%dma_wait3A_1140 : memref<256x128xf32, #tpu.memory_space<hbm>>)
    %dma_wait3A_1141 = arith.constant 1536 : i32
    %dma_wait3A_1142 = arith.constant 0 : i32
    %dma_wait3A_1143 = tpu.memref_slice %arg3[%add3A_842, %dma_wait3A_1141, %dma_wait3A_1142] : memref<257x2048x128xf32, #tpu.memory_space<hbm>> -> memref<1x256x128xf32, #tpu.memory_space<hbm>>
    %dma_wait3A_1144 = tpu.memref_squeeze %dma_wait3A_1143 : memref<1x256x128xf32, #tpu.memory_space<hbm>> -> memref<256x128xf32, #tpu.memory_space<hbm>>
    %dma_wait3A_1145 = arith.constant 1536 : i32
    %dma_wait3A_1146 = arith.constant 0 : i32
    %dma_wait3A_1147 = tpu.memref_slice %arg3[%add3A_842, %dma_wait3A_1145, %dma_wait3A_1146] : memref<257x2048x128xf32, #tpu.memory_space<hbm>> -> memref<1x256x128xf32, #tpu.memory_space<hbm>>
    %dma_wait3A_1148 = tpu.memref_squeeze %dma_wait3A_1147 : memref<1x256x128xf32, #tpu.memory_space<hbm>> -> memref<256x128xf32, #tpu.memory_space<hbm>>
    tpu.wait_dma2 semaphore(%arg16 : memref<!tpu.dma_semaphore, #tpu.memory_space<semaphore_mem>>) src(%arg5 : memref<256x128xf32, #tpu.memory_space<vmem>>) dst(%dma_wait3A_1148 : memref<256x128xf32, #tpu.memory_space<hbm>>)
    %dma_wait3A_1149 = arith.constant 1792 : i32
    %dma_wait3A_1150 = arith.constant 0 : i32
    %dma_wait3A_1151 = tpu.memref_slice %arg3[%add3A_842, %dma_wait3A_1149, %dma_wait3A_1150] : memref<257x2048x128xf32, #tpu.memory_space<hbm>> -> memref<1x256x128xf32, #tpu.memory_space<hbm>>
    %dma_wait3A_1152 = tpu.memref_squeeze %dma_wait3A_1151 : memref<1x256x128xf32, #tpu.memory_space<hbm>> -> memref<256x128xf32, #tpu.memory_space<hbm>>
    %dma_wait3A_1153 = arith.constant 1792 : i32
    %dma_wait3A_1154 = arith.constant 0 : i32
    %dma_wait3A_1155 = tpu.memref_slice %arg3[%add3A_842, %dma_wait3A_1153, %dma_wait3A_1154] : memref<257x2048x128xf32, #tpu.memory_space<hbm>> -> memref<1x256x128xf32, #tpu.memory_space<hbm>>
    %dma_wait3A_1156 = tpu.memref_squeeze %dma_wait3A_1155 : memref<1x256x128xf32, #tpu.memory_space<hbm>> -> memref<256x128xf32, #tpu.memory_space<hbm>>
    tpu.wait_dma2 semaphore(%arg16 : memref<!tpu.dma_semaphore, #tpu.memory_space<semaphore_mem>>) src(%arg5 : memref<256x128xf32, #tpu.memory_space<vmem>>) dst(%dma_wait3A_1156 : memref<256x128xf32, #tpu.memory_space<hbm>>)
    %dma_wait3A_1157 = arith.constant 6 : i32
    %dma_wait3A_1158 = arith.constant 0 : i32
    %dma_wait3A_1159 = tpu.memref_slice %arg4[%dma_wait3A_1157, %dma_wait3A_1158] : memref<9x128xf32, #tpu.memory_space<vmem>> -> memref<1x128xf32, #tpu.memory_space<vmem>>
    %dma_wait3A_1160 = arith.constant 0 : i32
    %dma_wait3A_1161 = tpu.memref_slice %arg2[%add3A_73, %dma_wait3A_1160] : memref<257x128xf32, #tpu.memory_space<hbm>> -> memref<1x128xf32, #tpu.memory_space<hbm>>
    %dma_wait3A_1162 = arith.constant 6 : i32
    %dma_wait3A_1163 = arith.constant 0 : i32
    %dma_wait3A_1164 = tpu.memref_slice %arg4[%dma_wait3A_1162, %dma_wait3A_1163] : memref<9x128xf32, #tpu.memory_space<vmem>> -> memref<1x128xf32, #tpu.memory_space<vmem>>
    %dma_wait3A_1165 = arith.constant 0 : i32
    %dma_wait3A_1166 = tpu.memref_slice %arg2[%add3A_73, %dma_wait3A_1165] : memref<257x128xf32, #tpu.memory_space<hbm>> -> memref<1x128xf32, #tpu.memory_space<hbm>>
    tpu.wait_dma2 semaphore(%arg13 : memref<!tpu.dma_semaphore, #tpu.memory_space<semaphore_mem>>) src(%dma_wait3A_1166 : memref<1x128xf32, #tpu.memory_space<hbm>>) dst(%dma_wait3A_1164 : memref<1x128xf32, #tpu.memory_space<vmem>>)
    %get3A_1167 = arith.constant 6 : i32
    %get3A_1168 = arith.index_cast %get3A_1167 : i32 to index
    %get3A_1169 = arith.constant 0 : index
    %get3A_1170 = tpu.vector_load %arg4[%get3A_1168, %get3A_1169] {strides = array<i32>} : memref<9x128xf32, #tpu.memory_space<vmem>>, vector<1x16xf32>,
    %get3A_1171 = vector.shape_cast %get3A_1170 : vector<1x16xf32> to vector<16xf32>
    %get3A_1172 = arith.constant 6 : i32
    %get3A_1173 = arith.index_cast %get3A_1172 : i32 to index
    %get3A_1174 = arith.constant 16 : index
    %get3A_1175 = tpu.vector_load %arg4[%get3A_1173, %get3A_1174] {strides = array<i32>} : memref<9x128xf32, #tpu.memory_space<vmem>>, vector<1x16xf32>,
    %get3A_1176 = vector.shape_cast %get3A_1175 : vector<1x16xf32> to vector<16xf32>
    %get3A_1177 = arith.constant 6 : i32
    %get3A_1178 = arith.index_cast %get3A_1177 : i32 to index
    %get3A_1179 = arith.constant 32 : index
    %get3A_1180 = tpu.vector_load %arg4[%get3A_1178, %get3A_1179] {strides = array<i32>} : memref<9x128xf32, #tpu.memory_space<vmem>>, vector<1x16xf32>,
    %get3A_1181 = vector.shape_cast %get3A_1180 : vector<1x16xf32> to vector<16xf32>
    %get3A_1182 = arith.constant 6 : i32
    %get3A_1183 = arith.index_cast %get3A_1182 : i32 to index
    %get3A_1184 = arith.constant 48 : index
    %get3A_1185 = tpu.vector_load %arg4[%get3A_1183, %get3A_1184] {strides = array<i32>} : memref<9x128xf32, #tpu.memory_space<vmem>>, vector<1x16xf32>,
    %get3A_1186 = vector.shape_cast %get3A_1185 : vector<1x16xf32> to vector<16xf32>
    %get3A_1187 = arith.constant 6 : i32
    %get3A_1188 = arith.index_cast %get3A_1187 : i32 to index
    %get3A_1189 = arith.constant 64 : index
    %get3A_1190 = tpu.vector_load %arg4[%get3A_1188, %get3A_1189] {strides = array<i32>} : memref<9x128xf32, #tpu.memory_space<vmem>>, vector<1x16xf32>,
    %get3A_1191 = vector.shape_cast %get3A_1190 : vector<1x16xf32> to vector<16xf32>
    %get3A_1192 = arith.constant 6 : i32
    %get3A_1193 = arith.index_cast %get3A_1192 : i32 to index
    %get3A_1194 = arith.constant 80 : index
    %get3A_1195 = tpu.vector_load %arg4[%get3A_1193, %get3A_1194] {strides = array<i32>} : memref<9x128xf32, #tpu.memory_space<vmem>>, vector<1x16xf32>,
    %get3A_1196 = vector.shape_cast %get3A_1195 : vector<1x16xf32> to vector<16xf32>
    %get3A_1197 = arith.constant 6 : i32
    %get3A_1198 = arith.index_cast %get3A_1197 : i32 to index
    %get3A_1199 = arith.constant 96 : index
    %get3A_1200 = tpu.vector_load %arg4[%get3A_1198, %get3A_1199] {strides = array<i32>} : memref<9x128xf32, #tpu.memory_space<vmem>>, vector<1x16xf32>,
    %get3A_1201 = vector.shape_cast %get3A_1200 : vector<1x16xf32> to vector<16xf32>
    %get3A_1202 = arith.constant 6 : i32
    %get3A_1203 = arith.index_cast %get3A_1202 : i32 to index
    %get3A_1204 = arith.constant 112 : index
    %get3A_1205 = tpu.vector_load %arg4[%get3A_1203, %get3A_1204] {strides = array<i32>} : memref<9x128xf32, #tpu.memory_space<vmem>>, vector<1x16xf32>,
    %get3A_1206 = vector.shape_cast %get3A_1205 : vector<1x16xf32> to vector<16xf32>
    %scan3A_1207 = arith.constant 0 : i32
    %scan3A_1208 = arith.constant 0 : i32
    %scan3A_1209 = arith.constant 256 : i32
    %scan3A_1210 = arith.addi %scan3A_1208, %scan3A_1209 : i32
    %scan3A_1211 = arith.constant 1 : i32
    scf.for %scan3A_1679 = %scan3A_1208 to %scan3A_1210 step %scan3A_1211  : i32 {
      %swap3A = arith.index_cast %scan3A_1679 : i32 to index
      %swap3A_1680 = arith.constant 0 : index
      %swap3A_1681 = tpu.vector_load %arg5[%swap3A, %swap3A_1680] {strides = array<i32>} : memref<256x128xf32, #tpu.memory_space<vmem>>, vector<1x16xf32>,
      %swap3A_1682 = vector.shape_cast %swap3A_1681 : vector<1x16xf32> to vector<16xf32>
      %swap3A_1683 = vector.shape_cast %get3A_1171 : vector<16xf32> to vector<1x16xf32>
      tpu.vector_store %arg5[%swap3A, %swap3A_1680], %swap3A_1683 {strides = array<i32>} : memref<256x128xf32, #tpu.memory_space<vmem>>, vector<1x16xf32>,
      %swap3A_1684 = arith.index_cast %scan3A_1679 : i32 to index
      %swap3A_1685 = arith.constant 16 : index
      %swap3A_1686 = tpu.vector_load %arg5[%swap3A_1684, %swap3A_1685] {strides = array<i32>} : memref<256x128xf32, #tpu.memory_space<vmem>>, vector<1x16xf32>,
      %swap3A_1687 = vector.shape_cast %swap3A_1686 : vector<1x16xf32> to vector<16xf32>
      %swap3A_1688 = vector.shape_cast %get3A_1176 : vector<16xf32> to vector<1x16xf32>
      tpu.vector_store %arg5[%swap3A_1684, %swap3A_1685], %swap3A_1688 {strides = array<i32>} : memref<256x128xf32, #tpu.memory_space<vmem>>, vector<1x16xf32>,
      %swap3A_1689 = arith.index_cast %scan3A_1679 : i32 to index
      %swap3A_1690 = arith.constant 32 : index
      %swap3A_1691 = tpu.vector_load %arg5[%swap3A_1689, %swap3A_1690] {strides = array<i32>} : memref<256x128xf32, #tpu.memory_space<vmem>>, vector<1x16xf32>,
      %swap3A_1692 = vector.shape_cast %swap3A_1691 : vector<1x16xf32> to vector<16xf32>
      %swap3A_1693 = vector.shape_cast %get3A_1181 : vector<16xf32> to vector<1x16xf32>
      tpu.vector_store %arg5[%swap3A_1689, %swap3A_1690], %swap3A_1693 {strides = array<i32>} : memref<256x128xf32, #tpu.memory_space<vmem>>, vector<1x16xf32>,
      %swap3A_1694 = arith.index_cast %scan3A_1679 : i32 to index
      %swap3A_1695 = arith.constant 48 : index
      %swap3A_1696 = tpu.vector_load %arg5[%swap3A_1694, %swap3A_1695] {strides = array<i32>} : memref<256x128xf32, #tpu.memory_space<vmem>>, vector<1x16xf32>,
      %swap3A_1697 = vector.shape_cast %swap3A_1696 : vector<1x16xf32> to vector<16xf32>
      %swap3A_1698 = vector.shape_cast %get3A_1186 : vector<16xf32> to vector<1x16xf32>
      tpu.vector_store %arg5[%swap3A_1694, %swap3A_1695], %swap3A_1698 {strides = array<i32>} : memref<256x128xf32, #tpu.memory_space<vmem>>, vector<1x16xf32>,
      %swap3A_1699 = arith.index_cast %scan3A_1679 : i32 to index
      %swap3A_1700 = arith.constant 64 : index
      %swap3A_1701 = tpu.vector_load %arg5[%swap3A_1699, %swap3A_1700] {strides = array<i32>} : memref<256x128xf32, #tpu.memory_space<vmem>>, vector<1x16xf32>,
      %swap3A_1702 = vector.shape_cast %swap3A_1701 : vector<1x16xf32> to vector<16xf32>
      %swap3A_1703 = vector.shape_cast %get3A_1191 : vector<16xf32> to vector<1x16xf32>
      tpu.vector_store %arg5[%swap3A_1699, %swap3A_1700], %swap3A_1703 {strides = array<i32>} : memref<256x128xf32, #tpu.memory_space<vmem>>, vector<1x16xf32>,
      %swap3A_1704 = arith.index_cast %scan3A_1679 : i32 to index
      %swap3A_1705 = arith.constant 80 : index
      %swap3A_1706 = tpu.vector_load %arg5[%swap3A_1704, %swap3A_1705] {strides = array<i32>} : memref<256x128xf32, #tpu.memory_space<vmem>>, vector<1x16xf32>,
      %swap3A_1707 = vector.shape_cast %swap3A_1706 : vector<1x16xf32> to vector<16xf32>
      %swap3A_1708 = vector.shape_cast %get3A_1196 : vector<16xf32> to vector<1x16xf32>
      tpu.vector_store %arg5[%swap3A_1704, %swap3A_1705], %swap3A_1708 {strides = array<i32>} : memref<256x128xf32, #tpu.memory_space<vmem>>, vector<1x16xf32>,
      %swap3A_1709 = arith.index_cast %scan3A_1679 : i32 to index
      %swap3A_1710 = arith.constant 96 : index
      %swap3A_1711 = tpu.vector_load %arg5[%swap3A_1709, %swap3A_1710] {strides = array<i32>} : memref<256x128xf32, #tpu.memory_space<vmem>>, vector<1x16xf32>,
      %swap3A_1712 = vector.shape_cast %swap3A_1711 : vector<1x16xf32> to vector<16xf32>
      %swap3A_1713 = vector.shape_cast %get3A_1201 : vector<16xf32> to vector<1x16xf32>
      tpu.vector_store %arg5[%swap3A_1709, %swap3A_1710], %swap3A_1713 {strides = array<i32>} : memref<256x128xf32, #tpu.memory_space<vmem>>, vector<1x16xf32>,
      %swap3A_1714 = arith.index_cast %scan3A_1679 : i32 to index
      %swap3A_1715 = arith.constant 112 : index
      %swap3A_1716 = tpu.vector_load %arg5[%swap3A_1714, %swap3A_1715] {strides = array<i32>} : memref<256x128xf32, #tpu.memory_space<vmem>>, vector<1x16xf32>,
      %swap3A_1717 = vector.shape_cast %swap3A_1716 : vector<1x16xf32> to vector<16xf32>
      %swap3A_1718 = vector.shape_cast %get3A_1206 : vector<16xf32> to vector<1x16xf32>
      tpu.vector_store %arg5[%swap3A_1714, %swap3A_1715], %swap3A_1718 {strides = array<i32>} : memref<256x128xf32, #tpu.memory_space<vmem>>, vector<1x16xf32>,
    }
    %scan3A_1212 = arith.constant 256 : i32
    %add3A_1213 = arith.constant 192 : i32
    %add3A_1214 = arith.addi %add3A_1213, %add3A : i32
    %dma_start3A_1215 = arith.constant 0 : i32
    %dma_start3A_1216 = arith.constant 0 : i32
    %dma_start3A_1217 = tpu.memref_slice %arg3[%add3A_1214, %dma_start3A_1215, %dma_start3A_1216] : memref<257x2048x128xf32, #tpu.memory_space<hbm>> -> memref<1x256x128xf32, #tpu.memory_space<hbm>>
    %dma_start3A_1218 = tpu.memref_squeeze %dma_start3A_1217 : memref<1x256x128xf32, #tpu.memory_space<hbm>> -> memref<256x128xf32, #tpu.memory_space<hbm>>
    %dma_start3A_1219 = arith.constant 0 : i32
    %dma_start3A_1220 = arith.constant 0 : i32
    %dma_start3A_1221 = tpu.memref_slice %arg3[%add3A_1214, %dma_start3A_1219, %dma_start3A_1220] : memref<257x2048x128xf32, #tpu.memory_space<hbm>> -> memref<1x256x128xf32, #tpu.memory_space<hbm>>
    %dma_start3A_1222 = tpu.memref_squeeze %dma_start3A_1221 : memref<1x256x128xf32, #tpu.memory_space<hbm>> -> memref<256x128xf32, #tpu.memory_space<hbm>>
    tpu.enqueue_dma source(%arg5 : memref<256x128xf32, #tpu.memory_space<vmem>>) target(%dma_start3A_1222 : memref<256x128xf32, #tpu.memory_space<hbm>>) target_semaphore(%arg16 : memref<!tpu.dma_semaphore, #tpu.memory_space<semaphore_mem>>)
    %dma_start3A_1223 = arith.constant 256 : i32
    %dma_start3A_1224 = arith.constant 0 : i32
    %dma_start3A_1225 = tpu.memref_slice %arg3[%add3A_1214, %dma_start3A_1223, %dma_start3A_1224] : memref<257x2048x128xf32, #tpu.memory_space<hbm>> -> memref<1x256x128xf32, #tpu.memory_space<hbm>>
    %dma_start3A_1226 = tpu.memref_squeeze %dma_start3A_1225 : memref<1x256x128xf32, #tpu.memory_space<hbm>> -> memref<256x128xf32, #tpu.memory_space<hbm>>
    %dma_start3A_1227 = arith.constant 256 : i32
    %dma_start3A_1228 = arith.constant 0 : i32
    %dma_start3A_1229 = tpu.memref_slice %arg3[%add3A_1214, %dma_start3A_1227, %dma_start3A_1228] : memref<257x2048x128xf32, #tpu.memory_space<hbm>> -> memref<1x256x128xf32, #tpu.memory_space<hbm>>
    %dma_start3A_1230 = tpu.memref_squeeze %dma_start3A_1229 : memref<1x256x128xf32, #tpu.memory_space<hbm>> -> memref<256x128xf32, #tpu.memory_space<hbm>>
    tpu.enqueue_dma source(%arg5 : memref<256x128xf32, #tpu.memory_space<vmem>>) target(%dma_start3A_1230 : memref<256x128xf32, #tpu.memory_space<hbm>>) target_semaphore(%arg16 : memref<!tpu.dma_semaphore, #tpu.memory_space<semaphore_mem>>)
    %dma_start3A_1231 = arith.constant 512 : i32
    %dma_start3A_1232 = arith.constant 0 : i32
    %dma_start3A_1233 = tpu.memref_slice %arg3[%add3A_1214, %dma_start3A_1231, %dma_start3A_1232] : memref<257x2048x128xf32, #tpu.memory_space<hbm>> -> memref<1x256x128xf32, #tpu.memory_space<hbm>>
    %dma_start3A_1234 = tpu.memref_squeeze %dma_start3A_1233 : memref<1x256x128xf32, #tpu.memory_space<hbm>> -> memref<256x128xf32, #tpu.memory_space<hbm>>
    %dma_start3A_1235 = arith.constant 512 : i32
    %dma_start3A_1236 = arith.constant 0 : i32
    %dma_start3A_1237 = tpu.memref_slice %arg3[%add3A_1214, %dma_start3A_1235, %dma_start3A_1236] : memref<257x2048x128xf32, #tpu.memory_space<hbm>> -> memref<1x256x128xf32, #tpu.memory_space<hbm>>
    %dma_start3A_1238 = tpu.memref_squeeze %dma_start3A_1237 : memref<1x256x128xf32, #tpu.memory_space<hbm>> -> memref<256x128xf32, #tpu.memory_space<hbm>>
    tpu.enqueue_dma source(%arg5 : memref<256x128xf32, #tpu.memory_space<vmem>>) target(%dma_start3A_1238 : memref<256x128xf32, #tpu.memory_space<hbm>>) target_semaphore(%arg16 : memref<!tpu.dma_semaphore, #tpu.memory_space<semaphore_mem>>)
    %dma_start3A_1239 = arith.constant 768 : i32
    %dma_start3A_1240 = arith.constant 0 : i32
    %dma_start3A_1241 = tpu.memref_slice %arg3[%add3A_1214, %dma_start3A_1239, %dma_start3A_1240] : memref<257x2048x128xf32, #tpu.memory_space<hbm>> -> memref<1x256x128xf32, #tpu.memory_space<hbm>>
    %dma_start3A_1242 = tpu.memref_squeeze %dma_start3A_1241 : memref<1x256x128xf32, #tpu.memory_space<hbm>> -> memref<256x128xf32, #tpu.memory_space<hbm>>
    %dma_start3A_1243 = arith.constant 768 : i32
    %dma_start3A_1244 = arith.constant 0 : i32
    %dma_start3A_1245 = tpu.memref_slice %arg3[%add3A_1214, %dma_start3A_1243, %dma_start3A_1244] : memref<257x2048x128xf32, #tpu.memory_space<hbm>> -> memref<1x256x128xf32, #tpu.memory_space<hbm>>
    %dma_start3A_1246 = tpu.memref_squeeze %dma_start3A_1245 : memref<1x256x128xf32, #tpu.memory_space<hbm>> -> memref<256x128xf32, #tpu.memory_space<hbm>>
    tpu.enqueue_dma source(%arg5 : memref<256x128xf32, #tpu.memory_space<vmem>>) target(%dma_start3A_1246 : memref<256x128xf32, #tpu.memory_space<hbm>>) target_semaphore(%arg16 : memref<!tpu.dma_semaphore, #tpu.memory_space<semaphore_mem>>)
    %dma_start3A_1247 = arith.constant 1024 : i32
    %dma_start3A_1248 = arith.constant 0 : i32
    %dma_start3A_1249 = tpu.memref_slice %arg3[%add3A_1214, %dma_start3A_1247, %dma_start3A_1248] : memref<257x2048x128xf32, #tpu.memory_space<hbm>> -> memref<1x256x128xf32, #tpu.memory_space<hbm>>
    %dma_start3A_1250 = tpu.memref_squeeze %dma_start3A_1249 : memref<1x256x128xf32, #tpu.memory_space<hbm>> -> memref<256x128xf32, #tpu.memory_space<hbm>>
    %dma_start3A_1251 = arith.constant 1024 : i32
    %dma_start3A_1252 = arith.constant 0 : i32
    %dma_start3A_1253 = tpu.memref_slice %arg3[%add3A_1214, %dma_start3A_1251, %dma_start3A_1252] : memref<257x2048x128xf32, #tpu.memory_space<hbm>> -> memref<1x256x128xf32, #tpu.memory_space<hbm>>
    %dma_start3A_1254 = tpu.memref_squeeze %dma_start3A_1253 : memref<1x256x128xf32, #tpu.memory_space<hbm>> -> memref<256x128xf32, #tpu.memory_space<hbm>>
    tpu.enqueue_dma source(%arg5 : memref<256x128xf32, #tpu.memory_space<vmem>>) target(%dma_start3A_1254 : memref<256x128xf32, #tpu.memory_space<hbm>>) target_semaphore(%arg16 : memref<!tpu.dma_semaphore, #tpu.memory_space<semaphore_mem>>)
    %dma_start3A_1255 = arith.constant 1280 : i32
    %dma_start3A_1256 = arith.constant 0 : i32
    %dma_start3A_1257 = tpu.memref_slice %arg3[%add3A_1214, %dma_start3A_1255, %dma_start3A_1256] : memref<257x2048x128xf32, #tpu.memory_space<hbm>> -> memref<1x256x128xf32, #tpu.memory_space<hbm>>
    %dma_start3A_1258 = tpu.memref_squeeze %dma_start3A_1257 : memref<1x256x128xf32, #tpu.memory_space<hbm>> -> memref<256x128xf32, #tpu.memory_space<hbm>>
    %dma_start3A_1259 = arith.constant 1280 : i32
    %dma_start3A_1260 = arith.constant 0 : i32
    %dma_start3A_1261 = tpu.memref_slice %arg3[%add3A_1214, %dma_start3A_1259, %dma_start3A_1260] : memref<257x2048x128xf32, #tpu.memory_space<hbm>> -> memref<1x256x128xf32, #tpu.memory_space<hbm>>
    %dma_start3A_1262 = tpu.memref_squeeze %dma_start3A_1261 : memref<1x256x128xf32, #tpu.memory_space<hbm>> -> memref<256x128xf32, #tpu.memory_space<hbm>>
    tpu.enqueue_dma source(%arg5 : memref<256x128xf32, #tpu.memory_space<vmem>>) target(%dma_start3A_1262 : memref<256x128xf32, #tpu.memory_space<hbm>>) target_semaphore(%arg16 : memref<!tpu.dma_semaphore, #tpu.memory_space<semaphore_mem>>)
    %dma_start3A_1263 = arith.constant 1536 : i32
    %dma_start3A_1264 = arith.constant 0 : i32
    %dma_start3A_1265 = tpu.memref_slice %arg3[%add3A_1214, %dma_start3A_1263, %dma_start3A_1264] : memref<257x2048x128xf32, #tpu.memory_space<hbm>> -> memref<1x256x128xf32, #tpu.memory_space<hbm>>
    %dma_start3A_1266 = tpu.memref_squeeze %dma_start3A_1265 : memref<1x256x128xf32, #tpu.memory_space<hbm>> -> memref<256x128xf32, #tpu.memory_space<hbm>>
    %dma_start3A_1267 = arith.constant 1536 : i32
    %dma_start3A_1268 = arith.constant 0 : i32
    %dma_start3A_1269 = tpu.memref_slice %arg3[%add3A_1214, %dma_start3A_1267, %dma_start3A_1268] : memref<257x2048x128xf32, #tpu.memory_space<hbm>> -> memref<1x256x128xf32, #tpu.memory_space<hbm>>
    %dma_start3A_1270 = tpu.memref_squeeze %dma_start3A_1269 : memref<1x256x128xf32, #tpu.memory_space<hbm>> -> memref<256x128xf32, #tpu.memory_space<hbm>>
    tpu.enqueue_dma source(%arg5 : memref<256x128xf32, #tpu.memory_space<vmem>>) target(%dma_start3A_1270 : memref<256x128xf32, #tpu.memory_space<hbm>>) target_semaphore(%arg16 : memref<!tpu.dma_semaphore, #tpu.memory_space<semaphore_mem>>)
    %dma_start3A_1271 = arith.constant 1792 : i32
    %dma_start3A_1272 = arith.constant 0 : i32
    %dma_start3A_1273 = tpu.memref_slice %arg3[%add3A_1214, %dma_start3A_1271, %dma_start3A_1272] : memref<257x2048x128xf32, #tpu.memory_space<hbm>> -> memref<1x256x128xf32, #tpu.memory_space<hbm>>
    %dma_start3A_1274 = tpu.memref_squeeze %dma_start3A_1273 : memref<1x256x128xf32, #tpu.memory_space<hbm>> -> memref<256x128xf32, #tpu.memory_space<hbm>>
    %dma_start3A_1275 = arith.constant 1792 : i32
    %dma_start3A_1276 = arith.constant 0 : i32
    %dma_start3A_1277 = tpu.memref_slice %arg3[%add3A_1214, %dma_start3A_1275, %dma_start3A_1276] : memref<257x2048x128xf32, #tpu.memory_space<hbm>> -> memref<1x256x128xf32, #tpu.memory_space<hbm>>
    %dma_start3A_1278 = tpu.memref_squeeze %dma_start3A_1277 : memref<1x256x128xf32, #tpu.memory_space<hbm>> -> memref<256x128xf32, #tpu.memory_space<hbm>>
    tpu.enqueue_dma source(%arg5 : memref<256x128xf32, #tpu.memory_space<vmem>>) target(%dma_start3A_1278 : memref<256x128xf32, #tpu.memory_space<hbm>>) target_semaphore(%arg16 : memref<!tpu.dma_semaphore, #tpu.memory_space<semaphore_mem>>)
    %dma_wait3A_1279 = arith.constant 0 : i32
    %dma_wait3A_1280 = arith.constant 0 : i32
    %dma_wait3A_1281 = tpu.memref_slice %arg3[%add3A_1028, %dma_wait3A_1279, %dma_wait3A_1280] : memref<257x2048x128xf32, #tpu.memory_space<hbm>> -> memref<1x256x128xf32, #tpu.memory_space<hbm>>
    %dma_wait3A_1282 = tpu.memref_squeeze %dma_wait3A_1281 : memref<1x256x128xf32, #tpu.memory_space<hbm>> -> memref<256x128xf32, #tpu.memory_space<hbm>>
    %dma_wait3A_1283 = arith.constant 0 : i32
    %dma_wait3A_1284 = arith.constant 0 : i32
    %dma_wait3A_1285 = tpu.memref_slice %arg3[%add3A_1028, %dma_wait3A_1283, %dma_wait3A_1284] : memref<257x2048x128xf32, #tpu.memory_space<hbm>> -> memref<1x256x128xf32, #tpu.memory_space<hbm>>
    %dma_wait3A_1286 = tpu.memref_squeeze %dma_wait3A_1285 : memref<1x256x128xf32, #tpu.memory_space<hbm>> -> memref<256x128xf32, #tpu.memory_space<hbm>>
    tpu.wait_dma2 semaphore(%arg17 : memref<!tpu.dma_semaphore, #tpu.memory_space<semaphore_mem>>) src(%arg6 : memref<256x128xf32, #tpu.memory_space<vmem>>) dst(%dma_wait3A_1286 : memref<256x128xf32, #tpu.memory_space<hbm>>)
    %dma_wait3A_1287 = arith.constant 256 : i32
    %dma_wait3A_1288 = arith.constant 0 : i32
    %dma_wait3A_1289 = tpu.memref_slice %arg3[%add3A_1028, %dma_wait3A_1287, %dma_wait3A_1288] : memref<257x2048x128xf32, #tpu.memory_space<hbm>> -> memref<1x256x128xf32, #tpu.memory_space<hbm>>
    %dma_wait3A_1290 = tpu.memref_squeeze %dma_wait3A_1289 : memref<1x256x128xf32, #tpu.memory_space<hbm>> -> memref<256x128xf32, #tpu.memory_space<hbm>>
    %dma_wait3A_1291 = arith.constant 256 : i32
    %dma_wait3A_1292 = arith.constant 0 : i32
    %dma_wait3A_1293 = tpu.memref_slice %arg3[%add3A_1028, %dma_wait3A_1291, %dma_wait3A_1292] : memref<257x2048x128xf32, #tpu.memory_space<hbm>> -> memref<1x256x128xf32, #tpu.memory_space<hbm>>
    %dma_wait3A_1294 = tpu.memref_squeeze %dma_wait3A_1293 : memref<1x256x128xf32, #tpu.memory_space<hbm>> -> memref<256x128xf32, #tpu.memory_space<hbm>>
    tpu.wait_dma2 semaphore(%arg17 : memref<!tpu.dma_semaphore, #tpu.memory_space<semaphore_mem>>) src(%arg6 : memref<256x128xf32, #tpu.memory_space<vmem>>) dst(%dma_wait3A_1294 : memref<256x128xf32, #tpu.memory_space<hbm>>)
    %dma_wait3A_1295 = arith.constant 512 : i32
    %dma_wait3A_1296 = arith.constant 0 : i32
    %dma_wait3A_1297 = tpu.memref_slice %arg3[%add3A_1028, %dma_wait3A_1295, %dma_wait3A_1296] : memref<257x2048x128xf32, #tpu.memory_space<hbm>> -> memref<1x256x128xf32, #tpu.memory_space<hbm>>
    %dma_wait3A_1298 = tpu.memref_squeeze %dma_wait3A_1297 : memref<1x256x128xf32, #tpu.memory_space<hbm>> -> memref<256x128xf32, #tpu.memory_space<hbm>>
    %dma_wait3A_1299 = arith.constant 512 : i32
    %dma_wait3A_1300 = arith.constant 0 : i32
    %dma_wait3A_1301 = tpu.memref_slice %arg3[%add3A_1028, %dma_wait3A_1299, %dma_wait3A_1300] : memref<257x2048x128xf32, #tpu.memory_space<hbm>> -> memref<1x256x128xf32, #tpu.memory_space<hbm>>
    %dma_wait3A_1302 = tpu.memref_squeeze %dma_wait3A_1301 : memref<1x256x128xf32, #tpu.memory_space<hbm>> -> memref<256x128xf32, #tpu.memory_space<hbm>>
    tpu.wait_dma2 semaphore(%arg17 : memref<!tpu.dma_semaphore, #tpu.memory_space<semaphore_mem>>) src(%arg6 : memref<256x128xf32, #tpu.memory_space<vmem>>) dst(%dma_wait3A_1302 : memref<256x128xf32, #tpu.memory_space<hbm>>)
    %dma_wait3A_1303 = arith.constant 768 : i32
    %dma_wait3A_1304 = arith.constant 0 : i32
    %dma_wait3A_1305 = tpu.memref_slice %arg3[%add3A_1028, %dma_wait3A_1303, %dma_wait3A_1304] : memref<257x2048x128xf32, #tpu.memory_space<hbm>> -> memref<1x256x128xf32, #tpu.memory_space<hbm>>
    %dma_wait3A_1306 = tpu.memref_squeeze %dma_wait3A_1305 : memref<1x256x128xf32, #tpu.memory_space<hbm>> -> memref<256x128xf32, #tpu.memory_space<hbm>>
    %dma_wait3A_1307 = arith.constant 768 : i32
    %dma_wait3A_1308 = arith.constant 0 : i32
    %dma_wait3A_1309 = tpu.memref_slice %arg3[%add3A_1028, %dma_wait3A_1307, %dma_wait3A_1308] : memref<257x2048x128xf32, #tpu.memory_space<hbm>> -> memref<1x256x128xf32, #tpu.memory_space<hbm>>
    %dma_wait3A_1310 = tpu.memref_squeeze %dma_wait3A_1309 : memref<1x256x128xf32, #tpu.memory_space<hbm>> -> memref<256x128xf32, #tpu.memory_space<hbm>>
    tpu.wait_dma2 semaphore(%arg17 : memref<!tpu.dma_semaphore, #tpu.memory_space<semaphore_mem>>) src(%arg6 : memref<256x128xf32, #tpu.memory_space<vmem>>) dst(%dma_wait3A_1310 : memref<256x128xf32, #tpu.memory_space<hbm>>)
    %dma_wait3A_1311 = arith.constant 1024 : i32
    %dma_wait3A_1312 = arith.constant 0 : i32
    %dma_wait3A_1313 = tpu.memref_slice %arg3[%add3A_1028, %dma_wait3A_1311, %dma_wait3A_1312] : memref<257x2048x128xf32, #tpu.memory_space<hbm>> -> memref<1x256x128xf32, #tpu.memory_space<hbm>>
    %dma_wait3A_1314 = tpu.memref_squeeze %dma_wait3A_1313 : memref<1x256x128xf32, #tpu.memory_space<hbm>> -> memref<256x128xf32, #tpu.memory_space<hbm>>
    %dma_wait3A_1315 = arith.constant 1024 : i32
    %dma_wait3A_1316 = arith.constant 0 : i32
    %dma_wait3A_1317 = tpu.memref_slice %arg3[%add3A_1028, %dma_wait3A_1315, %dma_wait3A_1316] : memref<257x2048x128xf32, #tpu.memory_space<hbm>> -> memref<1x256x128xf32, #tpu.memory_space<hbm>>
    %dma_wait3A_1318 = tpu.memref_squeeze %dma_wait3A_1317 : memref<1x256x128xf32, #tpu.memory_space<hbm>> -> memref<256x128xf32, #tpu.memory_space<hbm>>
    tpu.wait_dma2 semaphore(%arg17 : memref<!tpu.dma_semaphore, #tpu.memory_space<semaphore_mem>>) src(%arg6 : memref<256x128xf32, #tpu.memory_space<vmem>>) dst(%dma_wait3A_1318 : memref<256x128xf32, #tpu.memory_space<hbm>>)
    %dma_wait3A_1319 = arith.constant 1280 : i32
    %dma_wait3A_1320 = arith.constant 0 : i32
    %dma_wait3A_1321 = tpu.memref_slice %arg3[%add3A_1028, %dma_wait3A_1319, %dma_wait3A_1320] : memref<257x2048x128xf32, #tpu.memory_space<hbm>> -> memref<1x256x128xf32, #tpu.memory_space<hbm>>
    %dma_wait3A_1322 = tpu.memref_squeeze %dma_wait3A_1321 : memref<1x256x128xf32, #tpu.memory_space<hbm>> -> memref<256x128xf32, #tpu.memory_space<hbm>>
    %dma_wait3A_1323 = arith.constant 1280 : i32
    %dma_wait3A_1324 = arith.constant 0 : i32
    %dma_wait3A_1325 = tpu.memref_slice %arg3[%add3A_1028, %dma_wait3A_1323, %dma_wait3A_1324] : memref<257x2048x128xf32, #tpu.memory_space<hbm>> -> memref<1x256x128xf32, #tpu.memory_space<hbm>>
    %dma_wait3A_1326 = tpu.memref_squeeze %dma_wait3A_1325 : memref<1x256x128xf32, #tpu.memory_space<hbm>> -> memref<256x128xf32, #tpu.memory_space<hbm>>
    tpu.wait_dma2 semaphore(%arg17 : memref<!tpu.dma_semaphore, #tpu.memory_space<semaphore_mem>>) src(%arg6 : memref<256x128xf32, #tpu.memory_space<vmem>>) dst(%dma_wait3A_1326 : memref<256x128xf32, #tpu.memory_space<hbm>>)
    %dma_wait3A_1327 = arith.constant 1536 : i32
    %dma_wait3A_1328 = arith.constant 0 : i32
    %dma_wait3A_1329 = tpu.memref_slice %arg3[%add3A_1028, %dma_wait3A_1327, %dma_wait3A_1328] : memref<257x2048x128xf32, #tpu.memory_space<hbm>> -> memref<1x256x128xf32, #tpu.memory_space<hbm>>
    %dma_wait3A_1330 = tpu.memref_squeeze %dma_wait3A_1329 : memref<1x256x128xf32, #tpu.memory_space<hbm>> -> memref<256x128xf32, #tpu.memory_space<hbm>>
    %dma_wait3A_1331 = arith.constant 1536 : i32
    %dma_wait3A_1332 = arith.constant 0 : i32
    %dma_wait3A_1333 = tpu.memref_slice %arg3[%add3A_1028, %dma_wait3A_1331, %dma_wait3A_1332] : memref<257x2048x128xf32, #tpu.memory_space<hbm>> -> memref<1x256x128xf32, #tpu.memory_space<hbm>>
    %dma_wait3A_1334 = tpu.memref_squeeze %dma_wait3A_1333 : memref<1x256x128xf32, #tpu.memory_space<hbm>> -> memref<256x128xf32, #tpu.memory_space<hbm>>
    tpu.wait_dma2 semaphore(%arg17 : memref<!tpu.dma_semaphore, #tpu.memory_space<semaphore_mem>>) src(%arg6 : memref<256x128xf32, #tpu.memory_space<vmem>>) dst(%dma_wait3A_1334 : memref<256x128xf32, #tpu.memory_space<hbm>>)
    %dma_wait3A_1335 = arith.constant 1792 : i32
    %dma_wait3A_1336 = arith.constant 0 : i32
    %dma_wait3A_1337 = tpu.memref_slice %arg3[%add3A_1028, %dma_wait3A_1335, %dma_wait3A_1336] : memref<257x2048x128xf32, #tpu.memory_space<hbm>> -> memref<1x256x128xf32, #tpu.memory_space<hbm>>
    %dma_wait3A_1338 = tpu.memref_squeeze %dma_wait3A_1337 : memref<1x256x128xf32, #tpu.memory_space<hbm>> -> memref<256x128xf32, #tpu.memory_space<hbm>>
    %dma_wait3A_1339 = arith.constant 1792 : i32
    %dma_wait3A_1340 = arith.constant 0 : i32
    %dma_wait3A_1341 = tpu.memref_slice %arg3[%add3A_1028, %dma_wait3A_1339, %dma_wait3A_1340] : memref<257x2048x128xf32, #tpu.memory_space<hbm>> -> memref<1x256x128xf32, #tpu.memory_space<hbm>>
    %dma_wait3A_1342 = tpu.memref_squeeze %dma_wait3A_1341 : memref<1x256x128xf32, #tpu.memory_space<hbm>> -> memref<256x128xf32, #tpu.memory_space<hbm>>
    tpu.wait_dma2 semaphore(%arg17 : memref<!tpu.dma_semaphore, #tpu.memory_space<semaphore_mem>>) src(%arg6 : memref<256x128xf32, #tpu.memory_space<vmem>>) dst(%dma_wait3A_1342 : memref<256x128xf32, #tpu.memory_space<hbm>>)
    %dma_wait3A_1343 = arith.constant 7 : i32
    %dma_wait3A_1344 = arith.constant 0 : i32
    %dma_wait3A_1345 = tpu.memref_slice %arg4[%dma_wait3A_1343, %dma_wait3A_1344] : memref<9x128xf32, #tpu.memory_space<vmem>> -> memref<1x128xf32, #tpu.memory_space<vmem>>
    %dma_wait3A_1346 = arith.constant 0 : i32
    %dma_wait3A_1347 = tpu.memref_slice %arg2[%add3A_85, %dma_wait3A_1346] : memref<257x128xf32, #tpu.memory_space<hbm>> -> memref<1x128xf32, #tpu.memory_space<hbm>>
    %dma_wait3A_1348 = arith.constant 7 : i32
    %dma_wait3A_1349 = arith.constant 0 : i32
    %dma_wait3A_1350 = tpu.memref_slice %arg4[%dma_wait3A_1348, %dma_wait3A_1349] : memref<9x128xf32, #tpu.memory_space<vmem>> -> memref<1x128xf32, #tpu.memory_space<vmem>>
    %dma_wait3A_1351 = arith.constant 0 : i32
    %dma_wait3A_1352 = tpu.memref_slice %arg2[%add3A_85, %dma_wait3A_1351] : memref<257x128xf32, #tpu.memory_space<hbm>> -> memref<1x128xf32, #tpu.memory_space<hbm>>
    tpu.wait_dma2 semaphore(%arg14 : memref<!tpu.dma_semaphore, #tpu.memory_space<semaphore_mem>>) src(%dma_wait3A_1352 : memref<1x128xf32, #tpu.memory_space<hbm>>) dst(%dma_wait3A_1350 : memref<1x128xf32, #tpu.memory_space<vmem>>)
    %get3A_1353 = arith.constant 7 : i32
    %get3A_1354 = arith.index_cast %get3A_1353 : i32 to index
    %get3A_1355 = arith.constant 0 : index
    %get3A_1356 = tpu.vector_load %arg4[%get3A_1354, %get3A_1355] {strides = array<i32>} : memref<9x128xf32, #tpu.memory_space<vmem>>, vector<1x16xf32>,
    %get3A_1357 = vector.shape_cast %get3A_1356 : vector<1x16xf32> to vector<16xf32>
    %get3A_1358 = arith.constant 7 : i32
    %get3A_1359 = arith.index_cast %get3A_1358 : i32 to index
    %get3A_1360 = arith.constant 16 : index
    %get3A_1361 = tpu.vector_load %arg4[%get3A_1359, %get3A_1360] {strides = array<i32>} : memref<9x128xf32, #tpu.memory_space<vmem>>, vector<1x16xf32>,
    %get3A_1362 = vector.shape_cast %get3A_1361 : vector<1x16xf32> to vector<16xf32>
    %get3A_1363 = arith.constant 7 : i32
    %get3A_1364 = arith.index_cast %get3A_1363 : i32 to index
    %get3A_1365 = arith.constant 32 : index
    %get3A_1366 = tpu.vector_load %arg4[%get3A_1364, %get3A_1365] {strides = array<i32>} : memref<9x128xf32, #tpu.memory_space<vmem>>, vector<1x16xf32>,
    %get3A_1367 = vector.shape_cast %get3A_1366 : vector<1x16xf32> to vector<16xf32>
    %get3A_1368 = arith.constant 7 : i32
    %get3A_1369 = arith.index_cast %get3A_1368 : i32 to index
    %get3A_1370 = arith.constant 48 : index
    %get3A_1371 = tpu.vector_load %arg4[%get3A_1369, %get3A_1370] {strides = array<i32>} : memref<9x128xf32, #tpu.memory_space<vmem>>, vector<1x16xf32>,
    %get3A_1372 = vector.shape_cast %get3A_1371 : vector<1x16xf32> to vector<16xf32>
    %get3A_1373 = arith.constant 7 : i32
    %get3A_1374 = arith.index_cast %get3A_1373 : i32 to index
    %get3A_1375 = arith.constant 64 : index
    %get3A_1376 = tpu.vector_load %arg4[%get3A_1374, %get3A_1375] {strides = array<i32>} : memref<9x128xf32, #tpu.memory_space<vmem>>, vector<1x16xf32>,
    %get3A_1377 = vector.shape_cast %get3A_1376 : vector<1x16xf32> to vector<16xf32>
    %get3A_1378 = arith.constant 7 : i32
    %get3A_1379 = arith.index_cast %get3A_1378 : i32 to index
    %get3A_1380 = arith.constant 80 : index
    %get3A_1381 = tpu.vector_load %arg4[%get3A_1379, %get3A_1380] {strides = array<i32>} : memref<9x128xf32, #tpu.memory_space<vmem>>, vector<1x16xf32>,
    %get3A_1382 = vector.shape_cast %get3A_1381 : vector<1x16xf32> to vector<16xf32>
    %get3A_1383 = arith.constant 7 : i32
    %get3A_1384 = arith.index_cast %get3A_1383 : i32 to index
    %get3A_1385 = arith.constant 96 : index
    %get3A_1386 = tpu.vector_load %arg4[%get3A_1384, %get3A_1385] {strides = array<i32>} : memref<9x128xf32, #tpu.memory_space<vmem>>, vector<1x16xf32>,
    %get3A_1387 = vector.shape_cast %get3A_1386 : vector<1x16xf32> to vector<16xf32>
    %get3A_1388 = arith.constant 7 : i32
    %get3A_1389 = arith.index_cast %get3A_1388 : i32 to index
    %get3A_1390 = arith.constant 112 : index
    %get3A_1391 = tpu.vector_load %arg4[%get3A_1389, %get3A_1390] {strides = array<i32>} : memref<9x128xf32, #tpu.memory_space<vmem>>, vector<1x16xf32>,
    %get3A_1392 = vector.shape_cast %get3A_1391 : vector<1x16xf32> to vector<16xf32>
    %scan3A_1393 = arith.constant 0 : i32
    %scan3A_1394 = arith.constant 0 : i32
    %scan3A_1395 = arith.constant 256 : i32
    %scan3A_1396 = arith.addi %scan3A_1394, %scan3A_1395 : i32
    %scan3A_1397 = arith.constant 1 : i32
    scf.for %scan3A_1679 = %scan3A_1394 to %scan3A_1396 step %scan3A_1397  : i32 {
      %swap3A = arith.index_cast %scan3A_1679 : i32 to index
      %swap3A_1680 = arith.constant 0 : index
      %swap3A_1681 = tpu.vector_load %arg6[%swap3A, %swap3A_1680] {strides = array<i32>} : memref<256x128xf32, #tpu.memory_space<vmem>>, vector<1x16xf32>,
      %swap3A_1682 = vector.shape_cast %swap3A_1681 : vector<1x16xf32> to vector<16xf32>
      %swap3A_1683 = vector.shape_cast %get3A_1357 : vector<16xf32> to vector<1x16xf32>
      tpu.vector_store %arg6[%swap3A, %swap3A_1680], %swap3A_1683 {strides = array<i32>} : memref<256x128xf32, #tpu.memory_space<vmem>>, vector<1x16xf32>,
      %swap3A_1684 = arith.index_cast %scan3A_1679 : i32 to index
      %swap3A_1685 = arith.constant 16 : index
      %swap3A_1686 = tpu.vector_load %arg6[%swap3A_1684, %swap3A_1685] {strides = array<i32>} : memref<256x128xf32, #tpu.memory_space<vmem>>, vector<1x16xf32>,
      %swap3A_1687 = vector.shape_cast %swap3A_1686 : vector<1x16xf32> to vector<16xf32>
      %swap3A_1688 = vector.shape_cast %get3A_1362 : vector<16xf32> to vector<1x16xf32>
      tpu.vector_store %arg6[%swap3A_1684, %swap3A_1685], %swap3A_1688 {strides = array<i32>} : memref<256x128xf32, #tpu.memory_space<vmem>>, vector<1x16xf32>,
      %swap3A_1689 = arith.index_cast %scan3A_1679 : i32 to index
      %swap3A_1690 = arith.constant 32 : index
      %swap3A_1691 = tpu.vector_load %arg6[%swap3A_1689, %swap3A_1690] {strides = array<i32>} : memref<256x128xf32, #tpu.memory_space<vmem>>, vector<1x16xf32>,
      %swap3A_1692 = vector.shape_cast %swap3A_1691 : vector<1x16xf32> to vector<16xf32>
      %swap3A_1693 = vector.shape_cast %get3A_1367 : vector<16xf32> to vector<1x16xf32>
      tpu.vector_store %arg6[%swap3A_1689, %swap3A_1690], %swap3A_1693 {strides = array<i32>} : memref<256x128xf32, #tpu.memory_space<vmem>>, vector<1x16xf32>,
      %swap3A_1694 = arith.index_cast %scan3A_1679 : i32 to index
      %swap3A_1695 = arith.constant 48 : index
      %swap3A_1696 = tpu.vector_load %arg6[%swap3A_1694, %swap3A_1695] {strides = array<i32>} : memref<256x128xf32, #tpu.memory_space<vmem>>, vector<1x16xf32>,
      %swap3A_1697 = vector.shape_cast %swap3A_1696 : vector<1x16xf32> to vector<16xf32>
      %swap3A_1698 = vector.shape_cast %get3A_1372 : vector<16xf32> to vector<1x16xf32>
      tpu.vector_store %arg6[%swap3A_1694, %swap3A_1695], %swap3A_1698 {strides = array<i32>} : memref<256x128xf32, #tpu.memory_space<vmem>>, vector<1x16xf32>,
      %swap3A_1699 = arith.index_cast %scan3A_1679 : i32 to index
      %swap3A_1700 = arith.constant 64 : index
      %swap3A_1701 = tpu.vector_load %arg6[%swap3A_1699, %swap3A_1700] {strides = array<i32>} : memref<256x128xf32, #tpu.memory_space<vmem>>, vector<1x16xf32>,
      %swap3A_1702 = vector.shape_cast %swap3A_1701 : vector<1x16xf32> to vector<16xf32>
      %swap3A_1703 = vector.shape_cast %get3A_1377 : vector<16xf32> to vector<1x16xf32>
      tpu.vector_store %arg6[%swap3A_1699, %swap3A_1700], %swap3A_1703 {strides = array<i32>} : memref<256x128xf32, #tpu.memory_space<vmem>>, vector<1x16xf32>,
      %swap3A_1704 = arith.index_cast %scan3A_1679 : i32 to index
      %swap3A_1705 = arith.constant 80 : index
      %swap3A_1706 = tpu.vector_load %arg6[%swap3A_1704, %swap3A_1705] {strides = array<i32>} : memref<256x128xf32, #tpu.memory_space<vmem>>, vector<1x16xf32>,
      %swap3A_1707 = vector.shape_cast %swap3A_1706 : vector<1x16xf32> to vector<16xf32>
      %swap3A_1708 = vector.shape_cast %get3A_1382 : vector<16xf32> to vector<1x16xf32>
      tpu.vector_store %arg6[%swap3A_1704, %swap3A_1705], %swap3A_1708 {strides = array<i32>} : memref<256x128xf32, #tpu.memory_space<vmem>>, vector<1x16xf32>,
      %swap3A_1709 = arith.index_cast %scan3A_1679 : i32 to index
      %swap3A_1710 = arith.constant 96 : index
      %swap3A_1711 = tpu.vector_load %arg6[%swap3A_1709, %swap3A_1710] {strides = array<i32>} : memref<256x128xf32, #tpu.memory_space<vmem>>, vector<1x16xf32>,
      %swap3A_1712 = vector.shape_cast %swap3A_1711 : vector<1x16xf32> to vector<16xf32>
      %swap3A_1713 = vector.shape_cast %get3A_1387 : vector<16xf32> to vector<1x16xf32>
      tpu.vector_store %arg6[%swap3A_1709, %swap3A_1710], %swap3A_1713 {strides = array<i32>} : memref<256x128xf32, #tpu.memory_space<vmem>>, vector<1x16xf32>,
      %swap3A_1714 = arith.index_cast %scan3A_1679 : i32 to index
      %swap3A_1715 = arith.constant 112 : index
      %swap3A_1716 = tpu.vector_load %arg6[%swap3A_1714, %swap3A_1715] {strides = array<i32>} : memref<256x128xf32, #tpu.memory_space<vmem>>, vector<1x16xf32>,
      %swap3A_1717 = vector.shape_cast %swap3A_1716 : vector<1x16xf32> to vector<16xf32>
      %swap3A_1718 = vector.shape_cast %get3A_1392 : vector<16xf32> to vector<1x16xf32>
      tpu.vector_store %arg6[%swap3A_1714, %swap3A_1715], %swap3A_1718 {strides = array<i32>} : memref<256x128xf32, #tpu.memory_space<vmem>>, vector<1x16xf32>,
    }
    %scan3A_1398 = arith.constant 256 : i32
    %add3A_1399 = arith.constant 224 : i32
    %add3A_1400 = arith.addi %add3A_1399, %add3A : i32
    %dma_start3A_1401 = arith.constant 0 : i32
    %dma_start3A_1402 = arith.constant 0 : i32
    %dma_start3A_1403 = tpu.memref_slice %arg3[%add3A_1400, %dma_start3A_1401, %dma_start3A_1402] : memref<257x2048x128xf32, #tpu.memory_space<hbm>> -> memref<1x256x128xf32, #tpu.memory_space<hbm>>
    %dma_start3A_1404 = tpu.memref_squeeze %dma_start3A_1403 : memref<1x256x128xf32, #tpu.memory_space<hbm>> -> memref<256x128xf32, #tpu.memory_space<hbm>>
    %dma_start3A_1405 = arith.constant 0 : i32
    %dma_start3A_1406 = arith.constant 0 : i32
    %dma_start3A_1407 = tpu.memref_slice %arg3[%add3A_1400, %dma_start3A_1405, %dma_start3A_1406] : memref<257x2048x128xf32, #tpu.memory_space<hbm>> -> memref<1x256x128xf32, #tpu.memory_space<hbm>>
    %dma_start3A_1408 = tpu.memref_squeeze %dma_start3A_1407 : memref<1x256x128xf32, #tpu.memory_space<hbm>> -> memref<256x128xf32, #tpu.memory_space<hbm>>
    tpu.enqueue_dma source(%arg6 : memref<256x128xf32, #tpu.memory_space<vmem>>) target(%dma_start3A_1408 : memref<256x128xf32, #tpu.memory_space<hbm>>) target_semaphore(%arg17 : memref<!tpu.dma_semaphore, #tpu.memory_space<semaphore_mem>>)
    %dma_start3A_1409 = arith.constant 256 : i32
    %dma_start3A_1410 = arith.constant 0 : i32
    %dma_start3A_1411 = tpu.memref_slice %arg3[%add3A_1400, %dma_start3A_1409, %dma_start3A_1410] : memref<257x2048x128xf32, #tpu.memory_space<hbm>> -> memref<1x256x128xf32, #tpu.memory_space<hbm>>
    %dma_start3A_1412 = tpu.memref_squeeze %dma_start3A_1411 : memref<1x256x128xf32, #tpu.memory_space<hbm>> -> memref<256x128xf32, #tpu.memory_space<hbm>>
    %dma_start3A_1413 = arith.constant 256 : i32
    %dma_start3A_1414 = arith.constant 0 : i32
    %dma_start3A_1415 = tpu.memref_slice %arg3[%add3A_1400, %dma_start3A_1413, %dma_start3A_1414] : memref<257x2048x128xf32, #tpu.memory_space<hbm>> -> memref<1x256x128xf32, #tpu.memory_space<hbm>>
    %dma_start3A_1416 = tpu.memref_squeeze %dma_start3A_1415 : memref<1x256x128xf32, #tpu.memory_space<hbm>> -> memref<256x128xf32, #tpu.memory_space<hbm>>
    tpu.enqueue_dma source(%arg6 : memref<256x128xf32, #tpu.memory_space<vmem>>) target(%dma_start3A_1416 : memref<256x128xf32, #tpu.memory_space<hbm>>) target_semaphore(%arg17 : memref<!tpu.dma_semaphore, #tpu.memory_space<semaphore_mem>>)
    %dma_start3A_1417 = arith.constant 512 : i32
    %dma_start3A_1418 = arith.constant 0 : i32
    %dma_start3A_1419 = tpu.memref_slice %arg3[%add3A_1400, %dma_start3A_1417, %dma_start3A_1418] : memref<257x2048x128xf32, #tpu.memory_space<hbm>> -> memref<1x256x128xf32, #tpu.memory_space<hbm>>
    %dma_start3A_1420 = tpu.memref_squeeze %dma_start3A_1419 : memref<1x256x128xf32, #tpu.memory_space<hbm>> -> memref<256x128xf32, #tpu.memory_space<hbm>>
    %dma_start3A_1421 = arith.constant 512 : i32
    %dma_start3A_1422 = arith.constant 0 : i32
    %dma_start3A_1423 = tpu.memref_slice %arg3[%add3A_1400, %dma_start3A_1421, %dma_start3A_1422] : memref<257x2048x128xf32, #tpu.memory_space<hbm>> -> memref<1x256x128xf32, #tpu.memory_space<hbm>>
    %dma_start3A_1424 = tpu.memref_squeeze %dma_start3A_1423 : memref<1x256x128xf32, #tpu.memory_space<hbm>> -> memref<256x128xf32, #tpu.memory_space<hbm>>
    tpu.enqueue_dma source(%arg6 : memref<256x128xf32, #tpu.memory_space<vmem>>) target(%dma_start3A_1424 : memref<256x128xf32, #tpu.memory_space<hbm>>) target_semaphore(%arg17 : memref<!tpu.dma_semaphore, #tpu.memory_space<semaphore_mem>>)
    %dma_start3A_1425 = arith.constant 768 : i32
    %dma_start3A_1426 = arith.constant 0 : i32
    %dma_start3A_1427 = tpu.memref_slice %arg3[%add3A_1400, %dma_start3A_1425, %dma_start3A_1426] : memref<257x2048x128xf32, #tpu.memory_space<hbm>> -> memref<1x256x128xf32, #tpu.memory_space<hbm>>
    %dma_start3A_1428 = tpu.memref_squeeze %dma_start3A_1427 : memref<1x256x128xf32, #tpu.memory_space<hbm>> -> memref<256x128xf32, #tpu.memory_space<hbm>>
    %dma_start3A_1429 = arith.constant 768 : i32
    %dma_start3A_1430 = arith.constant 0 : i32
    %dma_start3A_1431 = tpu.memref_slice %arg3[%add3A_1400, %dma_start3A_1429, %dma_start3A_1430] : memref<257x2048x128xf32, #tpu.memory_space<hbm>> -> memref<1x256x128xf32, #tpu.memory_space<hbm>>
    %dma_start3A_1432 = tpu.memref_squeeze %dma_start3A_1431 : memref<1x256x128xf32, #tpu.memory_space<hbm>> -> memref<256x128xf32, #tpu.memory_space<hbm>>
    tpu.enqueue_dma source(%arg6 : memref<256x128xf32, #tpu.memory_space<vmem>>) target(%dma_start3A_1432 : memref<256x128xf32, #tpu.memory_space<hbm>>) target_semaphore(%arg17 : memref<!tpu.dma_semaphore, #tpu.memory_space<semaphore_mem>>)
    %dma_start3A_1433 = arith.constant 1024 : i32
    %dma_start3A_1434 = arith.constant 0 : i32
    %dma_start3A_1435 = tpu.memref_slice %arg3[%add3A_1400, %dma_start3A_1433, %dma_start3A_1434] : memref<257x2048x128xf32, #tpu.memory_space<hbm>> -> memref<1x256x128xf32, #tpu.memory_space<hbm>>
    %dma_start3A_1436 = tpu.memref_squeeze %dma_start3A_1435 : memref<1x256x128xf32, #tpu.memory_space<hbm>> -> memref<256x128xf32, #tpu.memory_space<hbm>>
    %dma_start3A_1437 = arith.constant 1024 : i32
    %dma_start3A_1438 = arith.constant 0 : i32
    %dma_start3A_1439 = tpu.memref_slice %arg3[%add3A_1400, %dma_start3A_1437, %dma_start3A_1438] : memref<257x2048x128xf32, #tpu.memory_space<hbm>> -> memref<1x256x128xf32, #tpu.memory_space<hbm>>
    %dma_start3A_1440 = tpu.memref_squeeze %dma_start3A_1439 : memref<1x256x128xf32, #tpu.memory_space<hbm>> -> memref<256x128xf32, #tpu.memory_space<hbm>>
    tpu.enqueue_dma source(%arg6 : memref<256x128xf32, #tpu.memory_space<vmem>>) target(%dma_start3A_1440 : memref<256x128xf32, #tpu.memory_space<hbm>>) target_semaphore(%arg17 : memref<!tpu.dma_semaphore, #tpu.memory_space<semaphore_mem>>)
    %dma_start3A_1441 = arith.constant 1280 : i32
    %dma_start3A_1442 = arith.constant 0 : i32
    %dma_start3A_1443 = tpu.memref_slice %arg3[%add3A_1400, %dma_start3A_1441, %dma_start3A_1442] : memref<257x2048x128xf32, #tpu.memory_space<hbm>> -> memref<1x256x128xf32, #tpu.memory_space<hbm>>
    %dma_start3A_1444 = tpu.memref_squeeze %dma_start3A_1443 : memref<1x256x128xf32, #tpu.memory_space<hbm>> -> memref<256x128xf32, #tpu.memory_space<hbm>>
    %dma_start3A_1445 = arith.constant 1280 : i32
    %dma_start3A_1446 = arith.constant 0 : i32
    %dma_start3A_1447 = tpu.memref_slice %arg3[%add3A_1400, %dma_start3A_1445, %dma_start3A_1446] : memref<257x2048x128xf32, #tpu.memory_space<hbm>> -> memref<1x256x128xf32, #tpu.memory_space<hbm>>
    %dma_start3A_1448 = tpu.memref_squeeze %dma_start3A_1447 : memref<1x256x128xf32, #tpu.memory_space<hbm>> -> memref<256x128xf32, #tpu.memory_space<hbm>>
    tpu.enqueue_dma source(%arg6 : memref<256x128xf32, #tpu.memory_space<vmem>>) target(%dma_start3A_1448 : memref<256x128xf32, #tpu.memory_space<hbm>>) target_semaphore(%arg17 : memref<!tpu.dma_semaphore, #tpu.memory_space<semaphore_mem>>)
    %dma_start3A_1449 = arith.constant 1536 : i32
    %dma_start3A_1450 = arith.constant 0 : i32
    %dma_start3A_1451 = tpu.memref_slice %arg3[%add3A_1400, %dma_start3A_1449, %dma_start3A_1450] : memref<257x2048x128xf32, #tpu.memory_space<hbm>> -> memref<1x256x128xf32, #tpu.memory_space<hbm>>
    %dma_start3A_1452 = tpu.memref_squeeze %dma_start3A_1451 : memref<1x256x128xf32, #tpu.memory_space<hbm>> -> memref<256x128xf32, #tpu.memory_space<hbm>>
    %dma_start3A_1453 = arith.constant 1536 : i32
    %dma_start3A_1454 = arith.constant 0 : i32
    %dma_start3A_1455 = tpu.memref_slice %arg3[%add3A_1400, %dma_start3A_1453, %dma_start3A_1454] : memref<257x2048x128xf32, #tpu.memory_space<hbm>> -> memref<1x256x128xf32, #tpu.memory_space<hbm>>
    %dma_start3A_1456 = tpu.memref_squeeze %dma_start3A_1455 : memref<1x256x128xf32, #tpu.memory_space<hbm>> -> memref<256x128xf32, #tpu.memory_space<hbm>>
    tpu.enqueue_dma source(%arg6 : memref<256x128xf32, #tpu.memory_space<vmem>>) target(%dma_start3A_1456 : memref<256x128xf32, #tpu.memory_space<hbm>>) target_semaphore(%arg17 : memref<!tpu.dma_semaphore, #tpu.memory_space<semaphore_mem>>)
    %dma_start3A_1457 = arith.constant 1792 : i32
    %dma_start3A_1458 = arith.constant 0 : i32
    %dma_start3A_1459 = tpu.memref_slice %arg3[%add3A_1400, %dma_start3A_1457, %dma_start3A_1458] : memref<257x2048x128xf32, #tpu.memory_space<hbm>> -> memref<1x256x128xf32, #tpu.memory_space<hbm>>
    %dma_start3A_1460 = tpu.memref_squeeze %dma_start3A_1459 : memref<1x256x128xf32, #tpu.memory_space<hbm>> -> memref<256x128xf32, #tpu.memory_space<hbm>>
    %dma_start3A_1461 = arith.constant 1792 : i32
    %dma_start3A_1462 = arith.constant 0 : i32
    %dma_start3A_1463 = tpu.memref_slice %arg3[%add3A_1400, %dma_start3A_1461, %dma_start3A_1462] : memref<257x2048x128xf32, #tpu.memory_space<hbm>> -> memref<1x256x128xf32, #tpu.memory_space<hbm>>
    %dma_start3A_1464 = tpu.memref_squeeze %dma_start3A_1463 : memref<1x256x128xf32, #tpu.memory_space<hbm>> -> memref<256x128xf32, #tpu.memory_space<hbm>>
    tpu.enqueue_dma source(%arg6 : memref<256x128xf32, #tpu.memory_space<vmem>>) target(%dma_start3A_1464 : memref<256x128xf32, #tpu.memory_space<hbm>>) target_semaphore(%arg17 : memref<!tpu.dma_semaphore, #tpu.memory_space<semaphore_mem>>)
    %dma_wait3A_1465 = arith.constant 0 : i32
    %dma_wait3A_1466 = arith.constant 0 : i32
    %dma_wait3A_1467 = tpu.memref_slice %arg3[%add3A_1214, %dma_wait3A_1465, %dma_wait3A_1466] : memref<257x2048x128xf32, #tpu.memory_space<hbm>> -> memref<1x256x128xf32, #tpu.memory_space<hbm>>
    %dma_wait3A_1468 = tpu.memref_squeeze %dma_wait3A_1467 : memref<1x256x128xf32, #tpu.memory_space<hbm>> -> memref<256x128xf32, #tpu.memory_space<hbm>>
    %dma_wait3A_1469 = arith.constant 0 : i32
    %dma_wait3A_1470 = arith.constant 0 : i32
    %dma_wait3A_1471 = tpu.memref_slice %arg3[%add3A_1214, %dma_wait3A_1469, %dma_wait3A_1470] : memref<257x2048x128xf32, #tpu.memory_space<hbm>> -> memref<1x256x128xf32, #tpu.memory_space<hbm>>
    %dma_wait3A_1472 = tpu.memref_squeeze %dma_wait3A_1471 : memref<1x256x128xf32, #tpu.memory_space<hbm>> -> memref<256x128xf32, #tpu.memory_space<hbm>>
    tpu.wait_dma2 semaphore(%arg16 : memref<!tpu.dma_semaphore, #tpu.memory_space<semaphore_mem>>) src(%arg5 : memref<256x128xf32, #tpu.memory_space<vmem>>) dst(%dma_wait3A_1472 : memref<256x128xf32, #tpu.memory_space<hbm>>)
    %dma_wait3A_1473 = arith.constant 256 : i32
    %dma_wait3A_1474 = arith.constant 0 : i32
    %dma_wait3A_1475 = tpu.memref_slice %arg3[%add3A_1214, %dma_wait3A_1473, %dma_wait3A_1474] : memref<257x2048x128xf32, #tpu.memory_space<hbm>> -> memref<1x256x128xf32, #tpu.memory_space<hbm>>
    %dma_wait3A_1476 = tpu.memref_squeeze %dma_wait3A_1475 : memref<1x256x128xf32, #tpu.memory_space<hbm>> -> memref<256x128xf32, #tpu.memory_space<hbm>>
    %dma_wait3A_1477 = arith.constant 256 : i32
    %dma_wait3A_1478 = arith.constant 0 : i32
    %dma_wait3A_1479 = tpu.memref_slice %arg3[%add3A_1214, %dma_wait3A_1477, %dma_wait3A_1478] : memref<257x2048x128xf32, #tpu.memory_space<hbm>> -> memref<1x256x128xf32, #tpu.memory_space<hbm>>
    %dma_wait3A_1480 = tpu.memref_squeeze %dma_wait3A_1479 : memref<1x256x128xf32, #tpu.memory_space<hbm>> -> memref<256x128xf32, #tpu.memory_space<hbm>>
    tpu.wait_dma2 semaphore(%arg16 : memref<!tpu.dma_semaphore, #tpu.memory_space<semaphore_mem>>) src(%arg5 : memref<256x128xf32, #tpu.memory_space<vmem>>) dst(%dma_wait3A_1480 : memref<256x128xf32, #tpu.memory_space<hbm>>)
    %dma_wait3A_1481 = arith.constant 512 : i32
    %dma_wait3A_1482 = arith.constant 0 : i32
    %dma_wait3A_1483 = tpu.memref_slice %arg3[%add3A_1214, %dma_wait3A_1481, %dma_wait3A_1482] : memref<257x2048x128xf32, #tpu.memory_space<hbm>> -> memref<1x256x128xf32, #tpu.memory_space<hbm>>
    %dma_wait3A_1484 = tpu.memref_squeeze %dma_wait3A_1483 : memref<1x256x128xf32, #tpu.memory_space<hbm>> -> memref<256x128xf32, #tpu.memory_space<hbm>>
    %dma_wait3A_1485 = arith.constant 512 : i32
    %dma_wait3A_1486 = arith.constant 0 : i32
    %dma_wait3A_1487 = tpu.memref_slice %arg3[%add3A_1214, %dma_wait3A_1485, %dma_wait3A_1486] : memref<257x2048x128xf32, #tpu.memory_space<hbm>> -> memref<1x256x128xf32, #tpu.memory_space<hbm>>
    %dma_wait3A_1488 = tpu.memref_squeeze %dma_wait3A_1487 : memref<1x256x128xf32, #tpu.memory_space<hbm>> -> memref<256x128xf32, #tpu.memory_space<hbm>>
    tpu.wait_dma2 semaphore(%arg16 : memref<!tpu.dma_semaphore, #tpu.memory_space<semaphore_mem>>) src(%arg5 : memref<256x128xf32, #tpu.memory_space<vmem>>) dst(%dma_wait3A_1488 : memref<256x128xf32, #tpu.memory_space<hbm>>)
    %dma_wait3A_1489 = arith.constant 768 : i32
    %dma_wait3A_1490 = arith.constant 0 : i32
    %dma_wait3A_1491 = tpu.memref_slice %arg3[%add3A_1214, %dma_wait3A_1489, %dma_wait3A_1490] : memref<257x2048x128xf32, #tpu.memory_space<hbm>> -> memref<1x256x128xf32, #tpu.memory_space<hbm>>
    %dma_wait3A_1492 = tpu.memref_squeeze %dma_wait3A_1491 : memref<1x256x128xf32, #tpu.memory_space<hbm>> -> memref<256x128xf32, #tpu.memory_space<hbm>>
    %dma_wait3A_1493 = arith.constant 768 : i32
    %dma_wait3A_1494 = arith.constant 0 : i32
    %dma_wait3A_1495 = tpu.memref_slice %arg3[%add3A_1214, %dma_wait3A_1493, %dma_wait3A_1494] : memref<257x2048x128xf32, #tpu.memory_space<hbm>> -> memref<1x256x128xf32, #tpu.memory_space<hbm>>
    %dma_wait3A_1496 = tpu.memref_squeeze %dma_wait3A_1495 : memref<1x256x128xf32, #tpu.memory_space<hbm>> -> memref<256x128xf32, #tpu.memory_space<hbm>>
    tpu.wait_dma2 semaphore(%arg16 : memref<!tpu.dma_semaphore, #tpu.memory_space<semaphore_mem>>) src(%arg5 : memref<256x128xf32, #tpu.memory_space<vmem>>) dst(%dma_wait3A_1496 : memref<256x128xf32, #tpu.memory_space<hbm>>)
    %dma_wait3A_1497 = arith.constant 1024 : i32
    %dma_wait3A_1498 = arith.constant 0 : i32
    %dma_wait3A_1499 = tpu.memref_slice %arg3[%add3A_1214, %dma_wait3A_1497, %dma_wait3A_1498] : memref<257x2048x128xf32, #tpu.memory_space<hbm>> -> memref<1x256x128xf32, #tpu.memory_space<hbm>>
    %dma_wait3A_1500 = tpu.memref_squeeze %dma_wait3A_1499 : memref<1x256x128xf32, #tpu.memory_space<hbm>> -> memref<256x128xf32, #tpu.memory_space<hbm>>
    %dma_wait3A_1501 = arith.constant 1024 : i32
    %dma_wait3A_1502 = arith.constant 0 : i32
    %dma_wait3A_1503 = tpu.memref_slice %arg3[%add3A_1214, %dma_wait3A_1501, %dma_wait3A_1502] : memref<257x2048x128xf32, #tpu.memory_space<hbm>> -> memref<1x256x128xf32, #tpu.memory_space<hbm>>
    %dma_wait3A_1504 = tpu.memref_squeeze %dma_wait3A_1503 : memref<1x256x128xf32, #tpu.memory_space<hbm>> -> memref<256x128xf32, #tpu.memory_space<hbm>>
    tpu.wait_dma2 semaphore(%arg16 : memref<!tpu.dma_semaphore, #tpu.memory_space<semaphore_mem>>) src(%arg5 : memref<256x128xf32, #tpu.memory_space<vmem>>) dst(%dma_wait3A_1504 : memref<256x128xf32, #tpu.memory_space<hbm>>)
    %dma_wait3A_1505 = arith.constant 1280 : i32
    %dma_wait3A_1506 = arith.constant 0 : i32
    %dma_wait3A_1507 = tpu.memref_slice %arg3[%add3A_1214, %dma_wait3A_1505, %dma_wait3A_1506] : memref<257x2048x128xf32, #tpu.memory_space<hbm>> -> memref<1x256x128xf32, #tpu.memory_space<hbm>>
    %dma_wait3A_1508 = tpu.memref_squeeze %dma_wait3A_1507 : memref<1x256x128xf32, #tpu.memory_space<hbm>> -> memref<256x128xf32, #tpu.memory_space<hbm>>
    %dma_wait3A_1509 = arith.constant 1280 : i32
    %dma_wait3A_1510 = arith.constant 0 : i32
    %dma_wait3A_1511 = tpu.memref_slice %arg3[%add3A_1214, %dma_wait3A_1509, %dma_wait3A_1510] : memref<257x2048x128xf32, #tpu.memory_space<hbm>> -> memref<1x256x128xf32, #tpu.memory_space<hbm>>
    %dma_wait3A_1512 = tpu.memref_squeeze %dma_wait3A_1511 : memref<1x256x128xf32, #tpu.memory_space<hbm>> -> memref<256x128xf32, #tpu.memory_space<hbm>>
    tpu.wait_dma2 semaphore(%arg16 : memref<!tpu.dma_semaphore, #tpu.memory_space<semaphore_mem>>) src(%arg5 : memref<256x128xf32, #tpu.memory_space<vmem>>) dst(%dma_wait3A_1512 : memref<256x128xf32, #tpu.memory_space<hbm>>)
    %dma_wait3A_1513 = arith.constant 1536 : i32
    %dma_wait3A_1514 = arith.constant 0 : i32
    %dma_wait3A_1515 = tpu.memref_slice %arg3[%add3A_1214, %dma_wait3A_1513, %dma_wait3A_1514] : memref<257x2048x128xf32, #tpu.memory_space<hbm>> -> memref<1x256x128xf32, #tpu.memory_space<hbm>>
    %dma_wait3A_1516 = tpu.memref_squeeze %dma_wait3A_1515 : memref<1x256x128xf32, #tpu.memory_space<hbm>> -> memref<256x128xf32, #tpu.memory_space<hbm>>
    %dma_wait3A_1517 = arith.constant 1536 : i32
    %dma_wait3A_1518 = arith.constant 0 : i32
    %dma_wait3A_1519 = tpu.memref_slice %arg3[%add3A_1214, %dma_wait3A_1517, %dma_wait3A_1518] : memref<257x2048x128xf32, #tpu.memory_space<hbm>> -> memref<1x256x128xf32, #tpu.memory_space<hbm>>
    %dma_wait3A_1520 = tpu.memref_squeeze %dma_wait3A_1519 : memref<1x256x128xf32, #tpu.memory_space<hbm>> -> memref<256x128xf32, #tpu.memory_space<hbm>>
    tpu.wait_dma2 semaphore(%arg16 : memref<!tpu.dma_semaphore, #tpu.memory_space<semaphore_mem>>) src(%arg5 : memref<256x128xf32, #tpu.memory_space<vmem>>) dst(%dma_wait3A_1520 : memref<256x128xf32, #tpu.memory_space<hbm>>)
    %dma_wait3A_1521 = arith.constant 1792 : i32
    %dma_wait3A_1522 = arith.constant 0 : i32
    %dma_wait3A_1523 = tpu.memref_slice %arg3[%add3A_1214, %dma_wait3A_1521, %dma_wait3A_1522] : memref<257x2048x128xf32, #tpu.memory_space<hbm>> -> memref<1x256x128xf32, #tpu.memory_space<hbm>>
    %dma_wait3A_1524 = tpu.memref_squeeze %dma_wait3A_1523 : memref<1x256x128xf32, #tpu.memory_space<hbm>> -> memref<256x128xf32, #tpu.memory_space<hbm>>
    %dma_wait3A_1525 = arith.constant 1792 : i32
    %dma_wait3A_1526 = arith.constant 0 : i32
    %dma_wait3A_1527 = tpu.memref_slice %arg3[%add3A_1214, %dma_wait3A_1525, %dma_wait3A_1526] : memref<257x2048x128xf32, #tpu.memory_space<hbm>> -> memref<1x256x128xf32, #tpu.memory_space<hbm>>
    %dma_wait3A_1528 = tpu.memref_squeeze %dma_wait3A_1527 : memref<1x256x128xf32, #tpu.memory_space<hbm>> -> memref<256x128xf32, #tpu.memory_space<hbm>>
    tpu.wait_dma2 semaphore(%arg16 : memref<!tpu.dma_semaphore, #tpu.memory_space<semaphore_mem>>) src(%arg5 : memref<256x128xf32, #tpu.memory_space<vmem>>) dst(%dma_wait3A_1528 : memref<256x128xf32, #tpu.memory_space<hbm>>)
    %dma_wait3A_1529 = arith.constant 8 : i32
    %dma_wait3A_1530 = arith.constant 0 : i32
    %dma_wait3A_1531 = tpu.memref_slice %arg4[%dma_wait3A_1529, %dma_wait3A_1530] : memref<9x128xf32, #tpu.memory_space<vmem>> -> memref<1x128xf32, #tpu.memory_space<vmem>>
    %dma_wait3A_1532 = arith.constant 256 : i32
    %dma_wait3A_1533 = arith.constant 0 : i32
    %dma_wait3A_1534 = tpu.memref_slice %arg2[%dma_wait3A_1532, %dma_wait3A_1533] : memref<257x128xf32, #tpu.memory_space<hbm>> -> memref<1x128xf32, #tpu.memory_space<hbm>>
    %dma_wait3A_1535 = arith.constant 8 : i32
    %dma_wait3A_1536 = arith.constant 0 : i32
    %dma_wait3A_1537 = tpu.memref_slice %arg4[%dma_wait3A_1535, %dma_wait3A_1536] : memref<9x128xf32, #tpu.memory_space<vmem>> -> memref<1x128xf32, #tpu.memory_space<vmem>>
    %dma_wait3A_1538 = arith.constant 256 : i32
    %dma_wait3A_1539 = arith.constant 0 : i32
    %dma_wait3A_1540 = tpu.memref_slice %arg2[%dma_wait3A_1538, %dma_wait3A_1539] : memref<257x128xf32, #tpu.memory_space<hbm>> -> memref<1x128xf32, #tpu.memory_space<hbm>>
    tpu.wait_dma2 semaphore(%arg15 : memref<!tpu.dma_semaphore, #tpu.memory_space<semaphore_mem>>) src(%dma_wait3A_1540 : memref<1x128xf32, #tpu.memory_space<hbm>>) dst(%dma_wait3A_1537 : memref<1x128xf32, #tpu.memory_space<vmem>>)
    %get3A_1541 = arith.constant 8 : i32
    %get3A_1542 = arith.index_cast %get3A_1541 : i32 to index
    %get3A_1543 = arith.constant 0 : index
    %get3A_1544 = tpu.vector_load %arg4[%get3A_1542, %get3A_1543] {strides = array<i32>} : memref<9x128xf32, #tpu.memory_space<vmem>>, vector<1x16xf32>,
    %get3A_1545 = vector.shape_cast %get3A_1544 : vector<1x16xf32> to vector<16xf32>
    %get3A_1546 = arith.constant 8 : i32
    %get3A_1547 = arith.index_cast %get3A_1546 : i32 to index
    %get3A_1548 = arith.constant 16 : index
    %get3A_1549 = tpu.vector_load %arg4[%get3A_1547, %get3A_1548] {strides = array<i32>} : memref<9x128xf32, #tpu.memory_space<vmem>>, vector<1x16xf32>,
    %get3A_1550 = vector.shape_cast %get3A_1549 : vector<1x16xf32> to vector<16xf32>
    %get3A_1551 = arith.constant 8 : i32
    %get3A_1552 = arith.index_cast %get3A_1551 : i32 to index
    %get3A_1553 = arith.constant 32 : index
    %get3A_1554 = tpu.vector_load %arg4[%get3A_1552, %get3A_1553] {strides = array<i32>} : memref<9x128xf32, #tpu.memory_space<vmem>>, vector<1x16xf32>,
    %get3A_1555 = vector.shape_cast %get3A_1554 : vector<1x16xf32> to vector<16xf32>
    %get3A_1556 = arith.constant 8 : i32
    %get3A_1557 = arith.index_cast %get3A_1556 : i32 to index
    %get3A_1558 = arith.constant 48 : index
    %get3A_1559 = tpu.vector_load %arg4[%get3A_1557, %get3A_1558] {strides = array<i32>} : memref<9x128xf32, #tpu.memory_space<vmem>>, vector<1x16xf32>,
    %get3A_1560 = vector.shape_cast %get3A_1559 : vector<1x16xf32> to vector<16xf32>
    %get3A_1561 = arith.constant 8 : i32
    %get3A_1562 = arith.index_cast %get3A_1561 : i32 to index
    %get3A_1563 = arith.constant 64 : index
    %get3A_1564 = tpu.vector_load %arg4[%get3A_1562, %get3A_1563] {strides = array<i32>} : memref<9x128xf32, #tpu.memory_space<vmem>>, vector<1x16xf32>,
    %get3A_1565 = vector.shape_cast %get3A_1564 : vector<1x16xf32> to vector<16xf32>
    %get3A_1566 = arith.constant 8 : i32
    %get3A_1567 = arith.index_cast %get3A_1566 : i32 to index
    %get3A_1568 = arith.constant 80 : index
    %get3A_1569 = tpu.vector_load %arg4[%get3A_1567, %get3A_1568] {strides = array<i32>} : memref<9x128xf32, #tpu.memory_space<vmem>>, vector<1x16xf32>,
    %get3A_1570 = vector.shape_cast %get3A_1569 : vector<1x16xf32> to vector<16xf32>
    %get3A_1571 = arith.constant 8 : i32
    %get3A_1572 = arith.index_cast %get3A_1571 : i32 to index
    %get3A_1573 = arith.constant 96 : index
    %get3A_1574 = tpu.vector_load %arg4[%get3A_1572, %get3A_1573] {strides = array<i32>} : memref<9x128xf32, #tpu.memory_space<vmem>>, vector<1x16xf32>,
    %get3A_1575 = vector.shape_cast %get3A_1574 : vector<1x16xf32> to vector<16xf32>
    %get3A_1576 = arith.constant 8 : i32
    %get3A_1577 = arith.index_cast %get3A_1576 : i32 to index
    %get3A_1578 = arith.constant 112 : index
    %get3A_1579 = tpu.vector_load %arg4[%get3A_1577, %get3A_1578] {strides = array<i32>} : memref<9x128xf32, #tpu.memory_space<vmem>>, vector<1x16xf32>,
    %get3A_1580 = vector.shape_cast %get3A_1579 : vector<1x16xf32> to vector<16xf32>
    %scan3A_1581 = arith.constant 0 : i32
    %scan3A_1582 = arith.constant 0 : i32
    %scan3A_1583 = arith.constant 64 : i32
    %scan3A_1584 = arith.addi %scan3A_1582, %scan3A_1583 : i32
    %scan3A_1585 = arith.constant 1 : i32
    scf.for %scan3A_1679 = %scan3A_1582 to %scan3A_1584 step %scan3A_1585  : i32 {
      %swap3A = arith.index_cast %scan3A_1679 : i32 to index
      %swap3A_1680 = arith.constant 0 : index
      %swap3A_1681 = tpu.vector_load %arg5[%swap3A, %swap3A_1680] {strides = array<i32>} : memref<256x128xf32, #tpu.memory_space<vmem>>, vector<1x16xf32>,
      %swap3A_1682 = vector.shape_cast %swap3A_1681 : vector<1x16xf32> to vector<16xf32>
      %swap3A_1683 = vector.shape_cast %get3A_1545 : vector<16xf32> to vector<1x16xf32>
      tpu.vector_store %arg5[%swap3A, %swap3A_1680], %swap3A_1683 {strides = array<i32>} : memref<256x128xf32, #tpu.memory_space<vmem>>, vector<1x16xf32>,
      %swap3A_1684 = arith.index_cast %scan3A_1679 : i32 to index
      %swap3A_1685 = arith.constant 16 : index
      %swap3A_1686 = tpu.vector_load %arg5[%swap3A_1684, %swap3A_1685] {strides = array<i32>} : memref<256x128xf32, #tpu.memory_space<vmem>>, vector<1x16xf32>,
      %swap3A_1687 = vector.shape_cast %swap3A_1686 : vector<1x16xf32> to vector<16xf32>
      %swap3A_1688 = vector.shape_cast %get3A_1550 : vector<16xf32> to vector<1x16xf32>
      tpu.vector_store %arg5[%swap3A_1684, %swap3A_1685], %swap3A_1688 {strides = array<i32>} : memref<256x128xf32, #tpu.memory_space<vmem>>, vector<1x16xf32>,
      %swap3A_1689 = arith.index_cast %scan3A_1679 : i32 to index
      %swap3A_1690 = arith.constant 32 : index
      %swap3A_1691 = tpu.vector_load %arg5[%swap3A_1689, %swap3A_1690] {strides = array<i32>} : memref<256x128xf32, #tpu.memory_space<vmem>>, vector<1x16xf32>,
      %swap3A_1692 = vector.shape_cast %swap3A_1691 : vector<1x16xf32> to vector<16xf32>
      %swap3A_1693 = vector.shape_cast %get3A_1555 : vector<16xf32> to vector<1x16xf32>
      tpu.vector_store %arg5[%swap3A_1689, %swap3A_1690], %swap3A_1693 {strides = array<i32>} : memref<256x128xf32, #tpu.memory_space<vmem>>, vector<1x16xf32>,
      %swap3A_1694 = arith.index_cast %scan3A_1679 : i32 to index
      %swap3A_1695 = arith.constant 48 : index
      %swap3A_1696 = tpu.vector_load %arg5[%swap3A_1694, %swap3A_1695] {strides = array<i32>} : memref<256x128xf32, #tpu.memory_space<vmem>>, vector<1x16xf32>,
      %swap3A_1697 = vector.shape_cast %swap3A_1696 : vector<1x16xf32> to vector<16xf32>
      %swap3A_1698 = vector.shape_cast %get3A_1560 : vector<16xf32> to vector<1x16xf32>
      tpu.vector_store %arg5[%swap3A_1694, %swap3A_1695], %swap3A_1698 {strides = array<i32>} : memref<256x128xf32, #tpu.memory_space<vmem>>, vector<1x16xf32>,
      %swap3A_1699 = arith.index_cast %scan3A_1679 : i32 to index
      %swap3A_1700 = arith.constant 64 : index
      %swap3A_1701 = tpu.vector_load %arg5[%swap3A_1699, %swap3A_1700] {strides = array<i32>} : memref<256x128xf32, #tpu.memory_space<vmem>>, vector<1x16xf32>,
      %swap3A_1702 = vector.shape_cast %swap3A_1701 : vector<1x16xf32> to vector<16xf32>
      %swap3A_1703 = vector.shape_cast %get3A_1565 : vector<16xf32> to vector<1x16xf32>
      tpu.vector_store %arg5[%swap3A_1699, %swap3A_1700], %swap3A_1703 {strides = array<i32>} : memref<256x128xf32, #tpu.memory_space<vmem>>, vector<1x16xf32>,
      %swap3A_1704 = arith.index_cast %scan3A_1679 : i32 to index
      %swap3A_1705 = arith.constant 80 : index
      %swap3A_1706 = tpu.vector_load %arg5[%swap3A_1704, %swap3A_1705] {strides = array<i32>} : memref<256x128xf32, #tpu.memory_space<vmem>>, vector<1x16xf32>,
      %swap3A_1707 = vector.shape_cast %swap3A_1706 : vector<1x16xf32> to vector<16xf32>
      %swap3A_1708 = vector.shape_cast %get3A_1570 : vector<16xf32> to vector<1x16xf32>
      tpu.vector_store %arg5[%swap3A_1704, %swap3A_1705], %swap3A_1708 {strides = array<i32>} : memref<256x128xf32, #tpu.memory_space<vmem>>, vector<1x16xf32>,
      %swap3A_1709 = arith.index_cast %scan3A_1679 : i32 to index
      %swap3A_1710 = arith.constant 96 : index
      %swap3A_1711 = tpu.vector_load %arg5[%swap3A_1709, %swap3A_1710] {strides = array<i32>} : memref<256x128xf32, #tpu.memory_space<vmem>>, vector<1x16xf32>,
      %swap3A_1712 = vector.shape_cast %swap3A_1711 : vector<1x16xf32> to vector<16xf32>
      %swap3A_1713 = vector.shape_cast %get3A_1575 : vector<16xf32> to vector<1x16xf32>
      tpu.vector_store %arg5[%swap3A_1709, %swap3A_1710], %swap3A_1713 {strides = array<i32>} : memref<256x128xf32, #tpu.memory_space<vmem>>, vector<1x16xf32>,
      %swap3A_1714 = arith.index_cast %scan3A_1679 : i32 to index
      %swap3A_1715 = arith.constant 112 : index
      %swap3A_1716 = tpu.vector_load %arg5[%swap3A_1714, %swap3A_1715] {strides = array<i32>} : memref<256x128xf32, #tpu.memory_space<vmem>>, vector<1x16xf32>,
      %swap3A_1717 = vector.shape_cast %swap3A_1716 : vector<1x16xf32> to vector<16xf32>
      %swap3A_1718 = vector.shape_cast %get3A_1580 : vector<16xf32> to vector<1x16xf32>
      tpu.vector_store %arg5[%swap3A_1714, %swap3A_1715], %swap3A_1718 {strides = array<i32>} : memref<256x128xf32, #tpu.memory_space<vmem>>, vector<1x16xf32>,
    }
    %scan3A_1586 = arith.constant 64 : i32
    %mul3A_1587 = arith.constant 64 : i32
    %mul3A_1588 = arith.muli %add3A, %mul3A_1587 : i32
    %dma_start3A_1589 = arith.constant 256 : i32
    %dma_start3A_1590 = arith.constant 0 : i32
    %dma_start3A_1591 = arith.constant 0 : i32
    %dma_start3A_1592 = tpu.memref_slice %arg5[%dma_start3A_1590, %dma_start3A_1591] : memref<256x128xf32, #tpu.memory_space<vmem>> -> memref<64x128xf32, #tpu.memory_space<vmem>>
    %dma_start3A_1593 = arith.constant 0 : i32
    %dma_start3A_1594 = tpu.memref_slice %arg3[%dma_start3A_1589, %mul3A_1588, %dma_start3A_1593] : memref<257x2048x128xf32, #tpu.memory_space<hbm>> -> memref<1x64x128xf32, #tpu.memory_space<hbm>>
    %dma_start3A_1595 = tpu.memref_squeeze %dma_start3A_1594 : memref<1x64x128xf32, #tpu.memory_space<hbm>> -> memref<64x128xf32, #tpu.memory_space<hbm>>
    %dma_start3A_1596 = arith.constant 0 : i32
    %dma_start3A_1597 = tpu.memref_slice %arg3[%dma_start3A_1589, %mul3A_1588, %dma_start3A_1596] : memref<257x2048x128xf32, #tpu.memory_space<hbm>> -> memref<1x64x128xf32, #tpu.memory_space<hbm>>
    %dma_start3A_1598 = tpu.memref_squeeze %dma_start3A_1597 : memref<1x64x128xf32, #tpu.memory_space<hbm>> -> memref<64x128xf32, #tpu.memory_space<hbm>>
    %dma_start3A_1599 = arith.constant 0 : i32
    %dma_start3A_1600 = arith.constant 0 : i32
    %dma_start3A_1601 = tpu.memref_slice %arg5[%dma_start3A_1599, %dma_start3A_1600] : memref<256x128xf32, #tpu.memory_space<vmem>> -> memref<64x128xf32, #tpu.memory_space<vmem>>
    tpu.enqueue_dma source(%dma_start3A_1601 : memref<64x128xf32, #tpu.memory_space<vmem>>) target(%dma_start3A_1598 : memref<64x128xf32, #tpu.memory_space<hbm>>) target_semaphore(%arg16 : memref<!tpu.dma_semaphore, #tpu.memory_space<semaphore_mem>>)
    %dma_wait3A_1602 = arith.constant 0 : i32
    %dma_wait3A_1603 = arith.constant 0 : i32
    %dma_wait3A_1604 = tpu.memref_slice %arg3[%add3A_1400, %dma_wait3A_1602, %dma_wait3A_1603] : memref<257x2048x128xf32, #tpu.memory_space<hbm>> -> memref<1x256x128xf32, #tpu.memory_space<hbm>>
    %dma_wait3A_1605 = tpu.memref_squeeze %dma_wait3A_1604 : memref<1x256x128xf32, #tpu.memory_space<hbm>> -> memref<256x128xf32, #tpu.memory_space<hbm>>
    %dma_wait3A_1606 = arith.constant 0 : i32
    %dma_wait3A_1607 = arith.constant 0 : i32
    %dma_wait3A_1608 = tpu.memref_slice %arg3[%add3A_1400, %dma_wait3A_1606, %dma_wait3A_1607] : memref<257x2048x128xf32, #tpu.memory_space<hbm>> -> memref<1x256x128xf32, #tpu.memory_space<hbm>>
    %dma_wait3A_1609 = tpu.memref_squeeze %dma_wait3A_1608 : memref<1x256x128xf32, #tpu.memory_space<hbm>> -> memref<256x128xf32, #tpu.memory_space<hbm>>
    tpu.wait_dma2 semaphore(%arg17 : memref<!tpu.dma_semaphore, #tpu.memory_space<semaphore_mem>>) src(%arg6 : memref<256x128xf32, #tpu.memory_space<vmem>>) dst(%dma_wait3A_1609 : memref<256x128xf32, #tpu.memory_space<hbm>>)
    %dma_wait3A_1610 = arith.constant 256 : i32
    %dma_wait3A_1611 = arith.constant 0 : i32
    %dma_wait3A_1612 = tpu.memref_slice %arg3[%add3A_1400, %dma_wait3A_1610, %dma_wait3A_1611] : memref<257x2048x128xf32, #tpu.memory_space<hbm>> -> memref<1x256x128xf32, #tpu.memory_space<hbm>>
    %dma_wait3A_1613 = tpu.memref_squeeze %dma_wait3A_1612 : memref<1x256x128xf32, #tpu.memory_space<hbm>> -> memref<256x128xf32, #tpu.memory_space<hbm>>
    %dma_wait3A_1614 = arith.constant 256 : i32
    %dma_wait3A_1615 = arith.constant 0 : i32
    %dma_wait3A_1616 = tpu.memref_slice %arg3[%add3A_1400, %dma_wait3A_1614, %dma_wait3A_1615] : memref<257x2048x128xf32, #tpu.memory_space<hbm>> -> memref<1x256x128xf32, #tpu.memory_space<hbm>>
    %dma_wait3A_1617 = tpu.memref_squeeze %dma_wait3A_1616 : memref<1x256x128xf32, #tpu.memory_space<hbm>> -> memref<256x128xf32, #tpu.memory_space<hbm>>
    tpu.wait_dma2 semaphore(%arg17 : memref<!tpu.dma_semaphore, #tpu.memory_space<semaphore_mem>>) src(%arg6 : memref<256x128xf32, #tpu.memory_space<vmem>>) dst(%dma_wait3A_1617 : memref<256x128xf32, #tpu.memory_space<hbm>>)
    %dma_wait3A_1618 = arith.constant 512 : i32
    %dma_wait3A_1619 = arith.constant 0 : i32
    %dma_wait3A_1620 = tpu.memref_slice %arg3[%add3A_1400, %dma_wait3A_1618, %dma_wait3A_1619] : memref<257x2048x128xf32, #tpu.memory_space<hbm>> -> memref<1x256x128xf32, #tpu.memory_space<hbm>>
    %dma_wait3A_1621 = tpu.memref_squeeze %dma_wait3A_1620 : memref<1x256x128xf32, #tpu.memory_space<hbm>> -> memref<256x128xf32, #tpu.memory_space<hbm>>
    %dma_wait3A_1622 = arith.constant 512 : i32
    %dma_wait3A_1623 = arith.constant 0 : i32
    %dma_wait3A_1624 = tpu.memref_slice %arg3[%add3A_1400, %dma_wait3A_1622, %dma_wait3A_1623] : memref<257x2048x128xf32, #tpu.memory_space<hbm>> -> memref<1x256x128xf32, #tpu.memory_space<hbm>>
    %dma_wait3A_1625 = tpu.memref_squeeze %dma_wait3A_1624 : memref<1x256x128xf32, #tpu.memory_space<hbm>> -> memref<256x128xf32, #tpu.memory_space<hbm>>
    tpu.wait_dma2 semaphore(%arg17 : memref<!tpu.dma_semaphore, #tpu.memory_space<semaphore_mem>>) src(%arg6 : memref<256x128xf32, #tpu.memory_space<vmem>>) dst(%dma_wait3A_1625 : memref<256x128xf32, #tpu.memory_space<hbm>>)
    %dma_wait3A_1626 = arith.constant 768 : i32
    %dma_wait3A_1627 = arith.constant 0 : i32
    %dma_wait3A_1628 = tpu.memref_slice %arg3[%add3A_1400, %dma_wait3A_1626, %dma_wait3A_1627] : memref<257x2048x128xf32, #tpu.memory_space<hbm>> -> memref<1x256x128xf32, #tpu.memory_space<hbm>>
    %dma_wait3A_1629 = tpu.memref_squeeze %dma_wait3A_1628 : memref<1x256x128xf32, #tpu.memory_space<hbm>> -> memref<256x128xf32, #tpu.memory_space<hbm>>
    %dma_wait3A_1630 = arith.constant 768 : i32
    %dma_wait3A_1631 = arith.constant 0 : i32
    %dma_wait3A_1632 = tpu.memref_slice %arg3[%add3A_1400, %dma_wait3A_1630, %dma_wait3A_1631] : memref<257x2048x128xf32, #tpu.memory_space<hbm>> -> memref<1x256x128xf32, #tpu.memory_space<hbm>>
    %dma_wait3A_1633 = tpu.memref_squeeze %dma_wait3A_1632 : memref<1x256x128xf32, #tpu.memory_space<hbm>> -> memref<256x128xf32, #tpu.memory_space<hbm>>
    tpu.wait_dma2 semaphore(%arg17 : memref<!tpu.dma_semaphore, #tpu.memory_space<semaphore_mem>>) src(%arg6 : memref<256x128xf32, #tpu.memory_space<vmem>>) dst(%dma_wait3A_1633 : memref<256x128xf32, #tpu.memory_space<hbm>>)
    %dma_wait3A_1634 = arith.constant 1024 : i32
    %dma_wait3A_1635 = arith.constant 0 : i32
    %dma_wait3A_1636 = tpu.memref_slice %arg3[%add3A_1400, %dma_wait3A_1634, %dma_wait3A_1635] : memref<257x2048x128xf32, #tpu.memory_space<hbm>> -> memref<1x256x128xf32, #tpu.memory_space<hbm>>
    %dma_wait3A_1637 = tpu.memref_squeeze %dma_wait3A_1636 : memref<1x256x128xf32, #tpu.memory_space<hbm>> -> memref<256x128xf32, #tpu.memory_space<hbm>>
    %dma_wait3A_1638 = arith.constant 1024 : i32
    %dma_wait3A_1639 = arith.constant 0 : i32
    %dma_wait3A_1640 = tpu.memref_slice %arg3[%add3A_1400, %dma_wait3A_1638, %dma_wait3A_1639] : memref<257x2048x128xf32, #tpu.memory_space<hbm>> -> memref<1x256x128xf32, #tpu.memory_space<hbm>>
    %dma_wait3A_1641 = tpu.memref_squeeze %dma_wait3A_1640 : memref<1x256x128xf32, #tpu.memory_space<hbm>> -> memref<256x128xf32, #tpu.memory_space<hbm>>
    tpu.wait_dma2 semaphore(%arg17 : memref<!tpu.dma_semaphore, #tpu.memory_space<semaphore_mem>>) src(%arg6 : memref<256x128xf32, #tpu.memory_space<vmem>>) dst(%dma_wait3A_1641 : memref<256x128xf32, #tpu.memory_space<hbm>>)
    %dma_wait3A_1642 = arith.constant 1280 : i32
    %dma_wait3A_1643 = arith.constant 0 : i32
    %dma_wait3A_1644 = tpu.memref_slice %arg3[%add3A_1400, %dma_wait3A_1642, %dma_wait3A_1643] : memref<257x2048x128xf32, #tpu.memory_space<hbm>> -> memref<1x256x128xf32, #tpu.memory_space<hbm>>
    %dma_wait3A_1645 = tpu.memref_squeeze %dma_wait3A_1644 : memref<1x256x128xf32, #tpu.memory_space<hbm>> -> memref<256x128xf32, #tpu.memory_space<hbm>>
    %dma_wait3A_1646 = arith.constant 1280 : i32
    %dma_wait3A_1647 = arith.constant 0 : i32
    %dma_wait3A_1648 = tpu.memref_slice %arg3[%add3A_1400, %dma_wait3A_1646, %dma_wait3A_1647] : memref<257x2048x128xf32, #tpu.memory_space<hbm>> -> memref<1x256x128xf32, #tpu.memory_space<hbm>>
    %dma_wait3A_1649 = tpu.memref_squeeze %dma_wait3A_1648 : memref<1x256x128xf32, #tpu.memory_space<hbm>> -> memref<256x128xf32, #tpu.memory_space<hbm>>
    tpu.wait_dma2 semaphore(%arg17 : memref<!tpu.dma_semaphore, #tpu.memory_space<semaphore_mem>>) src(%arg6 : memref<256x128xf32, #tpu.memory_space<vmem>>) dst(%dma_wait3A_1649 : memref<256x128xf32, #tpu.memory_space<hbm>>)
    %dma_wait3A_1650 = arith.constant 1536 : i32
    %dma_wait3A_1651 = arith.constant 0 : i32
    %dma_wait3A_1652 = tpu.memref_slice %arg3[%add3A_1400, %dma_wait3A_1650, %dma_wait3A_1651] : memref<257x2048x128xf32, #tpu.memory_space<hbm>> -> memref<1x256x128xf32, #tpu.memory_space<hbm>>
    %dma_wait3A_1653 = tpu.memref_squeeze %dma_wait3A_1652 : memref<1x256x128xf32, #tpu.memory_space<hbm>> -> memref<256x128xf32, #tpu.memory_space<hbm>>
    %dma_wait3A_1654 = arith.constant 1536 : i32
    %dma_wait3A_1655 = arith.constant 0 : i32
    %dma_wait3A_1656 = tpu.memref_slice %arg3[%add3A_1400, %dma_wait3A_1654, %dma_wait3A_1655] : memref<257x2048x128xf32, #tpu.memory_space<hbm>> -> memref<1x256x128xf32, #tpu.memory_space<hbm>>
    %dma_wait3A_1657 = tpu.memref_squeeze %dma_wait3A_1656 : memref<1x256x128xf32, #tpu.memory_space<hbm>> -> memref<256x128xf32, #tpu.memory_space<hbm>>
    tpu.wait_dma2 semaphore(%arg17 : memref<!tpu.dma_semaphore, #tpu.memory_space<semaphore_mem>>) src(%arg6 : memref<256x128xf32, #tpu.memory_space<vmem>>) dst(%dma_wait3A_1657 : memref<256x128xf32, #tpu.memory_space<hbm>>)
    %dma_wait3A_1658 = arith.constant 1792 : i32
    %dma_wait3A_1659 = arith.constant 0 : i32
    %dma_wait3A_1660 = tpu.memref_slice %arg3[%add3A_1400, %dma_wait3A_1658, %dma_wait3A_1659] : memref<257x2048x128xf32, #tpu.memory_space<hbm>> -> memref<1x256x128xf32, #tpu.memory_space<hbm>>
    %dma_wait3A_1661 = tpu.memref_squeeze %dma_wait3A_1660 : memref<1x256x128xf32, #tpu.memory_space<hbm>> -> memref<256x128xf32, #tpu.memory_space<hbm>>
    %dma_wait3A_1662 = arith.constant 1792 : i32
    %dma_wait3A_1663 = arith.constant 0 : i32
    %dma_wait3A_1664 = tpu.memref_slice %arg3[%add3A_1400, %dma_wait3A_1662, %dma_wait3A_1663] : memref<257x2048x128xf32, #tpu.memory_space<hbm>> -> memref<1x256x128xf32, #tpu.memory_space<hbm>>
    %dma_wait3A_1665 = tpu.memref_squeeze %dma_wait3A_1664 : memref<1x256x128xf32, #tpu.memory_space<hbm>> -> memref<256x128xf32, #tpu.memory_space<hbm>>
    tpu.wait_dma2 semaphore(%arg17 : memref<!tpu.dma_semaphore, #tpu.memory_space<semaphore_mem>>) src(%arg6 : memref<256x128xf32, #tpu.memory_space<vmem>>) dst(%dma_wait3A_1665 : memref<256x128xf32, #tpu.memory_space<hbm>>)
    %dma_wait3A_1666 = arith.constant 256 : i32
    %dma_wait3A_1667 = arith.constant 0 : i32
    %dma_wait3A_1668 = arith.constant 0 : i32
    %dma_wait3A_1669 = tpu.memref_slice %arg5[%dma_wait3A_1667, %dma_wait3A_1668] : memref<256x128xf32, #tpu.memory_space<vmem>> -> memref<64x128xf32, #tpu.memory_space<vmem>>
    %dma_wait3A_1670 = arith.constant 0 : i32
    %dma_wait3A_1671 = tpu.memref_slice %arg3[%dma_wait3A_1666, %mul3A_1588, %dma_wait3A_1670] : memref<257x2048x128xf32, #tpu.memory_space<hbm>> -> memref<1x64x128xf32, #tpu.memory_space<hbm>>
    %dma_wait3A_1672 = tpu.memref_squeeze %dma_wait3A_1671 : memref<1x64x128xf32, #tpu.memory_space<hbm>> -> memref<64x128xf32, #tpu.memory_space<hbm>>
    %dma_wait3A_1673 = arith.constant 0 : i32
    %dma_wait3A_1674 = tpu.memref_slice %arg3[%dma_wait3A_1666, %mul3A_1588, %dma_wait3A_1673] : memref<257x2048x128xf32, #tpu.memory_space<hbm>> -> memref<1x64x128xf32, #tpu.memory_space<hbm>>
    %dma_wait3A_1675 = tpu.memref_squeeze %dma_wait3A_1674 : memref<1x64x128xf32, #tpu.memory_space<hbm>> -> memref<64x128xf32, #tpu.memory_space<hbm>>
    %dma_wait3A_1676 = arith.constant 0 : i32
    %dma_wait3A_1677 = arith.constant 0 : i32
    %dma_wait3A_1678 = tpu.memref_slice %arg5[%dma_wait3A_1676, %dma_wait3A_1677] : memref<256x128xf32, #tpu.memory_space<vmem>> -> memref<64x128xf32, #tpu.memory_space<vmem>>
    tpu.wait_dma2 semaphore(%arg16 : memref<!tpu.dma_semaphore, #tpu.memory_space<semaphore_mem>>) src(%dma_wait3A_1678 : memref<64x128xf32, #tpu.memory_space<vmem>>) dst(%dma_wait3A_1675 : memref<64x128xf32, #tpu.memory_space<hbm>>)
    return
  }
}

</mosaic_0001>

<sc_bundles>
// kernel: kernel.3.cloned.1.call-start
scs
__scs_entry_jumppad:
0x0: {  	(pc) =	sbr.rel $0x88, $3  }
0x1: {  	(tag) =	ssettag $0x0;
	lr =	simm.s32 $0x1  }
0x2: {  	[smem:$0x3FA0] =	sst lr;
	_ =	strace $0xD0000000  }
0x3: {  	_ = 	snop  }
0x4: {  	_ = 	snop  }
0x5: {  	_ = 	snop  }
0x6: {  	_ = 	snop  }
0x7: {  	_ = 	snop  }
__scs_overlays_trampoline_lowered:
0x8: {  	[smem:$0x3FAF] =	sst s0  }
0x9: {  	[smem:$0x3FB0] =	sst s1  }
0xa: {  	[smem:$0x3FB1] =	sst s2  }
0xb: {  	[smem:$0x3FB2] =	sst s3  }
0xc: {  	[smem:$0x3FB3] =	sst s4  }
0xd: {  	[smem:$0x3FB4] =	sst s5  }
0xe: {  	[smem:$0x3FB5] =	sst s6  }
0xf: {  	[smem:$0x3FB6] =	sst s7  }
0x10: {  	[smem:$0x3FB7] =	sst s8  }
0x11: {  	[smem:$0x3FB8] =	sst s9;
	s0 =	simm.s32 @!p0 $0x0  }
0x12: {  	s1 =	sld [smem:$0x3F9E];
	s0 =	simm.s32 @p0 $0x1  }
0x13: {  	[smem:$0x3FB9] =	sst s0;
	s0 =	simm.s32 @!p1 $0x0  }
0x14: {  	s2 =	sld [smem:$0x3F9D];
	s0 =	simm.s32 @p1 $0x1  }
0x15: {  	[smem:$0x3FBA] =	sst s0;
	s0 =	simm.s32 @!p2 $0x0  }
0x16: {  	s3 =	sld [smem:$0x3FDB];
	s0 =	simm.s32 @p2 $0x1  }
0x17: {  	s4 =	simm.s32 $0x1BF5;
	[smem:$0x3FBC] =	sst s0  }
0x18: {  	s0 =	sld [smem:$0x3F9F];
	_ =	swait.ge [sflag:s4], $0x0  }
0x19: {  	s7 =	sld [smem:$0x3FA0]  }
0x1a: {  	s8 =	sadd.s32 $0xFFFFE003, lr  }
0x1b: {  	s9 =	sadd.s32 $0xFFFFFEF7, lr;
	s5 =	simm.s32 $0xFFFFFFFF;
	p2 =	slt.u32 s8, $0xFFFFF086  }
0x1c: {  	p1 =	slt.u32 s9, $0xF7A;
	s5 =	simm.s32 @!p2 $0x0  }
0x1d: {  	s5 =	simm.s32 @p1 $0x1;
	p0 =	seq.s32 s7, s2  }
0x1e: {  	s7 =	smul.u32 @!p0 $0xF7A, s2;
	p2 =	seq.s32 @!p0 s5, $0x0  }
0x1f: {  	s9 =	smul.u32 $0xF7A, s1;
	s8 =	simm.s32 @!p0 $0x1BF5;
	p2 =	por !p2, p0  }
0x20: {  	[sflag:s8] =	ssyncset.s32 @!p0 $0xFFFFF086;
	s6 =	sadd.s32 @!p0 s3, s7;
	s7 =	simm.s32 @!p0 $0x108  }
0x21: {  	s3 =	sadd.s32 s3, s9;
	s6 =	sadd.s32 @!p0 $0x88, s6;
	s7 =	simm.s32 @p2 $0x1082  }
0x22: {  	[simem:s7], [sflag:s8] =	dma.local @!p0 [hbm:s6], $0xF7A  }
0x23: {  	s9 =	sor.u32 $0xD0000000, s2;
	s6 =	simm.s32 $0x108;
	_ =	swait.ge @!p0 [sflag:s8], $0x0  }
0x24: {  	s3 =	sadd.s32 $0x88, s3;
	s6 =	simm.s32 @!p1 $0x1082;
	[sflag:s4] =	ssyncset.s32 $0xFFFFF086  }
0x25: {  	[simem:s6], [sflag:s4] =	dma.local [hbm:s3], $0xF7A  }
0x26: {  	[smem:$0x3FA0] =	sst s1;
	(tag) =	ssettag s2;
	_ =	strace s9  }
0x27: {  	s1 =	sld [smem:$0x3FB0]  }
0x28: {  	s2 =	sld [smem:$0x3FB1]  }
0x29: {  	s4 =	sld [smem:$0x3FB3]  }
0x2a: {  	p0 =	seq.s32 s5, $0x0;
	s5 =	sld [smem:$0x3FB4]  }
0x2b: {  	s6 =	sld [smem:$0x3FB5]  }
0x2c: {  	s7 =	sld [smem:$0x3FB6]  }
0x2d: {  	s3 =	simm.s32 $0x108;
	s8 =	sld [smem:$0x3FB7]  }
0x2e: {  	s3 =	simm.s32 @!p0 $0x1082;
	s9 =	sld [smem:$0x3FB8]  }
0x2f: {  	lr =	sadd.s32 s0, s3;
	s0 =	sld [smem:$0x3FAF]  }
0x30: {  	s3 =	sld [smem:$0x3FB2]  }
0x31: {  	[smem:$0x3FBB] =	sst s10  }
0x32: {  	s10 =	sld [smem:$0x3FB9];
	_ =	sdelay $0x3  }
0x33: {  	p0 =	seq.s32 s10, $0x1;
	s10 =	sld [smem:$0x3FBB];
	_ =	sdelay $0x3  }
0x34: {  	[smem:$0x3FBB] =	sst s10  }
0x35: {  	s10 =	sld [smem:$0x3FBA];
	_ =	sdelay $0x3  }
0x36: {  	p1 =	seq.s32 s10, $0x1;
	s10 =	sld [smem:$0x3FBB];
	_ =	sdelay $0x3  }
0x37: {  	[smem:$0x3FBB] =	sst s10  }
0x38: {  	s10 =	sld [smem:$0x3FBC]  }
0x39: {  	_ = 	snop;
	(pc) =	sbr.ind lr, $3  }
0x3a: {  	_ = 	snop  }
0x3b: {  	_ = 	snop  }
0x3c: {  	p2 =	seq.s32 s10, $0x1;
	s10 =	sld [smem:$0x3FBB]  }
0x3d: {  	_ =	shalt  }
0x3e: {  	_ =	shalt  }
0x3f: {  	_ =	shalt  }
0x40: {  	_ =	shalt  }
0x41: {  	_ =	shalt  }
0x42: {  	_ =	shalt  }
0x43: {  	_ =	shalt  }
0x44: {  	_ =	shalt  }
0x45: {  	_ =	shalt  }
0x46: {  	_ =	shalt  }
0x47: {  	_ =	shalt  }
0x48: {  	_ =	shalt  }
0x49: {  	_ =	shalt  }
0x4a: {  	_ =	shalt  }
0x4b: {  	_ =	shalt  }
0x4c: {  	_ =	shalt  }
0x4d: {  	_ =	shalt  }
0x4e: {  	_ =	shalt  }
0x4f: {  	_ =	shalt  }
0x50: {  	_ =	shalt  }
0x51: {  	_ =	shalt  }
0x52: {  	_ =	shalt  }
0x53: {  	_ =	shalt  }
0x54: {  	_ =	shalt  }
0x55: {  	_ =	shalt  }
0x56: {  	_ =	shalt  }
0x57: {  	_ =	shalt  }
0x58: {  	_ =	shalt  }
0x59: {  	_ =	shalt  }
0x5a: {  	_ =	shalt  }
0x5b: {  	_ =	shalt  }
0x5c: {  	_ =	shalt  }
0x5d: {  	_ =	shalt  }
0x5e: {  	_ =	shalt  }
0x5f: {  	_ =	shalt  }
0x60: {  	_ =	shalt  }
0x61: {  	_ =	shalt  }
0x62: {  	_ =	shalt  }
0x63: {  	_ =	shalt  }
0x64: {  	_ =	shalt  }
0x65: {  	_ =	shalt  }
0x66: {  	_ =	shalt  }
0x67: {  	_ =	shalt  }
0x68: {  	_ =	shalt  }
0x69: {  	_ =	shalt  }
0x6a: {  	_ =	shalt  }
0x6b: {  	_ =	shalt  }
0x6c: {  	_ =	shalt  }
0x6d: {  	_ =	shalt  }
0x6e: {  	_ =	shalt  }
0x6f: {  	_ =	shalt  }
0x70: {  	_ =	shalt  }
0x71: {  	_ =	shalt  }
0x72: {  	_ =	shalt  }
0x73: {  	_ =	shalt  }
0x74: {  	_ =	shalt  }
0x75: {  	_ =	shalt  }
0x76: {  	_ =	shalt  }
0x77: {  	_ =	shalt  }
0x78: {  	_ =	shalt  }
0x79: {  	_ =	shalt  }
0x7a: {  	_ =	shalt  }
0x7b: {  	_ =	shalt  }
0x7c: {  	_ =	shalt  }
0x7d: {  	_ =	shalt  }
0x7e: {  	_ =	shalt  }
0x7f: {  	_ =	shalt  }
0x80: {  	_ =	shalt  }
0x81: {  	_ =	shalt  }
0x82: {  	_ =	shalt  }
0x83: {  	_ =	shalt  }
0x84: {  	_ =	shalt  }
0x85: {  	_ =	shalt  }
0x86: {  	_ =	shalt  }
0x87: {  	_ =	shalt  }
.Lfunc_end0:
.L_simem_size_0:
called_computation_lowered:
.L_overlay_start_0:
0x88: {  	s2 =	sld [smem:$0x3FD9]  }
0x89: {  	s3 =	sld [smem:$0x3FFE];
	_ =	sdelay $0x1  }
0x8a: {  	s1 =	srdreg.scid  }
0x8b: {  	s0 =	sand.u32 $0x1, s1  }
0x8c: {  	s18 =	sshll.u32 s0, $0xA;
	s2 =	sadd.s32 s3, s2  }
0x8d: {  	s2 =	sadd.s32 s2, s18  }
0x8e: {  	[smem:$0x3FC7] =	sst s2  }
0x8f: {  	_ = 	snop  }
0x90: {  	s2 =	sld [smem:$0x3FC9]  }
0x91: {  	s19 =	sld [smem:$0x3FD0];
	(tm) =	ssettm $0x1  }
0x92: {  	s4 =	sld [smem:$0x3FFB];
	_ =	sdelay $0x3  }
0x93: {  	_ =	strace s4  }
0x94: {  	s4 =	sld [smem:$0x3FFC];
	_ =	sdelay $0x3  }
0x95: {  	_ =	strace s4  }
0x96: {  	s4 =	sld [smem:$0x3FFD];
	_ =	sdelay $0x3  }
0x97: {  	_ =	strace s4  }
0x98: {  	_ =	strace $0x8FFFFFFF  }
0x99: {  	s20 =	sld [smem:$0x3FDB];
	_ =	sdelay $0x1  }
0x9a: {  	s5 =	simm.s32 $_scs_section_size  }
0x9b: {  	s6 =	simm.s32 $_size__tile_overlayer_lowered;
	s7 =	simm.s32 $_tile_overlayer_lowered  }
0x9c: {  	s23 =	simm.s32 $0x1BFF;
	s22 =	sshll.u32 s7, $0x1;
	s4 =	sadd.s32 s5, s20  }
0x9d: {  	s8 =	simm.s32 $0x0;
	s21 =	sshll.u32 s6, $0x1;
	s6 =	sadd.s32 s22, s4  }
0x9e: {  	[timem:s8], [sflag:s23] =	dma.local [hbm:s6], s21  }
0x9f: {  	_ =	swait.ge [sflag:s23], s21  }
0xa0: {  	s5 =	ssub.s32 $0x0, s21;
	[sflag:s23] =	ssyncset.done $0x0  }
0xa1: {  	[sflag:s23] =	ssyncadd.s32 s5;
	_ =	sdelay $0x1  }
0xa2: {  	s24 =	simm.s32 $0x1B8B  }
0xa3: {  	_ =	swait.ge [sflag:s24], $0x1  }
0xa4: {  	[sflag:s24] =	ssyncset.done $0x0  }
0xa5: {  	s25 =	simm.s32 $0x1B8E;
	[sflag:s24] =	ssyncadd.s32 $0xFFFFFFFF  }
0xa6: {  	s26 =	simm.s32 $execute0_lowered;
	[smem:$0x3FD2] =	sst s25  }
0xa7: {  	s5 =	sshll.u32 s26, $0x1;
	_ =	strace $0x80000046;
	[dreg:$0x1] =	wrdreg $0xFFFFFFFF  }
0xa8: {  	s28 =	simm.s32 $_size_execute0_lowered;
	s4 =	sadd.s32 s4, s5;
	[dreg:$0x0] =	wrdreg $0x0  }
0xa9: {  	s5 =	sshll.u32 s28, $0x1;
	[dreg:$0x2] =	wrdreg s4  }
0xaa: {  	[dreg:$0x3] =	wrdreg s5  }
0xab: {  	[dreg:$0x4] =	wrdreg $0xC0  }
0xac: {  	_ =	task [dreg:s8], $0x5FFFF  }
0xad: {  	[dreg:$0x1] =	wrdreg $0xFFFFFFFF  }
0xae: {  	[dreg:$0x0] =	wrdreg $0x60  }
0xaf: {  	[dreg:$0x2] =	wrdreg s2  }
0xb0: {  	[dreg:$0x3] =	wrdreg s19  }
0xb1: {  	[dreg:$0x4] =	wrdreg $0x9  }
0xb2: {  	_ =	task.clear_ibuf [dreg:s8], $0x5FFFF;
	_ =	strace $0x90000046  }
0xb3: {  	s29 =	simm.s32 $0x9;
	_ =	strace $0x80000048  }
0xb4: {  	_ =	swait.ge [sflag:s29], $0x1  }
0xb5: {  	[sflag:s29] =	ssyncadd.s32 $0xFFFFFFFF  }
0xb6: {  	_ =	strace $0x90000048  }
0xb7: {  	_ =	sfence  }
0xb8: {  	s30 =	sld [smem:$0x0];
	_ =	sdelay $0x2  }
0xb9: {  	s31 =	sshll.u32 s1, $0xD;
	s1 =	sshrl.u32 s1, $0x2  }
0xba: {  	s3 =	sand.u32 $0x4000, s31;
	s1 =	sadd.s32 s1, s30  }
0xbb: {  	s0 =	sor.u32 s3, s0;
	s1 =	sshll.u32 s1, $0x11  }
0xbc: {  	s0 =	sor.u32 s1, s0  }
0xbd: {  	s0 =	sadd.s32 $0x8F2B, s0  }
0xbe: {  	[sflag:s0] =	ssyncadd.remote.s32 $0x1  }
0xbf: {  	_ =	sfence.sel $0xFFFF  }
0xc0: {  	[dreg:$0x0] =	wrdreg $0xFFFFFFFF;
	(pc) =	sbr.abs _section_cstart, $3  }
0xc1: {  	[dreg:$0x1] =	wrdreg $0xFFFFFFFF  }
0xc2: {  	_ =	task.clear_ibuf [dreg:s8], $0x2FFFF;
	_ =	strace $0x9FFFFFFF  }
0xc3: {  	(tm) =	ssettm $0x7FFFFFFF  }
tec
execute0_lowered:
.L_overlay_start_1:
0x0: {  	(tag) =	ssettag $0x1  }
0x1: {  	s0 =	srdreg.scid;
	s1 =	stileid.u32  }
0x2: {  	s7 =	rddreg [dreg:$0x1];
	s0 =	sand.u32 $0x1, s0;
	s2 =	sshll.u32 s1, $0x1  }
0x3: {  	s1 =	simm.s32 $0x0;
	s6 =	sor.u32 s0, s2;
	s0 =	ssub.s32 $0x2, s0  }
0x4: {  	[smem:$0x7FF] =	sst s1;
	s22 =	sor.u32 $0x20, s6;
	s5 =	sshrl.u32 s0, $0x1  }
0x5: {  	s3 =	sshll.u32 s6, $0x7;
	s23 =	sor.u32 $0x40, s6;
	s24 =	sor.u32 $0x60, s6  }
0x6: {  	s21 =	sor.u32 $0x80, s6;
	s18 =	sor.u32 $0xA0, s6;
	s25 =	sshll.u32 s6, $0xF  }
0x7: {  	s4 =	sshll.u32 s22, $0x7;
	s16 =	ssub.s32 s0, s5;
	s3 =	sand.u32 $0x380, s3  }
0x8: {  	s9 =	sshll.u32 s23, $0x7;
	s10 =	sshll.u32 s24, $0x7;
	s11 =	sshll.u32 s21, $0x7  }
0x9: {  	s13 =	sshll.u32 s18, $0x7;
	s15 =	sadd.s32 s7, s25;
	s8 =	sand.u32 $0x1C00, s4  }
0xa: {  	s0 =	sand.u32 $0x2C00, s9;
	s2 =	sand.u32 $0x3C00, s10;
	s12 =	sand.u32 $0x4C00, s11  }
0xb: {  	s4 =	sand.u32 $0x5C00, s13;
	s8 =	sor.u32 s3, s8;
	s10 =	sor.u32 s3, s0  }
0xc: {  	s9 =	sor.u32 s3, s2;
	s2 =	sor.u32 $0xC0, s6;
	s0 =	sor.u32 $0xE0, s6  }
0xd: {  	s11 =	sor.u32 s3, s12;
	s5 =	sshll.u32 s2, $0x7;
	s14 =	sshll.u32 s0, $0x7  }
0xe: {  	s13 =	sor.u32 s3, s4;
	s5 =	sand.u32 $0x6C00, s5;
	s14 =	sand.u32 $0x7C00, s14  }
0xf: {  	s12 =	sor.u32 s3, s5;
	s14 =	sor.u32 s3, s14;
	s3 =	sadd.s32 $0x1000, s7  }
0x10: {  	[dreg:$0x3] =	wrdreg s15;
	s5 =	sadd.s32 $0x3000, s7;
	s17 =	sadd.s32 s25, s3  }
0x11: {  	s4 =	sadd.s32 $0x2000, s7;
	[dreg:$0x4] =	wrdreg s17;
	s17 =	sadd.s32 s25, s5  }
0x12: {  	s19 =	sadd.s32 s25, s4;
	[dreg:$0x6] =	wrdreg s17;
	s17 =	sadd.s32 $0x5000, s7  }
0x13: {  	s15 =	sadd.s32 $0x4000, s7;
	[dreg:$0x5] =	wrdreg s19;
	s19 =	sadd.s32 s25, s17  }
0x14: {  	s20 =	sadd.s32 s25, s15;
	[dreg:$0x8] =	wrdreg s19;
	s19 =	sadd.s32 $0x6000, s7  }
0x15: {  	[dreg:$0x7] =	wrdreg s20;
	s20 =	sadd.s32 $0x7000, s7;
	s26 =	sadd.s32 s25, s19  }
0x16: {  	s22 =	sshll.u32 s22, $0xF;
	s25 =	sadd.s32 s25, s20;
	[dreg:$0x9] =	wrdreg s26  }
0x17: {  	[dreg:$0xa] =	wrdreg s25;
	s26 =	sadd.s32 s7, s22  }
0x18: {  	[dreg:$0xb] =	wrdreg s26;
	s26 =	sadd.s32 s22, s3  }
0x19: {  	[dreg:$0xc] =	wrdreg s26;
	s26 =	sadd.s32 s22, s4  }
0x1a: {  	[dreg:$0xd] =	wrdreg s26;
	s26 =	sadd.s32 s22, s5  }
0x1b: {  	[dreg:$0xe] =	wrdreg s26;
	s26 =	sadd.s32 s22, s15  }
0x1c: {  	[dreg:$0xf] =	wrdreg s26;
	s26 =	sadd.s32 s22, s17  }
0x1d: {  	[dreg:$0x10] =	wrdreg s26;
	s26 =	sadd.s32 s22, s19;
	s22 =	sadd.s32 s22, s20  }
0x1e: {  	[dreg:$0x12] =	wrdreg s22;
	s22 =	sshll.u32 s23, $0xF  }
0x1f: {  	[dreg:$0x11] =	wrdreg s26;
	s23 =	sadd.s32 s7, s22  }
0x20: {  	s25 =	sadd.s32 s22, s3;
	[dreg:$0x13] =	wrdreg s23  }
0x21: {  	s26 =	sadd.s32 s22, s4;
	[dreg:$0x14] =	wrdreg s25  }
0x22: {  	[dreg:$0x15] =	wrdreg s26;
	s25 =	sadd.s32 s22, s5  }
0x23: {  	s21 =	sshll.u32 s21, $0xF;
	s26 =	sadd.s32 s22, s15;
	[dreg:$0x16] =	wrdreg s25  }
0x24: {  	s23 =	sadd.s32 s21, s4;
	[dreg:$0x17] =	wrdreg s26  }
0x25: {  	s25 =	sadd.s32 s22, s17;
	[smem:$0x7E3] =	sst s23  }
0x26: {  	s26 =	sadd.s32 s22, s19;
	[dreg:$0x18] =	wrdreg s25  }
0x27: {  	s22 =	sadd.s32 s22, s20;
	[dreg:$0x19] =	wrdreg s26  }
0x28: {  	s18 =	sshll.u32 s18, $0xF;
	s23 =	sadd.s32 s21, s19;
	[dreg:$0x1a] =	wrdreg s22  }
0x29: {  	s22 =	sshll.u32 s24, $0xF;
	[smem:$0x7E7] =	sst s23;
	s23 =	sadd.s32 s18, s15  }
0x2a: {  	s24 =	sadd.s32 s7, s22;
	[smem:$0x7ED] =	sst s23  }
0x2b: {  	s25 =	sadd.s32 s22, s3;
	[dreg:$0x1b] =	wrdreg s24  }
0x2c: {  	s2 =	sshll.u32 s2, $0xF;
	s26 =	sadd.s32 s22, s4;
	[dreg:$0x1c] =	wrdreg s25  }
0x2d: {  	s23 =	sadd.s32 s2, s5;
	[dreg:$0x1d] =	wrdreg s26  }
0x2e: {  	s24 =	sadd.s32 s22, s5;
	[smem:$0x7F4] =	sst s23  }
0x2f: {  	s25 =	sadd.s32 s22, s15;
	[dreg:$0x1e] =	wrdreg s24  }
0x30: {  	s26 =	sadd.s32 s22, s17;
	[dreg:$0x1f] =	wrdreg s25  }
0x31: {  	[smem:$0x7DE] =	sst s26;
	s24 =	sadd.s32 s22, s19  }
0x32: {  	s22 =	sadd.s32 s22, s20;
	[smem:$0x7DF] =	sst s24  }
0x33: {  	s25 =	sadd.s32 s7, s21;
	[smem:$0x7E0] =	sst s22  }
0x34: {  	s26 =	sadd.s32 s21, s3;
	[smem:$0x7E1] =	sst s25  }
0x35: {  	[smem:$0x7E2] =	sst s26;
	s24 =	sadd.s32 s21, s5  }
0x36: {  	s25 =	sadd.s32 s21, s15;
	[smem:$0x7E4] =	sst s24  }
0x37: {  	s26 =	sadd.s32 s21, s17;
	[smem:$0x7E5] =	sst s25  }
0x38: {  	s21 =	sadd.s32 s21, s20;
	[smem:$0x7E6] =	sst s26  }
0x39: {  	s0 =	sshll.u32 s0, $0xF;
	s22 =	sadd.s32 s18, s5;
	[smem:$0x7E8] =	sst s21  }
0x3a: {  	s5 =	sadd.s32 s0, s5;
	[smem:$0x7EC] =	sst s22  }
0x3b: {  	s24 =	sadd.s32 s7, s18;
	[smem:$0x7FB] =	sst s5  }
0x3c: {  	s25 =	sadd.s32 s18, s3;
	[smem:$0x7E9] =	sst s24  }
0x3d: {  	s26 =	sadd.s32 s18, s4;
	[smem:$0x7EA] =	sst s25  }
0x3e: {  	s21 =	sadd.s32 s2, s3;
	[smem:$0x7EB] =	sst s26  }
0x3f: {  	s22 =	sadd.s32 s2, s4;
	[smem:$0x7F2] =	sst s21  }
0x40: {  	s3 =	sadd.s32 s0, s3;
	[smem:$0x7F3] =	sst s22  }
0x41: {  	s28 =	simm.s32 $0x7;
	s4 =	sadd.s32 s0, s4;
	[smem:$0x7F9] =	sst s3  }
0x42: {  	s29 =	simm.s32 $0x8;
	s24 =	sadd.s32 s18, s17;
	[smem:$0x7FA] =	sst s4  }
0x43: {  	s30 =	simm.s32 $0x9;
	s25 =	sadd.s32 s18, s19;
	[smem:$0x7EE] =	sst s24  }
0x44: {  	s31 =	simm.s32 $0x0;
	s18 =	sadd.s32 s18, s20;
	[smem:$0x7EF] =	sst s25  }
0x45: {  	s16 =	smax.u32 s16, $0x1;
	s26 =	sadd.s32 s7, s2;
	[smem:$0x7F0] =	sst s18  }
0x46: {  	s9 =	sshrl.u32 s9, $0x3;
	s3 =	sadd.s32 s0, s19;
	[smem:$0x7F1] =	sst s26  }
0x47: {  	s24 =	sadd.s32 s2, s15;
	s26 =	sadd.s32 s2, s19;
	s19 =	rddreg [dreg:$0x0]  }
0x48: {  	s12 =	sshrl.u32 s12, $0x3;
	s25 =	sadd.s32 s2, s17;
	[smem:$0x7F5] =	sst s24  }
0x49: {  	s23 =	sshrl.u32 s10, $0x3;
	s5 =	sadd.s32 s7, s0;
	[smem:$0x7F6] =	sst s25  }
0x4a: {  	s4 =	sadd.s32 s0, s20;
	s2 =	sadd.s32 s2, s20;
	[smem:$0x7F7] =	sst s26  }
0x4b: {  	s22 =	sshrl.u32 s8, $0x3;
	s15 =	sadd.s32 s0, s15;
	[smem:$0x7F8] =	sst s2  }
0x4c: {  	s18 =	sadd.s32 s0, s17;
	s20 =	sshll.u32 s6, $0xA;
	[smem:$0x7FC] =	sst s15  }
0x4d: {  	s6 =	sshll.u32 s6, $0x4;
	s17 =	simm.s32 $0x1;
	[smem:$0x7FD] =	sst s18  }
0x4e: {  	s21 =	sadd.s32 s20, s7;
	s6 =	sadd.s32 s19, s6;
	s7 =	sadd.s32 s19, s22  }
0x4f: {  	s8 =	sadd.s32 s19, s23;
	s24 =	sshrl.u32 s11, $0x3;
	s9 =	sadd.s32 s19, s9  }
0x50: {  	s25 =	sshrl.u32 s13, $0x3;
	s26 =	sshrl.u32 s14, $0x3;
	s12 =	sadd.s32 s19, s12  }
0x51: {  	s14 =	sadd.s32 $0x1000, s19;
	s18 =	simm.s32 $0x800;
	s20 =	simm.s32 $0x8800  }
0x52: {  	s22 =	simm.s32 $0x3;
	s23 =	simm.s32 $0xB;
	_ =	strace $0x80000047  }
0x53: {  	s10 =	sadd.s32 s19, s24;
	s11 =	sadd.s32 s19, s25;
	s13 =	sadd.s32 s19, s26  }
0x54: {  	s15 =	sadd.s32 $0x800000, s21;
	s19 =	simm.s32 $0x2;
	s21 =	simm.s32 $0xA  }
0x55: {  	s24 =	simm.s32 $0x4;
	s25 =	simm.s32 $0x5;
	s26 =	simm.s32 $0x6  }
.LBB2_1:
0x56: {  	[tilespmem:s1], [sflag:$0x1] =	stream.linear.gather [hbm4b:s6+s1], $0x80, $0x38;
	[tilespmem:$0x10800] =	vst v63  }
0x57: {  	s0 =	simm.s32 $0x80  }
0x58: {  	[tilespmem:s0], [sflag:$0x2] =	stream.linear.gather [hbm4b:s7+s1], $0x80, $0x38;
	[tilespmem:$0x10800] =	vst v63  }
0x59: {  	s2 =	simm.s32 $0x100  }
0x5a: {  	[tilespmem:s2], [sflag:$0x3] =	stream.linear.gather [hbm4b:s8+s1], $0x80, $0x38;
	[tilespmem:$0x10800] =	vst v63  }
0x5b: {  	s2 =	simm.s32 $0x180  }
0x5c: {  	[tilespmem:s2], [sflag:$0x4] =	stream.linear.gather [hbm4b:s9+s1], $0x80, $0x38;
	[tilespmem:$0x10800] =	vst v63  }
0x5d: {  	s2 =	simm.s32 $0x200  }
0x5e: {  	[tilespmem:s2], [sflag:$0x5] =	stream.linear.gather [hbm4b:s10+s1], $0x80, $0x38;
	[tilespmem:$0x10800] =	vst v63  }
0x5f: {  	s2 =	simm.s32 $0x280  }
0x60: {  	[tilespmem:s2], [sflag:$0x6] =	stream.linear.gather [hbm4b:s11+s1], $0x80, $0x38;
	[tilespmem:$0x10800] =	vst v63  }
0x61: {  	s2 =	simm.s32 $0x300  }
0x62: {  	[tilespmem:s2], [sflag:$0x7] =	stream.linear.gather [hbm4b:s12+s1], $0x80, $0x38;
	[tilespmem:$0x10800] =	vst v63  }
0x63: {  	s2 =	simm.s32 $0x380  }
0x64: {  	[tilespmem:s2], [sflag:$0x8] =	stream.linear.gather [hbm4b:s13+s1], $0x80, $0x38;
	[tilespmem:$0x10800] =	vst v63  }
0x65: {  	s2 =	simm.s32 $0x400  }
0x66: {  	[tilespmem:s2], [sflag:$0x9] =	stream.linear.gather [hbm4b:s14+s1], $0x80, $0x38;
	[tilespmem:$0x10800] =	vst v63  }
0x67: {  	_ =	swait.ge [sflag:s17], $0x80  }
0x68: {  	[sflag:s17] =	ssyncset.done $0x0  }
0x69: {  	[sflag:s17] =	ssyncadd.s32 $0xFFFFFF80  }
0x6a: {  	v0 =	vld [tilespmem:$0x0]  }
0x6b: {  	v1 =	vld [tilespmem:$0x10]  }
0x6c: {  	v2 =	vld [tilespmem:$0x20]  }
0x6d: {  	v7 =	vld [tilespmem:$0x70]  }
0x6e: {  	v3 =	vld [tilespmem:$0x30]  }
0x6f: {  	v4 =	vld [tilespmem:$0x40]  }
0x70: {  	v5 =	vld [tilespmem:$0x50]  }
0x71: {  	s0 =	simm.s32 $0x0;
	s2 =	simm.s32 $0x200;
	v6 =	vld [tilespmem:$0x60]  }
.LBB2_2:
0x72: {  	p0 =	sne.s32 s2, $0x1FE00;
	[tilespmem:s0+$0x870] =	vst v7  }
0x73: {  	[tilespmem:s0+$0x800] =	vst v0  }
0x74: {  	[tilespmem:s0+$0x810] =	vst v1  }
.Ltmp0:
0x75: {  	[tilespmem:s0+$0x820] =	vst v2;
	(pc) =	sbr.rel @p0 .LBB2_2-.Ltmp0, $4  }
0x76: {  	[tilespmem:s0+$0x830] =	vst v3  }
0x77: {  	[tilespmem:s0+$0x840] =	vst v4  }
0x78: {  	[tilespmem:s0+$0x850] =	vst v5  }
0x79: {  	[tilespmem:s0+$0x860] =	vst v6;
	s0 =	sshra.s32 s2, $0x2;
	s2 =	sadd.s32 $0x200, s2  }
0x7a: {  	[tilespmem:s0+$0x870] =	vst v7  }
0x7b: {  	[tilespmem:s0+$0x800] =	vst v0  }
0x7c: {  	[tilespmem:s0+$0x810] =	vst v1  }
0x7d: {  	[tilespmem:s0+$0x820] =	vst v2  }
0x7e: {  	[tilespmem:s0+$0x830] =	vst v3  }
0x7f: {  	[tilespmem:s0+$0x840] =	vst v4  }
0x80: {  	[tilespmem:s0+$0x850] =	vst v5  }
0x81: {  	[tilespmem:s0+$0x860] =	vst v6;
	s0 =	simm.s32 $0x0;
	s2 =	rddreg [dreg:$0x3]  }
0x82: {  	[hbm4b:s2+s0] =	stream.linear.scatter [tilespmem:s18], [sflag:$0xA], $0x8000, $0x38;
	[tilespmem:$0x10800] =	vst v63  }
0x83: {  	s2 =	rddreg [dreg:$0x4]  }
0x84: {  	[hbm4b:s2+s0] =	stream.linear.scatter [tilespmem:s18], [sflag:$0xA], $0x8000, $0x38;
	[tilespmem:$0x10800] =	vst v63  }
0x85: {  	s2 =	rddreg [dreg:$0x5]  }
0x86: {  	[hbm4b:s2+s0] =	stream.linear.scatter [tilespmem:s18], [sflag:$0xA], $0x8000, $0x38;
	[tilespmem:$0x10800] =	vst v63  }
0x87: {  	s2 =	rddreg [dreg:$0x6]  }
0x88: {  	[hbm4b:s2+s0] =	stream.linear.scatter [tilespmem:s18], [sflag:$0xA], $0x8000, $0x38;
	[tilespmem:$0x10800] =	vst v63  }
0x89: {  	s2 =	rddreg [dreg:$0x7]  }
0x8a: {  	[hbm4b:s2+s0] =	stream.linear.scatter [tilespmem:s18], [sflag:$0xA], $0x8000, $0x38;
	[tilespmem:$0x10800] =	vst v63  }
0x8b: {  	s2 =	rddreg [dreg:$0x8]  }
0x8c: {  	[hbm4b:s2+s0] =	stream.linear.scatter [tilespmem:s18], [sflag:$0xA], $0x8000, $0x38;
	[tilespmem:$0x10800] =	vst v63  }
0x8d: {  	s2 =	rddreg [dreg:$0x9]  }
0x8e: {  	[hbm4b:s2+s0] =	stream.linear.scatter [tilespmem:s18], [sflag:$0xA], $0x8000, $0x38;
	[tilespmem:$0x10800] =	vst v63  }
0x8f: {  	s2 =	rddreg [dreg:$0xa]  }
0x90: {  	[hbm4b:s2+s0] =	stream.linear.scatter [tilespmem:s18], [sflag:$0xA], $0x8000, $0x38;
	[tilespmem:$0x10800] =	vst v63  }
0x91: {  	_ =	swait.ge [sflag:s19], $0x80  }
0x92: {  	[sflag:s19] =	ssyncset.done $0x0  }
0x93: {  	[sflag:s19] =	ssyncadd.s32 $0xFFFFFF80  }
0x94: {  	v0 =	vld [tilespmem:$0x80]  }
0x95: {  	v1 =	vld [tilespmem:$0x90]  }
0x96: {  	v2 =	vld [tilespmem:$0xA0]  }
0x97: {  	v7 =	vld [tilespmem:$0xF0]  }
0x98: {  	v3 =	vld [tilespmem:$0xB0]  }
0x99: {  	v4 =	vld [tilespmem:$0xC0]  }
0x9a: {  	v5 =	vld [tilespmem:$0xD0]  }
0x9b: {  	s0 =	simm.s32 $0x0;
	s2 =	simm.s32 $0x200;
	v6 =	vld [tilespmem:$0xE0]  }
.LBB2_4:
0x9c: {  	p0 =	sne.s32 s2, $0x1FE00;
	[tilespmem:s0+$0x8870] =	vst v7  }
0x9d: {  	[tilespmem:s0+$0x8800] =	vst v0  }
0x9e: {  	[tilespmem:s0+$0x8810] =	vst v1  }
.Ltmp1:
0x9f: {  	[tilespmem:s0+$0x8820] =	vst v2;
	(pc) =	sbr.rel @p0 .LBB2_4-.Ltmp1, $4  }
0xa0: {  	[tilespmem:s0+$0x8830] =	vst v3  }
0xa1: {  	[tilespmem:s0+$0x8840] =	vst v4  }
0xa2: {  	[tilespmem:s0+$0x8850] =	vst v5  }
0xa3: {  	[tilespmem:s0+$0x8860] =	vst v6;
	s0 =	sshra.s32 s2, $0x2;
	s2 =	sadd.s32 $0x200, s2  }
0xa4: {  	[tilespmem:s0+$0x8870] =	vst v7  }
0xa5: {  	[tilespmem:s0+$0x8800] =	vst v0  }
0xa6: {  	[tilespmem:s0+$0x8810] =	vst v1  }
0xa7: {  	[tilespmem:s0+$0x8820] =	vst v2  }
0xa8: {  	[tilespmem:s0+$0x8830] =	vst v3  }
0xa9: {  	[tilespmem:s0+$0x8840] =	vst v4  }
0xaa: {  	[tilespmem:s0+$0x8850] =	vst v5  }
0xab: {  	[tilespmem:s0+$0x8860] =	vst v6;
	s0 =	simm.s32 $0x0;
	s2 =	rddreg [dreg:$0xb]  }
0xac: {  	[hbm4b:s2+s0] =	stream.linear.scatter [tilespmem:s20], [sflag:$0xB], $0x8000, $0x38;
	[tilespmem:$0x10800] =	vst v63  }
0xad: {  	s2 =	rddreg [dreg:$0xc]  }
0xae: {  	[hbm4b:s2+s0] =	stream.linear.scatter [tilespmem:s20], [sflag:$0xB], $0x8000, $0x38;
	[tilespmem:$0x10800] =	vst v63  }
0xaf: {  	s2 =	rddreg [dreg:$0xd]  }
0xb0: {  	[hbm4b:s2+s0] =	stream.linear.scatter [tilespmem:s20], [sflag:$0xB], $0x8000, $0x38;
	[tilespmem:$0x10800] =	vst v63  }
0xb1: {  	s2 =	rddreg [dreg:$0xe]  }
0xb2: {  	[hbm4b:s2+s0] =	stream.linear.scatter [tilespmem:s20], [sflag:$0xB], $0x8000, $0x38;
	[tilespmem:$0x10800] =	vst v63  }
0xb3: {  	s2 =	rddreg [dreg:$0xf]  }
0xb4: {  	[hbm4b:s2+s0] =	stream.linear.scatter [tilespmem:s20], [sflag:$0xB], $0x8000, $0x38;
	[tilespmem:$0x10800] =	vst v63  }
0xb5: {  	s2 =	rddreg [dreg:$0x10]  }
0xb6: {  	[hbm4b:s2+s0] =	stream.linear.scatter [tilespmem:s20], [sflag:$0xB], $0x8000, $0x38;
	[tilespmem:$0x10800] =	vst v63  }
0xb7: {  	s2 =	rddreg [dreg:$0x11]  }
0xb8: {  	[hbm4b:s2+s0] =	stream.linear.scatter [tilespmem:s20], [sflag:$0xB], $0x8000, $0x38;
	[tilespmem:$0x10800] =	vst v63  }
0xb9: {  	s2 =	rddreg [dreg:$0x12]  }
0xba: {  	[hbm4b:s2+s0] =	stream.linear.scatter [tilespmem:s20], [sflag:$0xB], $0x8000, $0x38;
	[tilespmem:$0x10800] =	vst v63  }
0xbb: {  	_ =	swait.ge [sflag:s21], $0x8000  }
0xbc: {  	[sflag:s21] =	ssyncset.done $0x0  }
0xbd: {  	[sflag:s21] =	ssyncadd.s32 $0xFFFF8000  }
0xbe: {  	_ =	swait.ge [sflag:s21], $0x8000  }
0xbf: {  	[sflag:s21] =	ssyncset.done $0x0  }
0xc0: {  	[sflag:s21] =	ssyncadd.s32 $0xFFFF8000  }
0xc1: {  	_ =	swait.ge [sflag:s21], $0x8000  }
0xc2: {  	[sflag:s21] =	ssyncset.done $0x0  }
0xc3: {  	[sflag:s21] =	ssyncadd.s32 $0xFFFF8000  }
0xc4: {  	_ =	swait.ge [sflag:s21], $0x8000  }
0xc5: {  	[sflag:s21] =	ssyncset.done $0x0  }
0xc6: {  	[sflag:s21] =	ssyncadd.s32 $0xFFFF8000  }
0xc7: {  	_ =	swait.ge [sflag:s21], $0x8000  }
0xc8: {  	[sflag:s21] =	ssyncset.done $0x0  }
0xc9: {  	[sflag:s21] =	ssyncadd.s32 $0xFFFF8000  }
0xca: {  	_ =	swait.ge [sflag:s21], $0x8000  }
0xcb: {  	[sflag:s21] =	ssyncset.done $0x0  }
0xcc: {  	[sflag:s21] =	ssyncadd.s32 $0xFFFF8000  }
0xcd: {  	_ =	swait.ge [sflag:s21], $0x8000  }
0xce: {  	[sflag:s21] =	ssyncset.done $0x0  }
0xcf: {  	[sflag:s21] =	ssyncadd.s32 $0xFFFF8000  }
0xd0: {  	_ =	swait.ge [sflag:s21], $0x8000  }
0xd1: {  	[sflag:s21] =	ssyncset.done $0x0  }
0xd2: {  	[sflag:s21] =	ssyncadd.s32 $0xFFFF8000  }
0xd3: {  	_ =	swait.ge [sflag:s22], $0x80  }
0xd4: {  	[sflag:s22] =	ssyncset.done $0x0  }
0xd5: {  	[sflag:s22] =	ssyncadd.s32 $0xFFFFFF80  }
0xd6: {  	v0 =	vld [tilespmem:$0x100]  }
0xd7: {  	v1 =	vld [tilespmem:$0x110]  }
0xd8: {  	v2 =	vld [tilespmem:$0x120]  }
0xd9: {  	v7 =	vld [tilespmem:$0x170]  }
0xda: {  	v3 =	vld [tilespmem:$0x130]  }
0xdb: {  	v4 =	vld [tilespmem:$0x140]  }
0xdc: {  	v5 =	vld [tilespmem:$0x150]  }
0xdd: {  	s0 =	simm.s32 $0x0;
	s2 =	simm.s32 $0x200;
	v6 =	vld [tilespmem:$0x160]  }
.LBB2_6:
0xde: {  	p0 =	sne.s32 s2, $0x1FE00;
	[tilespmem:s0+$0x870] =	vst v7  }
0xdf: {  	[tilespmem:s0+$0x800] =	vst v0  }
0xe0: {  	[tilespmem:s0+$0x810] =	vst v1  }
.Ltmp2:
0xe1: {  	[tilespmem:s0+$0x820] =	vst v2;
	(pc) =	sbr.rel @p0 .LBB2_6-.Ltmp2, $4  }
0xe2: {  	[tilespmem:s0+$0x830] =	vst v3  }
0xe3: {  	[tilespmem:s0+$0x840] =	vst v4  }
0xe4: {  	[tilespmem:s0+$0x850] =	vst v5  }
0xe5: {  	[tilespmem:s0+$0x860] =	vst v6;
	s0 =	sshra.s32 s2, $0x2;
	s2 =	sadd.s32 $0x200, s2  }
0xe6: {  	[tilespmem:s0+$0x870] =	vst v7  }
0xe7: {  	[tilespmem:s0+$0x800] =	vst v0  }
0xe8: {  	[tilespmem:s0+$0x810] =	vst v1  }
0xe9: {  	[tilespmem:s0+$0x820] =	vst v2  }
0xea: {  	[tilespmem:s0+$0x830] =	vst v3  }
0xeb: {  	[tilespmem:s0+$0x840] =	vst v4  }
0xec: {  	[tilespmem:s0+$0x850] =	vst v5  }
0xed: {  	[tilespmem:s0+$0x860] =	vst v6;
	s0 =	simm.s32 $0x0;
	s2 =	rddreg [dreg:$0x13]  }
0xee: {  	[hbm4b:s2+s0] =	stream.linear.scatter [tilespmem:s18], [sflag:$0xA], $0x8000, $0x38;
	[tilespmem:$0x10800] =	vst v63  }
0xef: {  	s2 =	rddreg [dreg:$0x14]  }
0xf0: {  	[hbm4b:s2+s0] =	stream.linear.scatter [tilespmem:s18], [sflag:$0xA], $0x8000, $0x38;
	[tilespmem:$0x10800] =	vst v63  }
0xf1: {  	s2 =	rddreg [dreg:$0x15]  }
0xf2: {  	[hbm4b:s2+s0] =	stream.linear.scatter [tilespmem:s18], [sflag:$0xA], $0x8000, $0x38;
	[tilespmem:$0x10800] =	vst v63  }
0xf3: {  	s2 =	rddreg [dreg:$0x16]  }
0xf4: {  	[hbm4b:s2+s0] =	stream.linear.scatter [tilespmem:s18], [sflag:$0xA], $0x8000, $0x38;
	[tilespmem:$0x10800] =	vst v63  }
0xf5: {  	s2 =	rddreg [dreg:$0x17]  }
0xf6: {  	[hbm4b:s2+s0] =	stream.linear.scatter [tilespmem:s18], [sflag:$0xA], $0x8000, $0x38;
	[tilespmem:$0x10800] =	vst v63  }
0xf7: {  	s2 =	rddreg [dreg:$0x18]  }
0xf8: {  	[hbm4b:s2+s0] =	stream.linear.scatter [tilespmem:s18], [sflag:$0xA], $0x8000, $0x38;
	[tilespmem:$0x10800] =	vst v63  }
0xf9: {  	s2 =	rddreg [dreg:$0x19]  }
0xfa: {  	[hbm4b:s2+s0] =	stream.linear.scatter [tilespmem:s18], [sflag:$0xA], $0x8000, $0x38;
	[tilespmem:$0x10800] =	vst v63  }
0xfb: {  	s2 =	rddreg [dreg:$0x1a]  }
0xfc: {  	[hbm4b:s2+s0] =	stream.linear.scatter [tilespmem:s18], [sflag:$0xA], $0x8000, $0x38;
	[tilespmem:$0x10800] =	vst v63  }
0xfd: {  	_ =	swait.ge [sflag:s23], $0x8000  }
0xfe: {  	[sflag:s23] =	ssyncset.done $0x0  }
0xff: {  	[sflag:s23] =	ssyncadd.s32 $0xFFFF8000  }
0x100: {  	_ =	swait.ge [sflag:s23], $0x8000  }
0x101: {  	[sflag:s23] =	ssyncset.done $0x0  }
0x102: {  	[sflag:s23] =	ssyncadd.s32 $0xFFFF8000  }
0x103: {  	_ =	swait.ge [sflag:s23], $0x8000  }
0x104: {  	[sflag:s23] =	ssyncset.done $0x0  }
0x105: {  	[sflag:s23] =	ssyncadd.s32 $0xFFFF8000  }
0x106: {  	_ =	swait.ge [sflag:s23], $0x8000  }
0x107: {  	[sflag:s23] =	ssyncset.done $0x0  }
0x108: {  	[sflag:s23] =	ssyncadd.s32 $0xFFFF8000  }
0x109: {  	_ =	swait.ge [sflag:s23], $0x8000  }
0x10a: {  	[sflag:s23] =	ssyncset.done $0x0  }
0x10b: {  	[sflag:s23] =	ssyncadd.s32 $0xFFFF8000  }
0x10c: {  	_ =	swait.ge [sflag:s23], $0x8000  }
0x10d: {  	[sflag:s23] =	ssyncset.done $0x0  }
0x10e: {  	[sflag:s23] =	ssyncadd.s32 $0xFFFF8000  }
0x10f: {  	_ =	swait.ge [sflag:s23], $0x8000  }
0x110: {  	[sflag:s23] =	ssyncset.done $0x0  }
0x111: {  	[sflag:s23] =	ssyncadd.s32 $0xFFFF8000  }
0x112: {  	_ =	swait.ge [sflag:s23], $0x8000  }
0x113: {  	[sflag:s23] =	ssyncset.done $0x0  }
0x114: {  	[sflag:s23] =	ssyncadd.s32 $0xFFFF8000  }
0x115: {  	_ =	swait.ge [sflag:s24], $0x80  }
0x116: {  	[sflag:s24] =	ssyncset.done $0x0  }
0x117: {  	[sflag:s24] =	ssyncadd.s32 $0xFFFFFF80  }
0x118: {  	v0 =	vld [tilespmem:$0x180]  }
0x119: {  	v1 =	vld [tilespmem:$0x190]  }
0x11a: {  	v2 =	vld [tilespmem:$0x1A0]  }
0x11b: {  	v7 =	vld [tilespmem:$0x1F0]  }
0x11c: {  	v3 =	vld [tilespmem:$0x1B0]  }
0x11d: {  	v4 =	vld [tilespmem:$0x1C0]  }
0x11e: {  	v5 =	vld [tilespmem:$0x1D0]  }
0x11f: {  	s0 =	simm.s32 $0x0;
	s2 =	simm.s32 $0x200;
	v6 =	vld [tilespmem:$0x1E0]  }
.LBB2_8:
0x120: {  	p0 =	sne.s32 s2, $0x1FE00;
	[tilespmem:s0+$0x8870] =	vst v7  }
0x121: {  	[tilespmem:s0+$0x8800] =	vst v0  }
0x122: {  	[tilespmem:s0+$0x8810] =	vst v1  }
.Ltmp3:
0x123: {  	[tilespmem:s0+$0x8820] =	vst v2;
	(pc) =	sbr.rel @p0 .LBB2_8-.Ltmp3, $4  }
0x124: {  	[tilespmem:s0+$0x8830] =	vst v3  }
0x125: {  	[tilespmem:s0+$0x8840] =	vst v4  }
0x126: {  	[tilespmem:s0+$0x8850] =	vst v5  }
0x127: {  	[tilespmem:s0+$0x8860] =	vst v6;
	s0 =	sshra.s32 s2, $0x2;
	s2 =	sadd.s32 $0x200, s2  }
0x128: {  	[tilespmem:s0+$0x8870] =	vst v7  }
0x129: {  	[tilespmem:s0+$0x8800] =	vst v0  }
0x12a: {  	[tilespmem:s0+$0x8810] =	vst v1  }
0x12b: {  	[tilespmem:s0+$0x8820] =	vst v2  }
0x12c: {  	[tilespmem:s0+$0x8830] =	vst v3  }
0x12d: {  	[tilespmem:s0+$0x8840] =	vst v4  }
0x12e: {  	[tilespmem:s0+$0x8850] =	vst v5  }
0x12f: {  	[tilespmem:s0+$0x8860] =	vst v6;
	s0 =	simm.s32 $0x0;
	s2 =	rddreg [dreg:$0x1b]  }
0x130: {  	[hbm4b:s2+s0] =	stream.linear.scatter [tilespmem:s20], [sflag:$0xB], $0x8000, $0x38;
	[tilespmem:$0x10800] =	vst v63  }
0x131: {  	s2 =	rddreg [dreg:$0x1c]  }
0x132: {  	[hbm4b:s2+s0] =	stream.linear.scatter [tilespmem:s20], [sflag:$0xB], $0x8000, $0x38;
	[tilespmem:$0x10800] =	vst v63  }
0x133: {  	s2 =	rddreg [dreg:$0x1d]  }
0x134: {  	[hbm4b:s2+s0] =	stream.linear.scatter [tilespmem:s20], [sflag:$0xB], $0x8000, $0x38;
	[tilespmem:$0x10800] =	vst v63  }
0x135: {  	s2 =	rddreg [dreg:$0x1e]  }
0x136: {  	[hbm4b:s2+s0] =	stream.linear.scatter [tilespmem:s20], [sflag:$0xB], $0x8000, $0x38;
	[tilespmem:$0x10800] =	vst v63  }
0x137: {  	s2 =	rddreg [dreg:$0x1f]  }
0x138: {  	[hbm4b:s2+s0] =	stream.linear.scatter [tilespmem:s20], [sflag:$0xB], $0x8000, $0x38;
	[tilespmem:$0x10800] =	vst v63  }
0x139: {  	s2 =	sld [smem:$0x7DE];
	_ =	sdelay $0x2  }
0x13a: {  	[hbm4b:s2+s0] =	stream.linear.scatter [tilespmem:s20], [sflag:$0xB], $0x8000, $0x38;
	[tilespmem:$0x10800] =	vst v63  }
0x13b: {  	s2 =	sld [smem:$0x7DF];
	_ =	sdelay $0x2  }
0x13c: {  	[hbm4b:s2+s0] =	stream.linear.scatter [tilespmem:s20], [sflag:$0xB], $0x8000, $0x38;
	[tilespmem:$0x10800] =	vst v63  }
0x13d: {  	s2 =	sld [smem:$0x7E0];
	_ =	sdelay $0x2  }
0x13e: {  	[hbm4b:s2+s0] =	stream.linear.scatter [tilespmem:s20], [sflag:$0xB], $0x8000, $0x38;
	[tilespmem:$0x10800] =	vst v63  }
0x13f: {  	_ =	swait.ge [sflag:s21], $0x8000  }
0x140: {  	[sflag:s21] =	ssyncset.done $0x0  }
0x141: {  	[sflag:s21] =	ssyncadd.s32 $0xFFFF8000  }
0x142: {  	_ =	swait.ge [sflag:s21], $0x8000  }
0x143: {  	[sflag:s21] =	ssyncset.done $0x0  }
0x144: {  	[sflag:s21] =	ssyncadd.s32 $0xFFFF8000  }
0x145: {  	_ =	swait.ge [sflag:s21], $0x8000  }
0x146: {  	[sflag:s21] =	ssyncset.done $0x0  }
0x147: {  	[sflag:s21] =	ssyncadd.s32 $0xFFFF8000  }
0x148: {  	_ =	swait.ge [sflag:s21], $0x8000  }
0x149: {  	[sflag:s21] =	ssyncset.done $0x0  }
0x14a: {  	[sflag:s21] =	ssyncadd.s32 $0xFFFF8000  }
0x14b: {  	_ =	swait.ge [sflag:s21], $0x8000  }
0x14c: {  	[sflag:s21] =	ssyncset.done $0x0  }
0x14d: {  	[sflag:s21] =	ssyncadd.s32 $0xFFFF8000  }
0x14e: {  	_ =	swait.ge [sflag:s21], $0x8000  }
0x14f: {  	[sflag:s21] =	ssyncset.done $0x0  }
0x150: {  	[sflag:s21] =	ssyncadd.s32 $0xFFFF8000  }
0x151: {  	_ =	swait.ge [sflag:s21], $0x8000  }
0x152: {  	[sflag:s21] =	ssyncset.done $0x0  }
0x153: {  	[sflag:s21] =	ssyncadd.s32 $0xFFFF8000  }
0x154: {  	_ =	swait.ge [sflag:s21], $0x8000  }
0x155: {  	[sflag:s21] =	ssyncset.done $0x0  }
0x156: {  	[sflag:s21] =	ssyncadd.s32 $0xFFFF8000  }
0x157: {  	_ =	swait.ge [sflag:s25], $0x80  }
0x158: {  	[sflag:s25] =	ssyncset.done $0x0  }
0x159: {  	[sflag:s25] =	ssyncadd.s32 $0xFFFFFF80  }
0x15a: {  	v0 =	vld [tilespmem:$0x200]  }
0x15b: {  	v1 =	vld [tilespmem:$0x210]  }
0x15c: {  	v2 =	vld [tilespmem:$0x220]  }
0x15d: {  	v7 =	vld [tilespmem:$0x270]  }
0x15e: {  	v3 =	vld [tilespmem:$0x230]  }
0x15f: {  	v4 =	vld [tilespmem:$0x240]  }
0x160: {  	v5 =	vld [tilespmem:$0x250]  }
0x161: {  	s0 =	simm.s32 $0x0;
	s2 =	simm.s32 $0x200;
	v6 =	vld [tilespmem:$0x260]  }
.LBB2_10:
0x162: {  	p0 =	sne.s32 s2, $0x1FE00;
	[tilespmem:s0+$0x870] =	vst v7  }
0x163: {  	[tilespmem:s0+$0x800] =	vst v0  }
0x164: {  	[tilespmem:s0+$0x810] =	vst v1  }
.Ltmp4:
0x165: {  	[tilespmem:s0+$0x820] =	vst v2;
	(pc) =	sbr.rel @p0 .LBB2_10-.Ltmp4, $4  }
0x166: {  	[tilespmem:s0+$0x830] =	vst v3  }
0x167: {  	[tilespmem:s0+$0x840] =	vst v4  }
0x168: {  	[tilespmem:s0+$0x850] =	vst v5  }
0x169: {  	[tilespmem:s0+$0x860] =	vst v6;
	s0 =	sshra.s32 s2, $0x2;
	s2 =	sadd.s32 $0x200, s2  }
0x16a: {  	[tilespmem:s0+$0x870] =	vst v7  }
0x16b: {  	[tilespmem:s0+$0x800] =	vst v0  }
0x16c: {  	[tilespmem:s0+$0x810] =	vst v1  }
0x16d: {  	[tilespmem:s0+$0x820] =	vst v2  }
0x16e: {  	[tilespmem:s0+$0x830] =	vst v3  }
0x16f: {  	[tilespmem:s0+$0x840] =	vst v4;
	s2 =	sld [smem:$0x7E1]  }
0x170: {  	[tilespmem:s0+$0x850] =	vst v5  }
0x171: {  	[tilespmem:s0+$0x860] =	vst v6;
	s0 =	simm.s32 $0x0  }
0x172: {  	[hbm4b:s2+s0] =	stream.linear.scatter [tilespmem:s18], [sflag:$0xA], $0x8000, $0x38;
	[tilespmem:$0x10800] =	vst v63  }
0x173: {  	s2 =	sld [smem:$0x7E2];
	_ =	sdelay $0x2  }
0x174: {  	[hbm4b:s2+s0] =	stream.linear.scatter [tilespmem:s18], [sflag:$0xA], $0x8000, $0x38;
	[tilespmem:$0x10800] =	vst v63  }
0x175: {  	s2 =	sld [smem:$0x7E3];
	_ =	sdelay $0x2  }
0x176: {  	[hbm4b:s2+s0] =	stream.linear.scatter [tilespmem:s18], [sflag:$0xA], $0x8000, $0x38;
	[tilespmem:$0x10800] =	vst v63  }
0x177: {  	s2 =	sld [smem:$0x7E4];
	_ =	sdelay $0x2  }
0x178: {  	[hbm4b:s2+s0] =	stream.linear.scatter [tilespmem:s18], [sflag:$0xA], $0x8000, $0x38;
	[tilespmem:$0x10800] =	vst v63  }
0x179: {  	s2 =	sld [smem:$0x7E5];
	_ =	sdelay $0x2  }
0x17a: {  	[hbm4b:s2+s0] =	stream.linear.scatter [tilespmem:s18], [sflag:$0xA], $0x8000, $0x38;
	[tilespmem:$0x10800] =	vst v63  }
0x17b: {  	s2 =	sld [smem:$0x7E6];
	_ =	sdelay $0x2  }
0x17c: {  	[hbm4b:s2+s0] =	stream.linear.scatter [tilespmem:s18], [sflag:$0xA], $0x8000, $0x38;
	[tilespmem:$0x10800] =	vst v63  }
0x17d: {  	s2 =	sld [smem:$0x7E7];
	_ =	sdelay $0x2  }
0x17e: {  	[hbm4b:s2+s0] =	stream.linear.scatter [tilespmem:s18], [sflag:$0xA], $0x8000, $0x38;
	[tilespmem:$0x10800] =	vst v63  }
0x17f: {  	s2 =	sld [smem:$0x7E8];
	_ =	sdelay $0x2  }
0x180: {  	[hbm4b:s2+s0] =	stream.linear.scatter [tilespmem:s18], [sflag:$0xA], $0x8000, $0x38;
	[tilespmem:$0x10800] =	vst v63  }
0x181: {  	_ =	swait.ge [sflag:s23], $0x8000  }
0x182: {  	[sflag:s23] =	ssyncset.done $0x0  }
0x183: {  	[sflag:s23] =	ssyncadd.s32 $0xFFFF8000  }
0x184: {  	_ =	swait.ge [sflag:s23], $0x8000  }
0x185: {  	[sflag:s23] =	ssyncset.done $0x0  }
0x186: {  	[sflag:s23] =	ssyncadd.s32 $0xFFFF8000  }
0x187: {  	_ =	swait.ge [sflag:s23], $0x8000  }
0x188: {  	[sflag:s23] =	ssyncset.done $0x0  }
0x189: {  	[sflag:s23] =	ssyncadd.s32 $0xFFFF8000  }
0x18a: {  	_ =	swait.ge [sflag:s23], $0x8000  }
0x18b: {  	[sflag:s23] =	ssyncset.done $0x0  }
0x18c: {  	[sflag:s23] =	ssyncadd.s32 $0xFFFF8000  }
0x18d: {  	_ =	swait.ge [sflag:s23], $0x8000  }
0x18e: {  	[sflag:s23] =	ssyncset.done $0x0  }
0x18f: {  	[sflag:s23] =	ssyncadd.s32 $0xFFFF8000  }
0x190: {  	_ =	swait.ge [sflag:s23], $0x8000  }
0x191: {  	[sflag:s23] =	ssyncset.done $0x0  }
0x192: {  	[sflag:s23] =	ssyncadd.s32 $0xFFFF8000  }
0x193: {  	_ =	swait.ge [sflag:s23], $0x8000  }
0x194: {  	[sflag:s23] =	ssyncset.done $0x0  }
0x195: {  	[sflag:s23] =	ssyncadd.s32 $0xFFFF8000  }
0x196: {  	_ =	swait.ge [sflag:s23], $0x8000  }
0x197: {  	[sflag:s23] =	ssyncset.done $0x0  }
0x198: {  	[sflag:s23] =	ssyncadd.s32 $0xFFFF8000  }
0x199: {  	_ =	swait.ge [sflag:s26], $0x80  }
0x19a: {  	[sflag:s26] =	ssyncset.done $0x0  }
0x19b: {  	[sflag:s26] =	ssyncadd.s32 $0xFFFFFF80  }
0x19c: {  	v0 =	vld [tilespmem:$0x280]  }
0x19d: {  	v1 =	vld [tilespmem:$0x290]  }
0x19e: {  	v2 =	vld [tilespmem:$0x2A0]  }
0x19f: {  	v7 =	vld [tilespmem:$0x2F0]  }
0x1a0: {  	v3 =	vld [tilespmem:$0x2B0]  }
0x1a1: {  	v4 =	vld [tilespmem:$0x2C0]  }
0x1a2: {  	v5 =	vld [tilespmem:$0x2D0]  }
0x1a3: {  	s0 =	simm.s32 $0x0;
	s2 =	simm.s32 $0x200;
	v6 =	vld [tilespmem:$0x2E0]  }
.LBB2_12:
0x1a4: {  	p0 =	sne.s32 s2, $0x1FE00;
	[tilespmem:s0+$0x8870] =	vst v7  }
0x1a5: {  	[tilespmem:s0+$0x8800] =	vst v0  }
0x1a6: {  	[tilespmem:s0+$0x8810] =	vst v1  }
.Ltmp5:
0x1a7: {  	[tilespmem:s0+$0x8820] =	vst v2;
	(pc) =	sbr.rel @p0 .LBB2_12-.Ltmp5, $4  }
0x1a8: {  	[tilespmem:s0+$0x8830] =	vst v3  }
0x1a9: {  	[tilespmem:s0+$0x8840] =	vst v4  }
0x1aa: {  	[tilespmem:s0+$0x8850] =	vst v5  }
0x1ab: {  	[tilespmem:s0+$0x8860] =	vst v6;
	s0 =	sshra.s32 s2, $0x2;
	s2 =	sadd.s32 $0x200, s2  }
0x1ac: {  	[tilespmem:s0+$0x8870] =	vst v7  }
0x1ad: {  	[tilespmem:s0+$0x8800] =	vst v0  }
0x1ae: {  	[tilespmem:s0+$0x8810] =	vst v1  }
0x1af: {  	[tilespmem:s0+$0x8820] =	vst v2  }
0x1b0: {  	[tilespmem:s0+$0x8830] =	vst v3  }
0x1b1: {  	[tilespmem:s0+$0x8840] =	vst v4;
	s2 =	sld [smem:$0x7E9]  }
0x1b2: {  	[tilespmem:s0+$0x8850] =	vst v5  }
0x1b3: {  	[tilespmem:s0+$0x8860] =	vst v6;
	s0 =	simm.s32 $0x0  }
0x1b4: {  	[hbm4b:s2+s0] =	stream.linear.scatter [tilespmem:s20], [sflag:$0xB], $0x8000, $0x38;
	[tilespmem:$0x10800] =	vst v63  }
0x1b5: {  	s2 =	sld [smem:$0x7EA];
	_ =	sdelay $0x2  }
0x1b6: {  	[hbm4b:s2+s0] =	stream.linear.scatter [tilespmem:s20], [sflag:$0xB], $0x8000, $0x38;
	[tilespmem:$0x10800] =	vst v63  }
0x1b7: {  	s2 =	sld [smem:$0x7EB];
	_ =	sdelay $0x2  }
0x1b8: {  	[hbm4b:s2+s0] =	stream.linear.scatter [tilespmem:s20], [sflag:$0xB], $0x8000, $0x38;
	[tilespmem:$0x10800] =	vst v63  }
0x1b9: {  	s2 =	sld [smem:$0x7EC];
	_ =	sdelay $0x2  }
0x1ba: {  	[hbm4b:s2+s0] =	stream.linear.scatter [tilespmem:s20], [sflag:$0xB], $0x8000, $0x38;
	[tilespmem:$0x10800] =	vst v63  }
0x1bb: {  	s2 =	sld [smem:$0x7ED];
	_ =	sdelay $0x2  }
0x1bc: {  	[hbm4b:s2+s0] =	stream.linear.scatter [tilespmem:s20], [sflag:$0xB], $0x8000, $0x38;
	[tilespmem:$0x10800] =	vst v63  }
0x1bd: {  	s2 =	sld [smem:$0x7EE];
	_ =	sdelay $0x2  }
0x1be: {  	[hbm4b:s2+s0] =	stream.linear.scatter [tilespmem:s20], [sflag:$0xB], $0x8000, $0x38;
	[tilespmem:$0x10800] =	vst v63  }
0x1bf: {  	s2 =	sld [smem:$0x7EF];
	_ =	sdelay $0x2  }
0x1c0: {  	[hbm4b:s2+s0] =	stream.linear.scatter [tilespmem:s20], [sflag:$0xB], $0x8000, $0x38;
	[tilespmem:$0x10800] =	vst v63  }
0x1c1: {  	s2 =	sld [smem:$0x7F0];
	_ =	sdelay $0x2  }
0x1c2: {  	[hbm4b:s2+s0] =	stream.linear.scatter [tilespmem:s20], [sflag:$0xB], $0x8000, $0x38;
	[tilespmem:$0x10800] =	vst v63  }
0x1c3: {  	_ =	swait.ge [sflag:s21], $0x8000  }
0x1c4: {  	[sflag:s21] =	ssyncset.done $0x0  }
0x1c5: {  	[sflag:s21] =	ssyncadd.s32 $0xFFFF8000  }
0x1c6: {  	_ =	swait.ge [sflag:s21], $0x8000  }
0x1c7: {  	[sflag:s21] =	ssyncset.done $0x0  }
0x1c8: {  	[sflag:s21] =	ssyncadd.s32 $0xFFFF8000  }
0x1c9: {  	_ =	swait.ge [sflag:s21], $0x8000  }
0x1ca: {  	[sflag:s21] =	ssyncset.done $0x0  }
0x1cb: {  	[sflag:s21] =	ssyncadd.s32 $0xFFFF8000  }
0x1cc: {  	_ =	swait.ge [sflag:s21], $0x8000  }
0x1cd: {  	[sflag:s21] =	ssyncset.done $0x0  }
0x1ce: {  	[sflag:s21] =	ssyncadd.s32 $0xFFFF8000  }
0x1cf: {  	_ =	swait.ge [sflag:s21], $0x8000  }
0x1d0: {  	[sflag:s21] =	ssyncset.done $0x0  }
0x1d1: {  	[sflag:s21] =	ssyncadd.s32 $0xFFFF8000  }
0x1d2: {  	_ =	swait.ge [sflag:s21], $0x8000  }
0x1d3: {  	[sflag:s21] =	ssyncset.done $0x0  }
0x1d4: {  	[sflag:s21] =	ssyncadd.s32 $0xFFFF8000  }
0x1d5: {  	_ =	swait.ge [sflag:s21], $0x8000  }
0x1d6: {  	[sflag:s21] =	ssyncset.done $0x0  }
0x1d7: {  	[sflag:s21] =	ssyncadd.s32 $0xFFFF8000  }
0x1d8: {  	_ =	swait.ge [sflag:s21], $0x8000  }
0x1d9: {  	[sflag:s21] =	ssyncset.done $0x0  }
0x1da: {  	[sflag:s21] =	ssyncadd.s32 $0xFFFF8000  }
0x1db: {  	_ =	swait.ge [sflag:s28], $0x80  }
0x1dc: {  	[sflag:s28] =	ssyncset.done $0x0  }
0x1dd: {  	[sflag:s28] =	ssyncadd.s32 $0xFFFFFF80  }
0x1de: {  	v0 =	vld [tilespmem:$0x300]  }
0x1df: {  	v1 =	vld [tilespmem:$0x310]  }
0x1e0: {  	v2 =	vld [tilespmem:$0x320]  }
0x1e1: {  	v7 =	vld [tilespmem:$0x370]  }
0x1e2: {  	v3 =	vld [tilespmem:$0x330]  }
0x1e3: {  	v4 =	vld [tilespmem:$0x340]  }
0x1e4: {  	v5 =	vld [tilespmem:$0x350]  }
0x1e5: {  	s0 =	simm.s32 $0x0;
	s2 =	simm.s32 $0x200;
	v6 =	vld [tilespmem:$0x360]  }
.LBB2_14:
0x1e6: {  	p0 =	sne.s32 s2, $0x1FE00;
	[tilespmem:s0+$0x870] =	vst v7  }
0x1e7: {  	[tilespmem:s0+$0x800] =	vst v0  }
0x1e8: {  	[tilespmem:s0+$0x810] =	vst v1  }
.Ltmp6:
0x1e9: {  	[tilespmem:s0+$0x820] =	vst v2;
	(pc) =	sbr.rel @p0 .LBB2_14-.Ltmp6, $4  }
0x1ea: {  	[tilespmem:s0+$0x830] =	vst v3  }
0x1eb: {  	[tilespmem:s0+$0x840] =	vst v4  }
0x1ec: {  	[tilespmem:s0+$0x850] =	vst v5  }
0x1ed: {  	[tilespmem:s0+$0x860] =	vst v6;
	s0 =	sshra.s32 s2, $0x2;
	s2 =	sadd.s32 $0x200, s2  }
0x1ee: {  	[tilespmem:s0+$0x870] =	vst v7  }
0x1ef: {  	[tilespmem:s0+$0x800] =	vst v0  }
0x1f0: {  	[tilespmem:s0+$0x810] =	vst v1  }
0x1f1: {  	[tilespmem:s0+$0x820] =	vst v2  }
0x1f2: {  	[tilespmem:s0+$0x830] =	vst v3  }
0x1f3: {  	[tilespmem:s0+$0x840] =	vst v4;
	s2 =	sld [smem:$0x7F1]  }
0x1f4: {  	[tilespmem:s0+$0x850] =	vst v5  }
0x1f5: {  	[tilespmem:s0+$0x860] =	vst v6;
	s0 =	simm.s32 $0x0  }
0x1f6: {  	[hbm4b:s2+s0] =	stream.linear.scatter [tilespmem:s18], [sflag:$0xA], $0x8000, $0x38;
	[tilespmem:$0x10800] =	vst v63  }
0x1f7: {  	s2 =	sld [smem:$0x7F2];
	_ =	sdelay $0x2  }
0x1f8: {  	[hbm4b:s2+s0] =	stream.linear.scatter [tilespmem:s18], [sflag:$0xA], $0x8000, $0x38;
	[tilespmem:$0x10800] =	vst v63  }
0x1f9: {  	s2 =	sld [smem:$0x7F3];
	_ =	sdelay $0x2  }
0x1fa: {  	[hbm4b:s2+s0] =	stream.linear.scatter [tilespmem:s18], [sflag:$0xA], $0x8000, $0x38;
	[tilespmem:$0x10800] =	vst v63  }
0x1fb: {  	s2 =	sld [smem:$0x7F4];
	_ =	sdelay $0x2  }
0x1fc: {  	[hbm4b:s2+s0] =	stream.linear.scatter [tilespmem:s18], [sflag:$0xA], $0x8000, $0x38;
	[tilespmem:$0x10800] =	vst v63  }
0x1fd: {  	s2 =	sld [smem:$0x7F5];
	_ =	sdelay $0x2  }
0x1fe: {  	[hbm4b:s2+s0] =	stream.linear.scatter [tilespmem:s18], [sflag:$0xA], $0x8000, $0x38;
	[tilespmem:$0x10800] =	vst v63  }
0x1ff: {  	s2 =	sld [smem:$0x7F6];
	_ =	sdelay $0x2  }
0x200: {  	[hbm4b:s2+s0] =	stream.linear.scatter [tilespmem:s18], [sflag:$0xA], $0x8000, $0x38;
	[tilespmem:$0x10800] =	vst v63  }
0x201: {  	s2 =	sld [smem:$0x7F7];
	_ =	sdelay $0x2  }
0x202: {  	[hbm4b:s2+s0] =	stream.linear.scatter [tilespmem:s18], [sflag:$0xA], $0x8000, $0x38;
	[tilespmem:$0x10800] =	vst v63  }
0x203: {  	s2 =	sld [smem:$0x7F8];
	_ =	sdelay $0x2  }
0x204: {  	[hbm4b:s2+s0] =	stream.linear.scatter [tilespmem:s18], [sflag:$0xA], $0x8000, $0x38;
	[tilespmem:$0x10800] =	vst v63  }
0x205: {  	_ =	swait.ge [sflag:s23], $0x8000  }
0x206: {  	[sflag:s23] =	ssyncset.done $0x0  }
0x207: {  	[sflag:s23] =	ssyncadd.s32 $0xFFFF8000  }
0x208: {  	_ =	swait.ge [sflag:s23], $0x8000  }
0x209: {  	[sflag:s23] =	ssyncset.done $0x0  }
0x20a: {  	[sflag:s23] =	ssyncadd.s32 $0xFFFF8000  }
0x20b: {  	_ =	swait.ge [sflag:s23], $0x8000  }
0x20c: {  	[sflag:s23] =	ssyncset.done $0x0  }
0x20d: {  	[sflag:s23] =	ssyncadd.s32 $0xFFFF8000  }
0x20e: {  	_ =	swait.ge [sflag:s23], $0x8000  }
0x20f: {  	[sflag:s23] =	ssyncset.done $0x0  }
0x210: {  	[sflag:s23] =	ssyncadd.s32 $0xFFFF8000  }
0x211: {  	_ =	swait.ge [sflag:s23], $0x8000  }
0x212: {  	[sflag:s23] =	ssyncset.done $0x0  }
0x213: {  	[sflag:s23] =	ssyncadd.s32 $0xFFFF8000  }
0x214: {  	_ =	swait.ge [sflag:s23], $0x8000  }
0x215: {  	[sflag:s23] =	ssyncset.done $0x0  }
0x216: {  	[sflag:s23] =	ssyncadd.s32 $0xFFFF8000  }
0x217: {  	_ =	swait.ge [sflag:s23], $0x8000  }
0x218: {  	[sflag:s23] =	ssyncset.done $0x0  }
0x219: {  	[sflag:s23] =	ssyncadd.s32 $0xFFFF8000  }
0x21a: {  	_ =	swait.ge [sflag:s23], $0x8000  }
0x21b: {  	[sflag:s23] =	ssyncset.done $0x0  }
0x21c: {  	[sflag:s23] =	ssyncadd.s32 $0xFFFF8000  }
0x21d: {  	_ =	swait.ge [sflag:s29], $0x80  }
0x21e: {  	[sflag:s29] =	ssyncset.done $0x0  }
0x21f: {  	[sflag:s29] =	ssyncadd.s32 $0xFFFFFF80  }
0x220: {  	v0 =	vld [tilespmem:$0x380]  }
0x221: {  	v1 =	vld [tilespmem:$0x390]  }
0x222: {  	v2 =	vld [tilespmem:$0x3A0]  }
0x223: {  	v7 =	vld [tilespmem:$0x3F0]  }
0x224: {  	v3 =	vld [tilespmem:$0x3B0]  }
0x225: {  	v4 =	vld [tilespmem:$0x3C0]  }
0x226: {  	v5 =	vld [tilespmem:$0x3D0]  }
0x227: {  	s0 =	simm.s32 $0x0;
	s2 =	simm.s32 $0x200;
	v6 =	vld [tilespmem:$0x3E0]  }
.LBB2_16:
0x228: {  	p0 =	sne.s32 s2, $0x1FE00;
	[tilespmem:s0+$0x8870] =	vst v7  }
0x229: {  	[tilespmem:s0+$0x8800] =	vst v0  }
0x22a: {  	[tilespmem:s0+$0x8810] =	vst v1  }
.Ltmp7:
0x22b: {  	[tilespmem:s0+$0x8820] =	vst v2;
	(pc) =	sbr.rel @p0 .LBB2_16-.Ltmp7, $4  }
0x22c: {  	[tilespmem:s0+$0x8830] =	vst v3  }
0x22d: {  	[tilespmem:s0+$0x8840] =	vst v4  }
0x22e: {  	[tilespmem:s0+$0x8850] =	vst v5  }
0x22f: {  	[tilespmem:s0+$0x8860] =	vst v6;
	s0 =	sshra.s32 s2, $0x2;
	s2 =	sadd.s32 $0x200, s2  }
0x230: {  	[tilespmem:s0+$0x8870] =	vst v7  }
0x231: {  	[tilespmem:s0+$0x8800] =	vst v0  }
0x232: {  	[tilespmem:s0+$0x8810] =	vst v1  }
0x233: {  	[tilespmem:s0+$0x8820] =	vst v2  }
0x234: {  	[tilespmem:s0+$0x8830] =	vst v3  }
0x235: {  	[tilespmem:s0+$0x8840] =	vst v4  }
0x236: {  	[tilespmem:s0+$0x8850] =	vst v5  }
0x237: {  	[tilespmem:s0+$0x8860] =	vst v6;
	s0 =	simm.s32 $0x0;
	s2 =	sld [smem:$0x7F9]  }
0x238: {  	[hbm4b:s5+s0] =	stream.linear.scatter [tilespmem:s20], [sflag:$0xB], $0x8000, $0x38;
	[tilespmem:$0x10800] =	vst v63  }
0x239: {  	_ = 	snop  }
0x23a: {  	[hbm4b:s2+s0] =	stream.linear.scatter [tilespmem:s20], [sflag:$0xB], $0x8000, $0x38;
	[tilespmem:$0x10800] =	vst v63  }
0x23b: {  	s2 =	sld [smem:$0x7FA];
	_ =	sdelay $0x2  }
0x23c: {  	[hbm4b:s2+s0] =	stream.linear.scatter [tilespmem:s20], [sflag:$0xB], $0x8000, $0x38;
	[tilespmem:$0x10800] =	vst v63  }
0x23d: {  	s2 =	sld [smem:$0x7FB];
	_ =	sdelay $0x2  }
0x23e: {  	[hbm4b:s2+s0] =	stream.linear.scatter [tilespmem:s20], [sflag:$0xB], $0x8000, $0x38;
	[tilespmem:$0x10800] =	vst v63  }
0x23f: {  	s2 =	sld [smem:$0x7FC];
	_ =	sdelay $0x2  }
0x240: {  	[hbm4b:s2+s0] =	stream.linear.scatter [tilespmem:s20], [sflag:$0xB], $0x8000, $0x38;
	[tilespmem:$0x10800] =	vst v63  }
0x241: {  	s2 =	sld [smem:$0x7FD];
	_ =	sdelay $0x2  }
0x242: {  	[hbm4b:s2+s0] =	stream.linear.scatter [tilespmem:s20], [sflag:$0xB], $0x8000, $0x38;
	[tilespmem:$0x10800] =	vst v63  }
0x243: {  	_ = 	snop  }
0x244: {  	[hbm4b:s3+s0] =	stream.linear.scatter [tilespmem:s20], [sflag:$0xB], $0x8000, $0x38;
	[tilespmem:$0x10800] =	vst v63  }
0x245: {  	_ = 	snop  }
0x246: {  	[hbm4b:s4+s0] =	stream.linear.scatter [tilespmem:s20], [sflag:$0xB], $0x8000, $0x38;
	[tilespmem:$0x10800] =	vst v63  }
0x247: {  	_ =	swait.ge [sflag:s21], $0x8000  }
0x248: {  	[sflag:s21] =	ssyncset.done $0x0  }
0x249: {  	[sflag:s21] =	ssyncadd.s32 $0xFFFF8000  }
0x24a: {  	_ =	swait.ge [sflag:s21], $0x8000  }
0x24b: {  	[sflag:s21] =	ssyncset.done $0x0  }
0x24c: {  	[sflag:s21] =	ssyncadd.s32 $0xFFFF8000  }
0x24d: {  	_ =	swait.ge [sflag:s21], $0x8000  }
0x24e: {  	[sflag:s21] =	ssyncset.done $0x0  }
0x24f: {  	[sflag:s21] =	ssyncadd.s32 $0xFFFF8000  }
0x250: {  	_ =	swait.ge [sflag:s21], $0x8000  }
0x251: {  	[sflag:s21] =	ssyncset.done $0x0  }
0x252: {  	[sflag:s21] =	ssyncadd.s32 $0xFFFF8000  }
0x253: {  	_ =	swait.ge [sflag:s21], $0x8000  }
0x254: {  	[sflag:s21] =	ssyncset.done $0x0  }
0x255: {  	[sflag:s21] =	ssyncadd.s32 $0xFFFF8000  }
0x256: {  	_ =	swait.ge [sflag:s21], $0x8000  }
0x257: {  	[sflag:s21] =	ssyncset.done $0x0  }
0x258: {  	[sflag:s21] =	ssyncadd.s32 $0xFFFF8000  }
0x259: {  	_ =	swait.ge [sflag:s21], $0x8000  }
0x25a: {  	[sflag:s21] =	ssyncset.done $0x0  }
0x25b: {  	[sflag:s21] =	ssyncadd.s32 $0xFFFF8000  }
0x25c: {  	_ =	swait.ge [sflag:s21], $0x8000  }
0x25d: {  	[sflag:s21] =	ssyncset.done $0x0  }
0x25e: {  	[sflag:s21] =	ssyncadd.s32 $0xFFFF8000  }
0x25f: {  	_ =	swait.ge [sflag:s30], $0x80  }
0x260: {  	[sflag:s30] =	ssyncset.done $0x0  }
0x261: {  	[sflag:s30] =	ssyncadd.s32 $0xFFFFFF80  }
0x262: {  	v0 =	vld [tilespmem:$0x400]  }
0x263: {  	v1 =	vld [tilespmem:$0x410]  }
0x264: {  	v2 =	vld [tilespmem:$0x420]  }
0x265: {  	v7 =	vld [tilespmem:$0x470]  }
0x266: {  	v3 =	vld [tilespmem:$0x430]  }
0x267: {  	v4 =	vld [tilespmem:$0x440]  }
0x268: {  	v5 =	vld [tilespmem:$0x450]  }
0x269: {  	s2 =	simm.s32 $0x200;
	s0 =	simm.s32 $0x0;
	v6 =	vld [tilespmem:$0x460]  }
.LBB2_18:
0x26a: {  	p0 =	sne.s32 s2, $0x7E00;
	[tilespmem:s0+$0x870] =	vst v7  }
0x26b: {  	[tilespmem:s0+$0x800] =	vst v0  }
0x26c: {  	[tilespmem:s0+$0x810] =	vst v1  }
.Ltmp8:
0x26d: {  	[tilespmem:s0+$0x820] =	vst v2;
	(pc) =	sbr.rel @p0 .LBB2_18-.Ltmp8, $4  }
0x26e: {  	[tilespmem:s0+$0x830] =	vst v3  }
0x26f: {  	[tilespmem:s0+$0x840] =	vst v4  }
0x270: {  	[tilespmem:s0+$0x850] =	vst v5  }
0x271: {  	[tilespmem:s0+$0x860] =	vst v6;
	s0 =	sshra.s32 s2, $0x2;
	s2 =	sadd.s32 $0x200, s2  }
0x272: {  	[tilespmem:s0+$0x870] =	vst v7  }
0x273: {  	[tilespmem:s0+$0x800] =	vst v0  }
0x274: {  	[tilespmem:s0+$0x810] =	vst v1  }
0x275: {  	[tilespmem:s0+$0x820] =	vst v2  }
0x276: {  	[tilespmem:s0+$0x830] =	vst v3  }
0x277: {  	[tilespmem:s0+$0x840] =	vst v4  }
0x278: {  	[tilespmem:s0+$0x850] =	vst v5  }
0x279: {  	[tilespmem:s0+$0x860] =	vst v6  }
0x27a: {  	[hbm4b:s15+s1] =	stream.linear.scatter [tilespmem:s18], [sflag:$0xA], $0x2000, $0x38;
	[tilespmem:$0x10800] =	vst v63  }
0x27b: {  	_ =	swait.ge [sflag:s23], $0x8000  }
0x27c: {  	[sflag:s23] =	ssyncset.done $0x0  }
0x27d: {  	[sflag:s23] =	ssyncadd.s32 $0xFFFF8000  }
0x27e: {  	_ =	swait.ge [sflag:s23], $0x8000  }
0x27f: {  	[sflag:s23] =	ssyncset.done $0x0  }
0x280: {  	[sflag:s23] =	ssyncadd.s32 $0xFFFF8000  }
0x281: {  	_ =	swait.ge [sflag:s23], $0x8000  }
0x282: {  	[sflag:s23] =	ssyncset.done $0x0  }
0x283: {  	[sflag:s23] =	ssyncadd.s32 $0xFFFF8000  }
0x284: {  	_ =	swait.ge [sflag:s23], $0x8000  }
0x285: {  	[sflag:s23] =	ssyncset.done $0x0  }
0x286: {  	[sflag:s23] =	ssyncadd.s32 $0xFFFF8000  }
0x287: {  	_ =	swait.ge [sflag:s23], $0x8000  }
0x288: {  	[sflag:s23] =	ssyncset.done $0x0  }
0x289: {  	[sflag:s23] =	ssyncadd.s32 $0xFFFF8000  }
0x28a: {  	_ =	swait.ge [sflag:s23], $0x8000  }
0x28b: {  	[sflag:s23] =	ssyncset.done $0x0  }
0x28c: {  	[sflag:s23] =	ssyncadd.s32 $0xFFFF8000  }
0x28d: {  	_ =	swait.ge [sflag:s23], $0x8000  }
0x28e: {  	[sflag:s23] =	ssyncset.done $0x0  }
0x28f: {  	s31 =	sadd.s32 $0x1, s31;
	[sflag:s23] =	ssyncadd.s32 $0xFFFF8000  }
0x290: {  	p0 =	sne.s32 s31, s16;
	_ =	swait.ge [sflag:s23], $0x8000  }
.Ltmp9:
0x291: {  	[sflag:s23] =	ssyncset.done $0x0;
	(pc) =	sbr.rel @p0 .LBB2_1-.Ltmp9, $4  }
0x292: {  	[sflag:s23] =	ssyncadd.s32 $0xFFFF8000  }
0x293: {  	_ =	swait.ge [sflag:s21], $0x2000  }
0x294: {  	[sflag:s21] =	ssyncset.done $0x0  }
0x295: {  	[sflag:s21] =	ssyncadd.s32 $0xFFFFE000  }
0x296: {  	_ =	sfence.sel $0x180000  }
0x297: {  	[bflag:$0x0] =	sbarrier.arrive $0xFFFF  }
0x298: {  	_ =	strace $0x90000047  }
0x299: {  	s0 =	stileid.u32;
	[bflag:$0x2] =	sbarrier.arrive $0xFFFF  }
0x29a: {  	p0 =	sne.s32 s0, $0x0;
	s0 =	rddreg [dreg:$0x2]  }
0x29b: {  	s0 =	sadd.s32 @!p0 $0x100000, s0  }
0x29c: {  	[sflag:s0] =	ssyncadd.tile.s32 @!p0 $0x1;
	_ =	shalt  }
.Lfunc_end2:
_tile_overlayer_lowered:
.L_overlay_start_2:
0x29d: {  	(tag) =	ssettag $0x2  }
0x29e: {  	s0 =	rddreg [dreg:$0x0];
	s2 =	stileid.u32  }
0x29f: {  	s1 =	rddreg [dreg:$0x1];
	p0 =	sne.s32 s2, $0x0  }
0x2a0: {  	s3 =	rddreg [dreg:$0x2];
	[bflag:$0x3] =	sbarrier.arrive $0xFFFF;
	s2 =	simm.s32 @!p0 $0x1C0C  }
0x2a1: {  	[timem:s3], [sflag:s2] =	dma.local @!p0 [hbm:s0], s1  }
0x2a2: {  	s0 =	simm.s32 @!p0 $0xC  }
0x2a3: {  	_ =	swait.ge @!p0 [sflag:s0], s1  }
0x2a4: {  	s1 =	ssub.s32 @!p0 $0x0, s1;
	[sflag:s0] =	ssyncset.done @!p0 $0x0  }
0x2a5: {  	[sflag:s0] =	ssyncadd.s32 @!p0 s1  }
0x2a6: {  	[bflag:$0x3] =	sbarrier.arrive $0xFFFF  }
0x2a7: {  	_ =	shalt  }

</sc_bundles>
